<compile_context>
chip_gen: v7x
topology: tpu7x:2x2x1
jax: 0.10.2.dev20260603
libtpu: 0.0.44.dev20260713+nightly
codegen_flags: <defaults>
</compile_context>

<pallas_src>
import jax
import jax.numpy as jnp
from jax import lax
from jax.experimental import pallas as pl
from jax.experimental.pallas import tpu as pltpu
from jax.experimental.pallas import tpu_sc as plsc

N = 10000
E = 320000
D = 128

NC = 2
NS = 16
L = 16
NW = NC * NS

N_PAD = 10240
NTILE = N_PAD // NS
PADNODE = N_PAD - 1
C = 64
SR = 32
BLK_E = SR * C
NBLK = 160
E_PAD = NBLK * BLK_E
DEG_BPT = NBLK // NS
AGG_BPT = NBLK // NW
CH_AGG = AGG_BPT * SR
NBUF = 3


def _rsqrt16(x):
    i = lax.bitcast_convert_type(x, jnp.int32)
    i = jnp.int32(0x5F3759DF) - (i >> 1)
    y = lax.bitcast_convert_type(i, jnp.float32)
    for _ in range(3):
        y = y * (1.5 - 0.5 * x * y * y)
    return y


def _bcast16(ref, e):
    return plsc.load_gather(ref, [jnp.full((L,), 0, jnp.int32) + e])


def _sc_body(h_hbm, src_hbm, dst_hbm, srcA_hbm, dstA_hbm,
             z2d_hbm, z1d_hbm, ones_hbm,
             acc_out, tro_out, tri_out,
             sidx, didx, sidxA, rows0, rows1, rows2,
             roc, ric, coef_v, ones_v,
             hin_v, hout_v, idg_v, selfidx,
             gsem0, gsem1, gsem2, ssem0, ssem1, ssem2,
             csem0, csem1, csem2, dsem0, dsem1, dsem2,
             sh_ro, sh_ri, sh_acc):
    c = lax.axis_index("c")
    s = lax.axis_index("s")
    nbase = s * NTILE
    rows = (rows0, rows1, rows2)

    pltpu.sync_copy(z1d_hbm, sh_ri.at[pl.ds(nbase, NTILE)])
    pltpu.sync_copy(z1d_hbm, sh_ro.at[pl.ds(nbase, NTILE)])
    pltpu.sync_copy(z2d_hbm, sh_acc.at[pl.ds(nbase, NTILE)])
    pltpu.sync_copy(ones_hbm, ones_v)
    plsc.subcore_barrier()

    def deg_slab(kb, _):
        blk = s * DEG_BPT + kb
        pltpu.sync_copy(srcA_hbm.at[blk], sidxA)

        def srow_o(j, _):
            pltpu.sync_copy(ones_v, sh_ro.at[sidxA.at[j]], add=True)
            return 0
        lax.fori_loop(0, BLK_E // 128, srow_o, 0)
        pltpu.sync_copy(dstA_hbm.at[blk], sidxA)

        def srow_i(j, _):
            pltpu.sync_copy(ones_v, sh_ri.at[sidxA.at[j]], add=True)
            return 0
        lax.fori_loop(0, BLK_E // 128, srow_i, 0)
        return 0
    lax.fori_loop(0, DEG_BPT, deg_slab, 0)
    plsc.subcore_barrier()

    pltpu.sync_copy(sh_ri.at[pl.ds(nbase, NTILE)], hin_v)
    pltpu.sync_copy(sh_ro.at[pl.ds(nbase, NTILE)], hout_v)

    def tab_body(i, _):
        sl = pl.ds(i * L, L)
        cnt = hin_v[sl]
        deg_in = cnt + 1.0
        deg_out = hout_v[sl] + 1.0
        del cnt
        hin_v[sl] = _rsqrt16(deg_in)
        hout_v[sl] = _rsqrt16(deg_out)
        idg_v[sl] = 1.0 / deg_in
        return 0
    lax.fori_loop(0, NTILE // L, tab_body, 0)
    pltpu.sync_copy(hin_v, tri_out.at[pl.ds(c * N_PAD + nbase, NTILE)])
    pltpu.sync_copy(hout_v, tro_out.at[pl.ds(c * N_PAD + nbase, NTILE)])
    plsc.subcore_barrier()

    tid = c * NS + s
    blk0 = tid * AGG_BPT

    def stage_slab(kn):
        q = lax.div(kn, SR)
        bb = lax.rem(q, 2)

        @pl.when(lax.rem(kn, SR) == 0)
        def _():
            pltpu.sync_copy(src_hbm.at[blk0 + q], sidx.at[bb])
            pltpu.sync_copy(dst_hbm.at[blk0 + q], didx.at[bb])

    tro_c = tro_out.at[pl.ds(c * N_PAD, N_PAD)]
    tri_c = tri_out.at[pl.ds(c * N_PAD, N_PAD)]

    def process_chunk(k, b, steady):
        bb = lax.rem(lax.div(k, SR), 2)
        j = lax.rem(k, SR)
        pltpu.sync_copy(h_hbm.at[sidx.at[bb, j]], rows[b])
        pltpu.sync_copy(tro_c.at[sidx.at[bb, j]], roc.at[pl.ds(b * C, C)])
        pltpu.sync_copy(tri_c.at[didx.at[bb, j]], ric.at[pl.ds(b * C, C)])

        def coef_body(i, _):
            sl = pl.ds(b * C + i * L, L)
            ri = ric[sl]
            deg = 1.0 / (ri * ri)
            ic = 1.0 / jnp.maximum(deg - 1.0, 1.0)
            coef_v[sl] = roc[sl] * ri + ic
            return 0
        lax.fori_loop(0, C // L, coef_body, 0)

        def scale_body(e, _):
            cb = _bcast16(coef_v, b * C + e)
            for jj in range(D // L):
                sl = pl.ds(jj * L, L)
                rows[b][e, sl] = rows[b][e, sl] * cb
            return 0
        lax.fori_loop(0, C, scale_body, 0)

        kn = k + 2
        if steady:
            @pl.when(kn < CH_AGG)
            def _():
                stage_slab(kn)

        pltpu.sync_copy(rows[b], sh_acc.at[didx.at[bb, j]], add=True)

    stage_slab(0)

    def triple(i, _):
        for u in range(3):
            process_chunk(i * 3 + u, u, True)
        return 0
    lax.fori_loop(0, (CH_AGG - 1) // 3, triple, 0)
    process_chunk(CH_AGG - 1, 0, False)

    @pl.when(c == 0)
    def _self_term():
        def self_body(kk, _):
            nb = nbase + kk * C
            pltpu.sync_copy(h_hbm.at[pl.ds(nb, C)], rows0)

            def idx_body(i, _):
                selfidx[pl.ds(i * L, L)] = lax.iota(jnp.int32, L) + nb + i * L
                return 0
            lax.fori_loop(0, C // L, idx_body, 0)

            def sscale_body(e, _):
                cb = _bcast16(idg_v, kk * C + e)
                for jj in range(D // L):
                    sl = pl.ds(jj * L, L)
                    rows0[e, sl] = rows0[e, sl] * cb
                return 0
            lax.fori_loop(0, C, sscale_body, 0)
            pltpu.sync_copy(rows0, sh_acc.at[selfidx], add=True)
            return 0
        lax.fori_loop(0, NTILE // C, self_body, 0)

    plsc.subcore_barrier()

    pltpu.sync_copy(sh_acc.at[pl.ds(nbase, NTILE)],
                    acc_out.at[c, pl.ds(nbase, NTILE)])


def _sc_aggregate(h, src3d, dst3d, srcA, dstA, z2d, z1d, ones):
    mesh = plsc.VectorSubcoreMesh(core_axis_name="c", subcore_axis_name="s")
    f = pl.kernel(
        _sc_body,
        out_type=(
            jax.ShapeDtypeStruct((NC, N_PAD, D), jnp.float32),
            jax.ShapeDtypeStruct((NC * N_PAD,), jnp.float32),
            jax.ShapeDtypeStruct((NC * N_PAD,), jnp.float32),
        ),
        mesh=mesh,
        scratch_types=[
            pltpu.VMEM((2, SR, C), jnp.int32),
            pltpu.VMEM((2, SR, C), jnp.int32),
            pltpu.VMEM((BLK_E // 128, 128), jnp.int32),
            pltpu.VMEM((C, D), jnp.float32),
            pltpu.VMEM((C, D), jnp.float32),
            pltpu.VMEM((C, D), jnp.float32),
            pltpu.VMEM((NBUF * C,), jnp.float32),
            pltpu.VMEM((NBUF * C,), jnp.float32),
            pltpu.VMEM((NBUF * C,), jnp.float32),
            pltpu.VMEM((128,), jnp.float32),
            pltpu.VMEM((NTILE,), jnp.float32),
            pltpu.VMEM((NTILE,), jnp.float32),
            pltpu.VMEM((NTILE,), jnp.float32),
            pltpu.VMEM((C,), jnp.int32),
            pltpu.SemaphoreType.DMA,
            pltpu.SemaphoreType.DMA,
            pltpu.SemaphoreType.DMA,
            pltpu.SemaphoreType.DMA,
            pltpu.SemaphoreType.DMA,
            pltpu.SemaphoreType.DMA,
            pltpu.SemaphoreType.DMA,
            pltpu.SemaphoreType.DMA,
            pltpu.SemaphoreType.DMA,
            pltpu.SemaphoreType.DMA,
            pltpu.SemaphoreType.DMA,
            pltpu.SemaphoreType.DMA,
            pltpu.VMEM_SHARED((N_PAD,), jnp.float32),
            pltpu.VMEM_SHARED((N_PAD,), jnp.float32),
            pltpu.VMEM_SHARED((N_PAD, D), jnp.float32),
        ],
        compiler_params=pltpu.CompilerParams(needs_layout_passes=False),
        name="homconv_sc_aggregate",
    )
    return f(h, src3d, dst3d, srcA, dstA, z2d, z1d, ones)



_BLKM = 2048
_BLKF = 2000


def _mm_body(x_ref, w_ref, b_ref, o_ref):
    o_ref[...] = lax.dot_general(
        x_ref[...], w_ref[...], (((1,), (1,)), ((), ())),
        preferred_element_type=jnp.float32) + b_ref[...]


def _matmul(x, w, b2d):
    return pl.pallas_call(
        _mm_body,
        grid=(N_PAD // _BLKM,),
        in_specs=[
            pl.BlockSpec((_BLKM, D), lambda i: (i, 0)),
            pl.BlockSpec((D, D), lambda i: (0, 0)),
            pl.BlockSpec((1, D), lambda i: (0, 0)),
        ],
        out_specs=pl.BlockSpec((_BLKM, D), lambda i: (i, 0)),
        out_shape=jax.ShapeDtypeStruct((N_PAD, D), jnp.float32),
    )(x, w, b2d)


def _fin_body(a_ref, o_ref):
    o_ref[...] = jnp.maximum(0.5 * (a_ref[0] + a_ref[1]), 0.0)


def _final(acc):
    return pl.pallas_call(
        _fin_body,
        grid=(N // _BLKF,),
        in_specs=[pl.BlockSpec((NC, _BLKF, D), lambda i: (0, i, 0))],
        out_specs=pl.BlockSpec((_BLKF, D), lambda i: (i, 0)),
        out_shape=jax.ShapeDtypeStruct((N, D), jnp.float32),
    )(acc)


def kernel(X, edge_index, W, b):
    x_pad = jnp.zeros((N_PAD, D), jnp.float32).at[:N].set(X)
    h = _matmul(x_pad, W, b.reshape(1, D))
    pad = jnp.full((E_PAD - E,), PADNODE, jnp.int32)
    src_flat = jnp.concatenate([edge_index[0], pad])
    dst_flat = jnp.concatenate([edge_index[1], pad])
    src3d = src_flat.reshape(NBLK, SR, C)
    dst3d = dst_flat.reshape(NBLK, SR, C)
    srcA = src_flat.reshape(NBLK, BLK_E // 128, 128)
    dstA = dst_flat.reshape(NBLK, BLK_E // 128, 128)
    z2d = jnp.zeros((NTILE, D), jnp.float32)
    z1d = jnp.zeros((NTILE,), jnp.float32)
    ones = jnp.ones((128,), jnp.float32)
    acc, _, _ = _sc_aggregate(h, src3d, dst3d, srcA, dstA, z2d, z1d, ones)
    return _final(acc)

# --- scband reference (transcript-rebuilt; emitter-appended) ---
"""Pipeline reference for scband-homconv-31147102831210 (READ-ONLY COPY).

The authoritative reference and input builder live on the scoring server;
editing this copy changes nothing except your own understanding.
"""

import jax, jax.numpy as jnp
import numpy as np

N = 10000
E = 320000
D_IN = 128
D_OUT = 128


def setup_inputs(seed: int = 0) -> dict:
    key = jax.random.key(seed)
    k1, k2, k3, k4 = jax.random.split(key, 4)
    X = jax.random.normal(k1, (N, D_IN), dtype=jnp.float32)
    edge_index = jax.random.randint(k2, (2, E), 0, N, dtype=jnp.int32)
    W = jax.random.normal(k3, (D_OUT, D_IN), dtype=jnp.float32) * (1.0 / np.sqrt(D_IN))
    b = jax.random.normal(k4, (D_OUT,), dtype=jnp.float32) * 0.01
    return {"X": X, "edge_index": edge_index, "W": W, "b": b}


def reference(X, edge_index, W, b):
    # theta: linear layer
    h = X @ W.T + b
    src = edge_index[0]
    dst = edge_index[1]
    ones = jnp.ones((E,), dtype=jnp.float32)
    # degrees with self-loop (GCN-style D_hat)
    deg_in = jax.ops.segment_sum(ones, dst, num_segments=N) + 1.0
    deg_out = jax.ops.segment_sum(ones, src, num_segments=N) + 1.0
    # spectral: smoothing_with_GCN -> D^-1/2 (A + I) D^-1/2 X
    norm = (1.0 / jnp.sqrt(deg_out))[src] * (1.0 / jnp.sqrt(deg_in))[dst]
    msg = h[src] * norm[:, None]
    X_spectral = jax.ops.segment_sum(msg, dst, num_segments=N) + h / deg_in[:, None]
    # spatial: v2v mean aggregation over in-neighbors
    sums = jax.ops.segment_sum(h[src], dst, num_segments=N)
    cnt = jax.ops.segment_sum(ones, dst, num_segments=N)
    X_spatial = sums / jnp.maximum(cnt, 1.0)[:, None]
    X_ = (X_spectral + X_spatial) * 0.5
    X_ = jax.nn.relu(X_)
    # dropout is identity in eval mode (deterministic reference)
    return X_

if __name__ == "__main__":
    import jax
    _d = setup_inputs()
    print(jax.jit(kernel)(*tuple(_d.values())))

</pallas_src>

<mosaic_0001>
#map = affine_map<(d0, d1) -> (0, 0)>
#map1 = affine_map<(d0, d1) -> (0, 0, 0)>
#map2 = affine_map<(d0, d1) -> (0)>
module attributes {stable_mosaic.version = 14 : i64} {
  func.func @homconv_sc_aggregate(%arg0: i32, %arg1: i32, %arg2: memref<10240x128xf32, #tpu.memory_space<hbm>>, %arg3: memref<160x32x64xi32, #tpu.memory_space<hbm>>, %arg4: memref<160x32x64xi32, #tpu.memory_space<hbm>>, %arg5: memref<160x16x128xi32, #tpu.memory_space<hbm>>, %arg6: memref<160x16x128xi32, #tpu.memory_space<hbm>>, %arg7: memref<640x128xf32, #tpu.memory_space<hbm>>, %arg8: memref<640xf32, #tpu.memory_space<hbm>>, %arg9: memref<128xf32, #tpu.memory_space<hbm>>, %arg10: memref<2x10240x128xf32, #tpu.memory_space<hbm>>, %arg11: memref<20480xf32, #tpu.memory_space<hbm>>, %arg12: memref<20480xf32, #tpu.memory_space<hbm>>, %arg13: memref<2x32x64xi32, #tpu.memory_space<vmem>>, %arg14: memref<2x32x64xi32, #tpu.memory_space<vmem>>, %arg15: memref<16x128xi32, #tpu.memory_space<vmem>>, %arg16: memref<64x128xf32, #tpu.memory_space<vmem>>, %arg17: memref<64x128xf32, #tpu.memory_space<vmem>>, %arg18: memref<64x128xf32, #tpu.memory_space<vmem>>, %arg19: memref<192xf32, #tpu.memory_space<vmem>>, %arg20: memref<192xf32, #tpu.memory_space<vmem>>, %arg21: memref<192xf32, #tpu.memory_space<vmem>>, %arg22: memref<128xf32, #tpu.memory_space<vmem>>, %arg23: memref<640xf32, #tpu.memory_space<vmem>>, %arg24: memref<640xf32, #tpu.memory_space<vmem>>, %arg25: memref<640xf32, #tpu.memory_space<vmem>>, %arg26: memref<64xi32, #tpu.memory_space<vmem>>, %arg27: memref<!tpu.dma_semaphore, #tpu.memory_space<semaphore_mem>>, %arg28: memref<!tpu.dma_semaphore, #tpu.memory_space<semaphore_mem>>, %arg29: memref<!tpu.dma_semaphore, #tpu.memory_space<semaphore_mem>>, %arg30: memref<!tpu.dma_semaphore, #tpu.memory_space<semaphore_mem>>, %arg31: memref<!tpu.dma_semaphore, #tpu.memory_space<semaphore_mem>>, %arg32: memref<!tpu.dma_semaphore, #tpu.memory_space<semaphore_mem>>, %arg33: memref<!tpu.dma_semaphore, #tpu.memory_space<semaphore_mem>>, %arg34: memref<!tpu.dma_semaphore, #tpu.memory_space<semaphore_mem>>, %arg35: memref<!tpu.dma_semaphore, #tpu.memory_space<semaphore_mem>>, %arg36: memref<!tpu.dma_semaphore, #tpu.memory_space<semaphore_mem>>, %arg37: memref<!tpu.dma_semaphore, #tpu.memory_space<semaphore_mem>>, %arg38: memref<!tpu.dma_semaphore, #tpu.memory_space<semaphore_mem>>, %arg39: memref<10240xf32, #tpu.memory_space<vmem_shared>>, %arg40: memref<10240xf32, #tpu.memory_space<vmem_shared>>, %arg41: memref<10240x128xf32, #tpu.memory_space<vmem_shared>>) attributes {dimension_semantics = [#tpu.dimension_semantics<core_parallel>, #tpu.dimension_semantics<subcore_parallel>], iteration_bounds = array<i64: 2, 16>, scalar_prefetch = 0 : i64, scratch_operands = 29 : i64, tpu.core_type = #tpu.core_type<sc_vector_subcore>, window_params = [{transform_indices = #map}, {transform_indices = #map1}, {transform_indices = #map1}, {transform_indices = #map1}, {transform_indices = #map1}, {transform_indices = #map}, {transform_indices = #map2}, {transform_indices = #map2}, {transform_indices = #map1}, {transform_indices = #map2}, {transform_indices = #map2}]} {
    %mul3A = arith.constant 640 : i32
    %mul3A_0 = arith.muli %arg1, %mul3A : i32
    "tpu.region"() ({
      %run_scoped3A = tpu.sem_alloc : memref<!tpu.dma_semaphore, #tpu.memory_space<semaphore_mem>>
      %dma_start3A = tpu.memref_slice %arg40[%mul3A_0] : memref<10240xf32, #tpu.memory_space<vmem_shared>> -> memref<640xf32, #tpu.memory_space<vmem_shared>>
      tpu.enqueue_dma source(%arg8 : memref<640xf32, #tpu.memory_space<hbm>>) target(%dma_start3A : memref<640xf32, #tpu.memory_space<vmem_shared>>) target_semaphore(%run_scoped3A : memref<!tpu.dma_semaphore, #tpu.memory_space<semaphore_mem>>)
      %dma_wait3A = tpu.memref_slice %arg40[%mul3A_0] : memref<10240xf32, #tpu.memory_space<vmem_shared>> -> memref<640xf32, #tpu.memory_space<vmem_shared>>
      tpu.wait_dma2 semaphore(%run_scoped3A : memref<!tpu.dma_semaphore, #tpu.memory_space<semaphore_mem>>) src(%arg8 : memref<640xf32, #tpu.memory_space<hbm>>) dst(%dma_wait3A : memref<640xf32, #tpu.memory_space<vmem_shared>>)
      tpu.yield
    }) : () -> ()
    "tpu.region"() ({
      %run_scoped3A = tpu.sem_alloc : memref<!tpu.dma_semaphore, #tpu.memory_space<semaphore_mem>>
      %dma_start3A = tpu.memref_slice %arg39[%mul3A_0] : memref<10240xf32, #tpu.memory_space<vmem_shared>> -> memref<640xf32, #tpu.memory_space<vmem_shared>>
      tpu.enqueue_dma source(%arg8 : memref<640xf32, #tpu.memory_space<hbm>>) target(%dma_start3A : memref<640xf32, #tpu.memory_space<vmem_shared>>) target_semaphore(%run_scoped3A : memref<!tpu.dma_semaphore, #tpu.memory_space<semaphore_mem>>)
      %dma_wait3A = tpu.memref_slice %arg39[%mul3A_0] : memref<10240xf32, #tpu.memory_space<vmem_shared>> -> memref<640xf32, #tpu.memory_space<vmem_shared>>
      tpu.wait_dma2 semaphore(%run_scoped3A : memref<!tpu.dma_semaphore, #tpu.memory_space<semaphore_mem>>) src(%arg8 : memref<640xf32, #tpu.memory_space<hbm>>) dst(%dma_wait3A : memref<640xf32, #tpu.memory_space<vmem_shared>>)
      tpu.yield
    }) : () -> ()
    "tpu.region"() ({
      %run_scoped3A = tpu.sem_alloc : memref<!tpu.dma_semaphore, #tpu.memory_space<semaphore_mem>>
      %dma_start3A = arith.constant 0 : i32
      %dma_start3A_73 = tpu.memref_slice %arg41[%mul3A_0, %dma_start3A] : memref<10240x128xf32, #tpu.memory_space<vmem_shared>> -> memref<640x128xf32, #tpu.memory_space<vmem_shared>>
      tpu.enqueue_dma source(%arg7 : memref<640x128xf32, #tpu.memory_space<hbm>>) target(%dma_start3A_73 : memref<640x128xf32, #tpu.memory_space<vmem_shared>>) target_semaphore(%run_scoped3A : memref<!tpu.dma_semaphore, #tpu.memory_space<semaphore_mem>>)
      %dma_wait3A = arith.constant 0 : i32
      %dma_wait3A_74 = tpu.memref_slice %arg41[%mul3A_0, %dma_wait3A] : memref<10240x128xf32, #tpu.memory_space<vmem_shared>> -> memref<640x128xf32, #tpu.memory_space<vmem_shared>>
      tpu.wait_dma2 semaphore(%run_scoped3A : memref<!tpu.dma_semaphore, #tpu.memory_space<semaphore_mem>>) src(%arg7 : memref<640x128xf32, #tpu.memory_space<hbm>>) dst(%dma_wait3A_74 : memref<640x128xf32, #tpu.memory_space<vmem_shared>>)
      tpu.yield
    }) : () -> ()
    "tpu.region"() ({
      %run_scoped3A = tpu.sem_alloc : memref<!tpu.dma_semaphore, #tpu.memory_space<semaphore_mem>>
      tpu.enqueue_dma source(%arg9 : memref<128xf32, #tpu.memory_space<hbm>>) target(%arg22 : memref<128xf32, #tpu.memory_space<vmem>>) target_semaphore(%run_scoped3A : memref<!tpu.dma_semaphore, #tpu.memory_space<semaphore_mem>>)
      tpu.wait_dma2 semaphore(%run_scoped3A : memref<!tpu.dma_semaphore, #tpu.memory_space<semaphore_mem>>) src(%arg9 : memref<128xf32, #tpu.memory_space<hbm>>) dst(%arg22 : memref<128xf32, #tpu.memory_space<vmem>>)
      tpu.yield
    }) : () -> ()
    %barrier3A = arith.constant 0 : index
    tpu.barrier barrier_id(%barrier3A)
    %scan3A = arith.constant 0 : i32
    %scan3A_1 = arith.constant 0 : i32
    %scan3A_2 = arith.constant 10 : i32
    %scan3A_3 = arith.addi %scan3A_1, %scan3A_2 : i32
    %scan3A_4 = arith.constant 1 : i32
    %scan3A_5 = scf.for %scan3A_73 = %scan3A_1 to %scan3A_3 step %scan3A_4 iter_args(%scan3A_74 = %scan3A) -> (i32)  : i32 {
      %mul3A_75 = arith.constant 10 : i32
      %mul3A_76 = arith.muli %arg1, %mul3A_75 : i32
      %add3A_77 = arith.addi %mul3A_76, %scan3A_73 : i32
      "tpu.region"() ({
        %run_scoped3A = tpu.sem_alloc : memref<!tpu.dma_semaphore, #tpu.memory_space<semaphore_mem>>
        %dma_start3A = arith.constant 0 : i32
        %dma_start3A_93 = arith.constant 0 : i32
        %dma_start3A_94 = tpu.memref_slice %arg5[%add3A_77, %dma_start3A, %dma_start3A_93] : memref<160x16x128xi32, #tpu.memory_space<hbm>> -> memref<1x16x128xi32, #tpu.memory_space<hbm>>
        %dma_start3A_95 = tpu.memref_squeeze %dma_start3A_94 : memref<1x16x128xi32, #tpu.memory_space<hbm>> -> memref<16x128xi32, #tpu.memory_space<hbm>>
        %dma_start3A_96 = arith.constant 0 : i32
        %dma_start3A_97 = arith.constant 0 : i32
        %dma_start3A_98 = tpu.memref_slice %arg5[%add3A_77, %dma_start3A_96, %dma_start3A_97] : memref<160x16x128xi32, #tpu.memory_space<hbm>> -> memref<1x16x128xi32, #tpu.memory_space<hbm>>
        %dma_start3A_99 = tpu.memref_squeeze %dma_start3A_98 : memref<1x16x128xi32, #tpu.memory_space<hbm>> -> memref<16x128xi32, #tpu.memory_space<hbm>>
        tpu.enqueue_dma source(%dma_start3A_99 : memref<16x128xi32, #tpu.memory_space<hbm>>) target(%arg15 : memref<16x128xi32, #tpu.memory_space<vmem>>) target_semaphore(%run_scoped3A : memref<!tpu.dma_semaphore, #tpu.memory_space<semaphore_mem>>)
        %dma_wait3A = arith.constant 0 : i32
        %dma_wait3A_100 = arith.constant 0 : i32
        %dma_wait3A_101 = tpu.memref_slice %arg5[%add3A_77, %dma_wait3A, %dma_wait3A_100] : memref<160x16x128xi32, #tpu.memory_space<hbm>> -> memref<1x16x128xi32, #tpu.memory_space<hbm>>
        %dma_wait3A_102 = tpu.memref_squeeze %dma_wait3A_101 : memref<1x16x128xi32, #tpu.memory_space<hbm>> -> memref<16x128xi32, #tpu.memory_space<hbm>>
        %dma_wait3A_103 = arith.constant 0 : i32
        %dma_wait3A_104 = arith.constant 0 : i32
        %dma_wait3A_105 = tpu.memref_slice %arg5[%add3A_77, %dma_wait3A_103, %dma_wait3A_104] : memref<160x16x128xi32, #tpu.memory_space<hbm>> -> memref<1x16x128xi32, #tpu.memory_space<hbm>>
        %dma_wait3A_106 = tpu.memref_squeeze %dma_wait3A_105 : memref<1x16x128xi32, #tpu.memory_space<hbm>> -> memref<16x128xi32, #tpu.memory_space<hbm>>
        tpu.wait_dma2 semaphore(%run_scoped3A : memref<!tpu.dma_semaphore, #tpu.memory_space<semaphore_mem>>) src(%dma_wait3A_106 : memref<16x128xi32, #tpu.memory_space<hbm>>) dst(%arg15 : memref<16x128xi32, #tpu.memory_space<vmem>>)
        tpu.yield
      }) : () -> ()
      %scan3A_78 = arith.constant 0 : i32
      %scan3A_79 = arith.constant 0 : i32
      %scan3A_80 = arith.constant 16 : i32
      %scan3A_81 = arith.addi %scan3A_79, %scan3A_80 : i32
      %scan3A_82 = arith.constant 1 : i32
      %scan3A_83 = scf.for %scan3A_93 = %scan3A_79 to %scan3A_81 step %scan3A_82 iter_args(%scan3A_94 = %scan3A_78) -> (i32)  : i32 {
        "tpu.region"() ({
          %run_scoped3A = tpu.sem_alloc : memref<!tpu.dma_semaphore, #tpu.memory_space<semaphore_mem>>
          %dma_start3A = arith.constant 0 : i32
          %dma_start3A_96 = tpu.memref_slice %arg15[%scan3A_93, %dma_start3A] : memref<16x128xi32, #tpu.memory_space<vmem>> -> memref<1x128xi32, #tpu.memory_space<vmem>>
          %dma_start3A_97 = tpu.memref_squeeze %dma_start3A_96 : memref<1x128xi32, #tpu.memory_space<vmem>> -> memref<128xi32, #tpu.memory_space<vmem>>
          %dma_start3A_98 = arith.constant 0 : i32
          %dma_start3A_99 = tpu.memref_slice %arg39[%dma_start3A_98] : memref<10240xf32, #tpu.memory_space<vmem_shared>> -> memref<10240xf32, #tpu.memory_space<vmem_shared>>
          tpu.enqueue_indirect_dma source(%arg22 : memref<128xf32, #tpu.memory_space<vmem>>) target(%dma_start3A_99 : memref<10240xf32, #tpu.memory_space<vmem_shared>>) offsets(%dma_start3A_97 : memref<128xi32, #tpu.memory_space<vmem>>) semaphore(%run_scoped3A : memref<!tpu.dma_semaphore, #tpu.memory_space<semaphore_mem>>) {add = true}
          %dma_wait3A = arith.constant 0 : i32
          %dma_wait3A_100 = tpu.memref_slice %arg15[%scan3A_93, %dma_wait3A] : memref<16x128xi32, #tpu.memory_space<vmem>> -> memref<1x128xi32, #tpu.memory_space<vmem>>
          %dma_wait3A_101 = tpu.memref_squeeze %dma_wait3A_100 : memref<1x128xi32, #tpu.memory_space<vmem>> -> memref<128xi32, #tpu.memory_space<vmem>>
          %dma_wait3A_102 = arith.constant 0 : i32
          %dma_wait3A_103 = tpu.memref_slice %arg39[%dma_wait3A_102] : memref<10240xf32, #tpu.memory_space<vmem_shared>> -> memref<10240xf32, #tpu.memory_space<vmem_shared>>
          tpu.wait_indirect_dma semaphore(%run_scoped3A : memref<!tpu.dma_semaphore, #tpu.memory_space<semaphore_mem>>) src(%arg22 : memref<128xf32, #tpu.memory_space<vmem>>) dst(%dma_wait3A_103 : memref<10240xf32, #tpu.memory_space<vmem_shared>>)
          tpu.yield
        }) : () -> ()
        %scan3A_95 = arith.constant 0 : i32
        scf.yield %scan3A_95 : i32
      }
      %scan3A_84 = arith.constant 16 : i32
      "tpu.region"() ({
        %run_scoped3A = tpu.sem_alloc : memref<!tpu.dma_semaphore, #tpu.memory_space<semaphore_mem>>
        %dma_start3A = arith.constant 0 : i32
        %dma_start3A_93 = arith.constant 0 : i32
        %dma_start3A_94 = tpu.memref_slice %arg6[%add3A_77, %dma_start3A, %dma_start3A_93] : memref<160x16x128xi32, #tpu.memory_space<hbm>> -> memref<1x16x128xi32, #tpu.memory_space<hbm>>
        %dma_start3A_95 = tpu.memref_squeeze %dma_start3A_94 : memref<1x16x128xi32, #tpu.memory_space<hbm>> -> memref<16x128xi32, #tpu.memory_space<hbm>>
        %dma_start3A_96 = arith.constant 0 : i32
        %dma_start3A_97 = arith.constant 0 : i32
        %dma_start3A_98 = tpu.memref_slice %arg6[%add3A_77, %dma_start3A_96, %dma_start3A_97] : memref<160x16x128xi32, #tpu.memory_space<hbm>> -> memref<1x16x128xi32, #tpu.memory_space<hbm>>
        %dma_start3A_99 = tpu.memref_squeeze %dma_start3A_98 : memref<1x16x128xi32, #tpu.memory_space<hbm>> -> memref<16x128xi32, #tpu.memory_space<hbm>>
        tpu.enqueue_dma source(%dma_start3A_99 : memref<16x128xi32, #tpu.memory_space<hbm>>) target(%arg15 : memref<16x128xi32, #tpu.memory_space<vmem>>) target_semaphore(%run_scoped3A : memref<!tpu.dma_semaphore, #tpu.memory_space<semaphore_mem>>)
        %dma_wait3A = arith.constant 0 : i32
        %dma_wait3A_100 = arith.constant 0 : i32
        %dma_wait3A_101 = tpu.memref_slice %arg6[%add3A_77, %dma_wait3A, %dma_wait3A_100] : memref<160x16x128xi32, #tpu.memory_space<hbm>> -> memref<1x16x128xi32, #tpu.memory_space<hbm>>
        %dma_wait3A_102 = tpu.memref_squeeze %dma_wait3A_101 : memref<1x16x128xi32, #tpu.memory_space<hbm>> -> memref<16x128xi32, #tpu.memory_space<hbm>>
        %dma_wait3A_103 = arith.constant 0 : i32
        %dma_wait3A_104 = arith.constant 0 : i32
        %dma_wait3A_105 = tpu.memref_slice %arg6[%add3A_77, %dma_wait3A_103, %dma_wait3A_104] : memref<160x16x128xi32, #tpu.memory_space<hbm>> -> memref<1x16x128xi32, #tpu.memory_space<hbm>>
        %dma_wait3A_106 = tpu.memref_squeeze %dma_wait3A_105 : memref<1x16x128xi32, #tpu.memory_space<hbm>> -> memref<16x128xi32, #tpu.memory_space<hbm>>
        tpu.wait_dma2 semaphore(%run_scoped3A : memref<!tpu.dma_semaphore, #tpu.memory_space<semaphore_mem>>) src(%dma_wait3A_106 : memref<16x128xi32, #tpu.memory_space<hbm>>) dst(%arg15 : memref<16x128xi32, #tpu.memory_space<vmem>>)
        tpu.yield
      }) : () -> ()
      %scan3A_85 = arith.constant 0 : i32
      %scan3A_86 = arith.constant 0 : i32
      %scan3A_87 = arith.constant 16 : i32
      %scan3A_88 = arith.addi %scan3A_86, %scan3A_87 : i32
      %scan3A_89 = arith.constant 1 : i32
      %scan3A_90 = scf.for %scan3A_93 = %scan3A_86 to %scan3A_88 step %scan3A_89 iter_args(%scan3A_94 = %scan3A_85) -> (i32)  : i32 {
        "tpu.region"() ({
          %run_scoped3A = tpu.sem_alloc : memref<!tpu.dma_semaphore, #tpu.memory_space<semaphore_mem>>
          %dma_start3A = arith.constant 0 : i32
          %dma_start3A_96 = tpu.memref_slice %arg15[%scan3A_93, %dma_start3A] : memref<16x128xi32, #tpu.memory_space<vmem>> -> memref<1x128xi32, #tpu.memory_space<vmem>>
          %dma_start3A_97 = tpu.memref_squeeze %dma_start3A_96 : memref<1x128xi32, #tpu.memory_space<vmem>> -> memref<128xi32, #tpu.memory_space<vmem>>
          %dma_start3A_98 = arith.constant 0 : i32
          %dma_start3A_99 = tpu.memref_slice %arg40[%dma_start3A_98] : memref<10240xf32, #tpu.memory_space<vmem_shared>> -> memref<10240xf32, #tpu.memory_space<vmem_shared>>
          tpu.enqueue_indirect_dma source(%arg22 : memref<128xf32, #tpu.memory_space<vmem>>) target(%dma_start3A_99 : memref<10240xf32, #tpu.memory_space<vmem_shared>>) offsets(%dma_start3A_97 : memref<128xi32, #tpu.memory_space<vmem>>) semaphore(%run_scoped3A : memref<!tpu.dma_semaphore, #tpu.memory_space<semaphore_mem>>) {add = true}
          %dma_wait3A = arith.constant 0 : i32
          %dma_wait3A_100 = tpu.memref_slice %arg15[%scan3A_93, %dma_wait3A] : memref<16x128xi32, #tpu.memory_space<vmem>> -> memref<1x128xi32, #tpu.memory_space<vmem>>
          %dma_wait3A_101 = tpu.memref_squeeze %dma_wait3A_100 : memref<1x128xi32, #tpu.memory_space<vmem>> -> memref<128xi32, #tpu.memory_space<vmem>>
          %dma_wait3A_102 = arith.constant 0 : i32
          %dma_wait3A_103 = tpu.memref_slice %arg40[%dma_wait3A_102] : memref<10240xf32, #tpu.memory_space<vmem_shared>> -> memref<10240xf32, #tpu.memory_space<vmem_shared>>
          tpu.wait_indirect_dma semaphore(%run_scoped3A : memref<!tpu.dma_semaphore, #tpu.memory_space<semaphore_mem>>) src(%arg22 : memref<128xf32, #tpu.memory_space<vmem>>) dst(%dma_wait3A_103 : memref<10240xf32, #tpu.memory_space<vmem_shared>>)
          tpu.yield
        }) : () -> ()
        %scan3A_95 = arith.constant 0 : i32
        scf.yield %scan3A_95 : i32
      }
      %scan3A_91 = arith.constant 16 : i32
      %scan3A_92 = arith.constant 0 : i32
      scf.yield %scan3A_92 : i32
    }
    %scan3A_6 = arith.constant 10 : i32
    %barrier3A_7 = arith.constant 0 : index
    tpu.barrier barrier_id(%barrier3A_7)
    "tpu.region"() ({
      %run_scoped3A = tpu.sem_alloc : memref<!tpu.dma_semaphore, #tpu.memory_space<semaphore_mem>>
      %dma_start3A = tpu.memref_slice %arg40[%mul3A_0] : memref<10240xf32, #tpu.memory_space<vmem_shared>> -> memref<640xf32, #tpu.memory_space<vmem_shared>>
      %dma_start3A_73 = tpu.memref_slice %arg40[%mul3A_0] : memref<10240xf32, #tpu.memory_space<vmem_shared>> -> memref<640xf32, #tpu.memory_space<vmem_shared>>
      tpu.enqueue_dma source(%dma_start3A_73 : memref<640xf32, #tpu.memory_space<vmem_shared>>) target(%arg23 : memref<640xf32, #tpu.memory_space<vmem>>) target_semaphore(%run_scoped3A : memref<!tpu.dma_semaphore, #tpu.memory_space<semaphore_mem>>)
      %dma_wait3A = tpu.memref_slice %arg40[%mul3A_0] : memref<10240xf32, #tpu.memory_space<vmem_shared>> -> memref<640xf32, #tpu.memory_space<vmem_shared>>
      %dma_wait3A_74 = tpu.memref_slice %arg40[%mul3A_0] : memref<10240xf32, #tpu.memory_space<vmem_shared>> -> memref<640xf32, #tpu.memory_space<vmem_shared>>
      tpu.wait_dma2 semaphore(%run_scoped3A : memref<!tpu.dma_semaphore, #tpu.memory_space<semaphore_mem>>) src(%dma_wait3A_74 : memref<640xf32, #tpu.memory_space<vmem_shared>>) dst(%arg23 : memref<640xf32, #tpu.memory_space<vmem>>)
      tpu.yield
    }) : () -> ()
    "tpu.region"() ({
      %run_scoped3A = tpu.sem_alloc : memref<!tpu.dma_semaphore, #tpu.memory_space<semaphore_mem>>
      %dma_start3A = tpu.memref_slice %arg39[%mul3A_0] : memref<10240xf32, #tpu.memory_space<vmem_shared>> -> memref<640xf32, #tpu.memory_space<vmem_shared>>
      %dma_start3A_73 = tpu.memref_slice %arg39[%mul3A_0] : memref<10240xf32, #tpu.memory_space<vmem_shared>> -> memref<640xf32, #tpu.memory_space<vmem_shared>>
      tpu.enqueue_dma source(%dma_start3A_73 : memref<640xf32, #tpu.memory_space<vmem_shared>>) target(%arg24 : memref<640xf32, #tpu.memory_space<vmem>>) target_semaphore(%run_scoped3A : memref<!tpu.dma_semaphore, #tpu.memory_space<semaphore_mem>>)
      %dma_wait3A = tpu.memref_slice %arg39[%mul3A_0] : memref<10240xf32, #tpu.memory_space<vmem_shared>> -> memref<640xf32, #tpu.memory_space<vmem_shared>>
      %dma_wait3A_74 = tpu.memref_slice %arg39[%mul3A_0] : memref<10240xf32, #tpu.memory_space<vmem_shared>> -> memref<640xf32, #tpu.memory_space<vmem_shared>>
      tpu.wait_dma2 semaphore(%run_scoped3A : memref<!tpu.dma_semaphore, #tpu.memory_space<semaphore_mem>>) src(%dma_wait3A_74 : memref<640xf32, #tpu.memory_space<vmem_shared>>) dst(%arg24 : memref<640xf32, #tpu.memory_space<vmem>>)
      tpu.yield
    }) : () -> ()
    %scan3A_8 = arith.constant 0 : i32
    %scan3A_9 = arith.constant 0 : i32
    %scan3A_10 = arith.constant 40 : i32
    %scan3A_11 = arith.addi %scan3A_9, %scan3A_10 : i32
    %scan3A_12 = arith.constant 1 : i32
    %scan3A_13 = scf.for %scan3A_73 = %scan3A_9 to %scan3A_11 step %scan3A_12 iter_args(%scan3A_74 = %scan3A_8) -> (i32)  : i32 {
      %mul3A_75 = arith.constant 16 : i32
      %mul3A_76 = arith.muli %scan3A_73, %mul3A_75 : i32
      %get3A = arith.index_cast %mul3A_76 : i32 to index
      %get3A_77 = tpu.vector_load %arg23[%get3A] {strides = array<i32>} : memref<640xf32, #tpu.memory_space<vmem>>, vector<16xf32>,
      %add3A_78 = arith.constant 1.000000e+00 : f32
      %add3A_79 = vector.broadcast %add3A_78 : f32 to vector<16xf32>
      %add3A_80 = arith.addf %get3A_77, %add3A_79 : vector<16xf32>
      %get3A_81 = arith.index_cast %mul3A_76 : i32 to index
      %get3A_82 = tpu.vector_load %arg24[%get3A_81] {strides = array<i32>} : memref<640xf32, #tpu.memory_space<vmem>>, vector<16xf32>,
      %add3A_83 = arith.constant 1.000000e+00 : f32
      %add3A_84 = vector.broadcast %add3A_83 : f32 to vector<16xf32>
      %add3A_85 = arith.addf %get3A_82, %add3A_84 : vector<16xf32>
      %bitcast_convert_type3A = tpu.bitcast %add3A_80 : vector<16xf32> -> vector<16xi32>
      %shift_right_arithmetic3A = arith.constant 1 : i32
      %shift_right_arithmetic3A_86 = vector.broadcast %shift_right_arithmetic3A : i32 to vector<16xi32>
      %shift_right_arithmetic3A_87 = arith.shrsi %bitcast_convert_type3A, %shift_right_arithmetic3A_86 : vector<16xi32>
      %sub3A = arith.constant 1597463007 : i32
      %sub3A_88 = vector.broadcast %sub3A : i32 to vector<16xi32>
      %sub3A_89 = arith.subi %sub3A_88, %shift_right_arithmetic3A_87 : vector<16xi32>
      %bitcast_convert_type3A_90 = tpu.bitcast %sub3A_89 : vector<16xi32> -> vector<16xf32>
      %mul3A_91 = arith.constant 5.000000e-01 : f32
      %mul3A_92 = vector.broadcast %mul3A_91 : f32 to vector<16xf32>
      %mul3A_93 = arith.mulf %mul3A_92, %add3A_80 : vector<16xf32>
      %mul3A_94 = arith.mulf %mul3A_93, %bitcast_convert_type3A_90 : vector<16xf32>
      %mul3A_95 = arith.mulf %mul3A_94, %bitcast_convert_type3A_90 : vector<16xf32>
      %sub3A_96 = arith.constant 1.500000e+00 : f32
      %sub3A_97 = vector.broadcast %sub3A_96 : f32 to vector<16xf32>
      %sub3A_98 = arith.subf %sub3A_97, %mul3A_95 : vector<16xf32>
      %mul3A_99 = arith.mulf %bitcast_convert_type3A_90, %sub3A_98 : vector<16xf32>
      %mul3A_100 = arith.constant 5.000000e-01 : f32
      %mul3A_101 = vector.broadcast %mul3A_100 : f32 to vector<16xf32>
      %mul3A_102 = arith.mulf %mul3A_101, %add3A_80 : vector<16xf32>
      %mul3A_103 = arith.mulf %mul3A_102, %mul3A_99 : vector<16xf32>
      %mul3A_104 = arith.mulf %mul3A_103, %mul3A_99 : vector<16xf32>
      %sub3A_105 = arith.constant 1.500000e+00 : f32
      %sub3A_106 = vector.broadcast %sub3A_105 : f32 to vector<16xf32>
      %sub3A_107 = arith.subf %sub3A_106, %mul3A_104 : vector<16xf32>
      %mul3A_108 = arith.mulf %mul3A_99, %sub3A_107 : vector<16xf32>
      %mul3A_109 = arith.constant 5.000000e-01 : f32
      %mul3A_110 = vector.broadcast %mul3A_109 : f32 to vector<16xf32>
      %mul3A_111 = arith.mulf %mul3A_110, %add3A_80 : vector<16xf32>
      %mul3A_112 = arith.mulf %mul3A_111, %mul3A_108 : vector<16xf32>
      %mul3A_113 = arith.mulf %mul3A_112, %mul3A_108 : vector<16xf32>
      %sub3A_114 = arith.constant 1.500000e+00 : f32
      %sub3A_115 = vector.broadcast %sub3A_114 : f32 to vector<16xf32>
      %sub3A_116 = arith.subf %sub3A_115, %mul3A_113 : vector<16xf32>
      %mul3A_117 = arith.mulf %mul3A_108, %sub3A_116 : vector<16xf32>
      %swap3A = arith.index_cast %mul3A_76 : i32 to index
      %swap3A_118 = tpu.vector_load %arg23[%swap3A] {strides = array<i32>} : memref<640xf32, #tpu.memory_space<vmem>>, vector<16xf32>,
      tpu.vector_store %arg23[%swap3A], %mul3A_117 {strides = array<i32>} : memref<640xf32, #tpu.memory_space<vmem>>, vector<16xf32>,
      %bitcast_convert_type3A_119 = tpu.bitcast %add3A_85 : vector<16xf32> -> vector<16xi32>
      %shift_right_arithmetic3A_120 = arith.constant 1 : i32
      %shift_right_arithmetic3A_121 = vector.broadcast %shift_right_arithmetic3A_120 : i32 to vector<16xi32>
      %shift_right_arithmetic3A_122 = arith.shrsi %bitcast_convert_type3A_119, %shift_right_arithmetic3A_121 : vector<16xi32>
      %sub3A_123 = arith.constant 1597463007 : i32
      %sub3A_124 = vector.broadcast %sub3A_123 : i32 to vector<16xi32>
      %sub3A_125 = arith.subi %sub3A_124, %shift_right_arithmetic3A_122 : vector<16xi32>
      %bitcast_convert_type3A_126 = tpu.bitcast %sub3A_125 : vector<16xi32> -> vector<16xf32>
      %mul3A_127 = arith.constant 5.000000e-01 : f32
      %mul3A_128 = vector.broadcast %mul3A_127 : f32 to vector<16xf32>
      %mul3A_129 = arith.mulf %mul3A_128, %add3A_85 : vector<16xf32>
      %mul3A_130 = arith.mulf %mul3A_129, %bitcast_convert_type3A_126 : vector<16xf32>
      %mul3A_131 = arith.mulf %mul3A_130, %bitcast_convert_type3A_126 : vector<16xf32>
      %sub3A_132 = arith.constant 1.500000e+00 : f32
      %sub3A_133 = vector.broadcast %sub3A_132 : f32 to vector<16xf32>
      %sub3A_134 = arith.subf %sub3A_133, %mul3A_131 : vector<16xf32>
      %mul3A_135 = arith.mulf %bitcast_convert_type3A_126, %sub3A_134 : vector<16xf32>
      %mul3A_136 = arith.constant 5.000000e-01 : f32
      %mul3A_137 = vector.broadcast %mul3A_136 : f32 to vector<16xf32>
      %mul3A_138 = arith.mulf %mul3A_137, %add3A_85 : vector<16xf32>
      %mul3A_139 = arith.mulf %mul3A_138, %mul3A_135 : vector<16xf32>
      %mul3A_140 = arith.mulf %mul3A_139, %mul3A_135 : vector<16xf32>
      %sub3A_141 = arith.constant 1.500000e+00 : f32
      %sub3A_142 = vector.broadcast %sub3A_141 : f32 to vector<16xf32>
      %sub3A_143 = arith.subf %sub3A_142, %mul3A_140 : vector<16xf32>
      %mul3A_144 = arith.mulf %mul3A_135, %sub3A_143 : vector<16xf32>
      %mul3A_145 = arith.constant 5.000000e-01 : f32
      %mul3A_146 = vector.broadcast %mul3A_145 : f32 to vector<16xf32>
      %mul3A_147 = arith.mulf %mul3A_146, %add3A_85 : vector<16xf32>
      %mul3A_148 = arith.mulf %mul3A_147, %mul3A_144 : vector<16xf32>
      %mul3A_149 = arith.mulf %mul3A_148, %mul3A_144 : vector<16xf32>
      %sub3A_150 = arith.constant 1.500000e+00 : f32
      %sub3A_151 = vector.broadcast %sub3A_150 : f32 to vector<16xf32>
      %sub3A_152 = arith.subf %sub3A_151, %mul3A_149 : vector<16xf32>
      %mul3A_153 = arith.mulf %mul3A_144, %sub3A_152 : vector<16xf32>
      %swap3A_154 = arith.index_cast %mul3A_76 : i32 to index
      %swap3A_155 = tpu.vector_load %arg24[%swap3A_154] {strides = array<i32>} : memref<640xf32, #tpu.memory_space<vmem>>, vector<16xf32>,
      tpu.vector_store %arg24[%swap3A_154], %mul3A_153 {strides = array<i32>} : memref<640xf32, #tpu.memory_space<vmem>>, vector<16xf32>,
      %div3A_156 = arith.constant 1.000000e+00 : f32
      %div3A_157 = vector.broadcast %div3A_156 : f32 to vector<16xf32>
      %div3A_158 = arith.divf %div3A_157, %add3A_80 : vector<16xf32>
      %swap3A_159 = arith.index_cast %mul3A_76 : i32 to index
      %swap3A_160 = tpu.vector_load %arg25[%swap3A_159] {strides = array<i32>} : memref<640xf32, #tpu.memory_space<vmem>>, vector<16xf32>,
      tpu.vector_store %arg25[%swap3A_159], %div3A_158 {strides = array<i32>} : memref<640xf32, #tpu.memory_space<vmem>>, vector<16xf32>,
      %scan3A_161 = arith.constant 0 : i32
      scf.yield %scan3A_161 : i32
    }
    %scan3A_14 = arith.constant 40 : i32
    %mul3A_15 = arith.constant 10240 : i32
    %mul3A_16 = arith.muli %arg0, %mul3A_15 : i32
    %add3A = arith.addi %mul3A_16, %mul3A_0 : i32
    "tpu.region"() ({
      %run_scoped3A = tpu.sem_alloc : memref<!tpu.dma_semaphore, #tpu.memory_space<semaphore_mem>>
      %dma_start3A = tpu.memref_slice %arg12[%add3A] : memref<20480xf32, #tpu.memory_space<hbm>> -> memref<640xf32, #tpu.memory_space<hbm>>
      %dma_start3A_73 = tpu.memref_slice %arg12[%add3A] : memref<20480xf32, #tpu.memory_space<hbm>> -> memref<640xf32, #tpu.memory_space<hbm>>
      tpu.enqueue_dma source(%arg23 : memref<640xf32, #tpu.memory_space<vmem>>) target(%dma_start3A_73 : memref<640xf32, #tpu.memory_space<hbm>>) target_semaphore(%run_scoped3A : memref<!tpu.dma_semaphore, #tpu.memory_space<semaphore_mem>>)
      %dma_wait3A = tpu.memref_slice %arg12[%add3A] : memref<20480xf32, #tpu.memory_space<hbm>> -> memref<640xf32, #tpu.memory_space<hbm>>
      %dma_wait3A_74 = tpu.memref_slice %arg12[%add3A] : memref<20480xf32, #tpu.memory_space<hbm>> -> memref<640xf32, #tpu.memory_space<hbm>>
      tpu.wait_dma2 semaphore(%run_scoped3A : memref<!tpu.dma_semaphore, #tpu.memory_space<semaphore_mem>>) src(%arg23 : memref<640xf32, #tpu.memory_space<vmem>>) dst(%dma_wait3A_74 : memref<640xf32, #tpu.memory_space<hbm>>)
      tpu.yield
    }) : () -> ()
    %mul3A_17 = arith.constant 10240 : i32
    %mul3A_18 = arith.muli %arg0, %mul3A_17 : i32
    %add3A_19 = arith.addi %mul3A_18, %mul3A_0 : i32
    "tpu.region"() ({
      %run_scoped3A = tpu.sem_alloc : memref<!tpu.dma_semaphore, #tpu.memory_space<semaphore_mem>>
      %dma_start3A = tpu.memref_slice %arg11[%add3A_19] : memref<20480xf32, #tpu.memory_space<hbm>> -> memref<640xf32, #tpu.memory_space<hbm>>
      %dma_start3A_73 = tpu.memref_slice %arg11[%add3A_19] : memref<20480xf32, #tpu.memory_space<hbm>> -> memref<640xf32, #tpu.memory_space<hbm>>
      tpu.enqueue_dma source(%arg24 : memref<640xf32, #tpu.memory_space<vmem>>) target(%dma_start3A_73 : memref<640xf32, #tpu.memory_space<hbm>>) target_semaphore(%run_scoped3A : memref<!tpu.dma_semaphore, #tpu.memory_space<semaphore_mem>>)
      %dma_wait3A = tpu.memref_slice %arg11[%add3A_19] : memref<20480xf32, #tpu.memory_space<hbm>> -> memref<640xf32, #tpu.memory_space<hbm>>
      %dma_wait3A_74 = tpu.memref_slice %arg11[%add3A_19] : memref<20480xf32, #tpu.memory_space<hbm>> -> memref<640xf32, #tpu.memory_space<hbm>>
      tpu.wait_dma2 semaphore(%run_scoped3A : memref<!tpu.dma_semaphore, #tpu.memory_space<semaphore_mem>>) src(%arg24 : memref<640xf32, #tpu.memory_space<vmem>>) dst(%dma_wait3A_74 : memref<640xf32, #tpu.memory_space<hbm>>)
      tpu.yield
    }) : () -> ()
    %barrier3A_20 = arith.constant 0 : index
    tpu.barrier barrier_id(%barrier3A_20)
    %mul3A_21 = arith.constant 16 : i32
    %mul3A_22 = arith.muli %arg0, %mul3A_21 : i32
    %add3A_23 = arith.addi %mul3A_22, %arg1 : i32
    %mul3A_24 = arith.constant 5 : i32
    %mul3A_25 = arith.muli %add3A_23, %mul3A_24 : i32
    %mul3A_26 = arith.constant 10240 : i32
    %mul3A_27 = arith.muli %arg0, %mul3A_26 : i32
    %mul3A_28 = arith.constant 10240 : i32
    %mul3A_29 = arith.muli %arg0, %mul3A_28 : i32
    %div3A = arith.constant 0 : i32
    %div3A_30 = arith.constant 32 : i32
    %div3A_31 = arith.divsi %div3A, %div3A_30 : i32
    %rem3A = arith.constant 2 : i32
    %rem3A_32 = arith.remsi %div3A_31, %rem3A : i32
    %rem3A_33 = arith.constant 0 : i32
    %rem3A_34 = arith.constant 32 : i32
    %rem3A_35 = arith.remsi %rem3A_33, %rem3A_34 : i32
    %eq3A = arith.constant 0 : i32
    %eq3A_36 = arith.cmpi eq, %rem3A_35, %eq3A : i32
    %convert_element_type3A = arith.extui %eq3A_36 : i1 to i32
    %cond3A = arith.constant 0 : i32
    %cond3A_37 = arith.cmpi ne, %convert_element_type3A, %cond3A : i32
    scf.if %cond3A_37 {
      %add3A_73 = arith.addi %mul3A_25, %div3A_31 : i32
      "tpu.region"() ({
        %run_scoped3A = tpu.sem_alloc : memref<!tpu.dma_semaphore, #tpu.memory_space<semaphore_mem>>
        %dma_start3A = arith.constant 0 : i32
        %dma_start3A_75 = arith.constant 0 : i32
        %dma_start3A_76 = tpu.memref_slice %arg13[%rem3A_32, %dma_start3A, %dma_start3A_75] : memref<2x32x64xi32, #tpu.memory_space<vmem>> -> memref<1x32x64xi32, #tpu.memory_space<vmem>>
        %dma_start3A_77 = tpu.memref_squeeze %dma_start3A_76 : memref<1x32x64xi32, #tpu.memory_space<vmem>> -> memref<32x64xi32, #tpu.memory_space<vmem>>
        %dma_start3A_78 = arith.constant 0 : i32
        %dma_start3A_79 = arith.constant 0 : i32
        %dma_start3A_80 = tpu.memref_slice %arg3[%add3A_73, %dma_start3A_78, %dma_start3A_79] : memref<160x32x64xi32, #tpu.memory_space<hbm>> -> memref<1x32x64xi32, #tpu.memory_space<hbm>>
        %dma_start3A_81 = tpu.memref_squeeze %dma_start3A_80 : memref<1x32x64xi32, #tpu.memory_space<hbm>> -> memref<32x64xi32, #tpu.memory_space<hbm>>
        %dma_start3A_82 = arith.constant 0 : i32
        %dma_start3A_83 = arith.constant 0 : i32
        %dma_start3A_84 = tpu.memref_slice %arg13[%rem3A_32, %dma_start3A_82, %dma_start3A_83] : memref<2x32x64xi32, #tpu.memory_space<vmem>> -> memref<1x32x64xi32, #tpu.memory_space<vmem>>
        %dma_start3A_85 = tpu.memref_squeeze %dma_start3A_84 : memref<1x32x64xi32, #tpu.memory_space<vmem>> -> memref<32x64xi32, #tpu.memory_space<vmem>>
        %dma_start3A_86 = arith.constant 0 : i32
        %dma_start3A_87 = arith.constant 0 : i32
        %dma_start3A_88 = tpu.memref_slice %arg3[%add3A_73, %dma_start3A_86, %dma_start3A_87] : memref<160x32x64xi32, #tpu.memory_space<hbm>> -> memref<1x32x64xi32, #tpu.memory_space<hbm>>
        %dma_start3A_89 = tpu.memref_squeeze %dma_start3A_88 : memref<1x32x64xi32, #tpu.memory_space<hbm>> -> memref<32x64xi32, #tpu.memory_space<hbm>>
        tpu.enqueue_dma source(%dma_start3A_89 : memref<32x64xi32, #tpu.memory_space<hbm>>) target(%dma_start3A_85 : memref<32x64xi32, #tpu.memory_space<vmem>>) target_semaphore(%run_scoped3A : memref<!tpu.dma_semaphore, #tpu.memory_space<semaphore_mem>>)
        %dma_wait3A = arith.constant 0 : i32
        %dma_wait3A_90 = arith.constant 0 : i32
        %dma_wait3A_91 = tpu.memref_slice %arg13[%rem3A_32, %dma_wait3A, %dma_wait3A_90] : memref<2x32x64xi32, #tpu.memory_space<vmem>> -> memref<1x32x64xi32, #tpu.memory_space<vmem>>
        %dma_wait3A_92 = tpu.memref_squeeze %dma_wait3A_91 : memref<1x32x64xi32, #tpu.memory_space<vmem>> -> memref<32x64xi32, #tpu.memory_space<vmem>>
        %dma_wait3A_93 = arith.constant 0 : i32
        %dma_wait3A_94 = arith.constant 0 : i32
        %dma_wait3A_95 = tpu.memref_slice %arg3[%add3A_73, %dma_wait3A_93, %dma_wait3A_94] : memref<160x32x64xi32, #tpu.memory_space<hbm>> -> memref<1x32x64xi32, #tpu.memory_space<hbm>>
        %dma_wait3A_96 = tpu.memref_squeeze %dma_wait3A_95 : memref<1x32x64xi32, #tpu.memory_space<hbm>> -> memref<32x64xi32, #tpu.memory_space<hbm>>
        %dma_wait3A_97 = arith.constant 0 : i32
        %dma_wait3A_98 = arith.constant 0 : i32
        %dma_wait3A_99 = tpu.memref_slice %arg13[%rem3A_32, %dma_wait3A_97, %dma_wait3A_98] : memref<2x32x64xi32, #tpu.memory_space<vmem>> -> memref<1x32x64xi32, #tpu.memory_space<vmem>>
        %dma_wait3A_100 = tpu.memref_squeeze %dma_wait3A_99 : memref<1x32x64xi32, #tpu.memory_space<vmem>> -> memref<32x64xi32, #tpu.memory_space<vmem>>
        %dma_wait3A_101 = arith.constant 0 : i32
        %dma_wait3A_102 = arith.constant 0 : i32
        %dma_wait3A_103 = tpu.memref_slice %arg3[%add3A_73, %dma_wait3A_101, %dma_wait3A_102] : memref<160x32x64xi32, #tpu.memory_space<hbm>> -> memref<1x32x64xi32, #tpu.memory_space<hbm>>
        %dma_wait3A_104 = tpu.memref_squeeze %dma_wait3A_103 : memref<1x32x64xi32, #tpu.memory_space<hbm>> -> memref<32x64xi32, #tpu.memory_space<hbm>>
        tpu.wait_dma2 semaphore(%run_scoped3A : memref<!tpu.dma_semaphore, #tpu.memory_space<semaphore_mem>>) src(%dma_wait3A_104 : memref<32x64xi32, #tpu.memory_space<hbm>>) dst(%dma_wait3A_100 : memref<32x64xi32, #tpu.memory_space<vmem>>)
        tpu.yield
      }) : () -> ()
      %add3A_74 = arith.addi %mul3A_25, %div3A_31 : i32
      "tpu.region"() ({
        %run_scoped3A = tpu.sem_alloc : memref<!tpu.dma_semaphore, #tpu.memory_space<semaphore_mem>>
        %dma_start3A = arith.constant 0 : i32
        %dma_start3A_75 = arith.constant 0 : i32
        %dma_start3A_76 = tpu.memref_slice %arg14[%rem3A_32, %dma_start3A, %dma_start3A_75] : memref<2x32x64xi32, #tpu.memory_space<vmem>> -> memref<1x32x64xi32, #tpu.memory_space<vmem>>
        %dma_start3A_77 = tpu.memref_squeeze %dma_start3A_76 : memref<1x32x64xi32, #tpu.memory_space<vmem>> -> memref<32x64xi32, #tpu.memory_space<vmem>>
        %dma_start3A_78 = arith.constant 0 : i32
        %dma_start3A_79 = arith.constant 0 : i32
        %dma_start3A_80 = tpu.memref_slice %arg4[%add3A_74, %dma_start3A_78, %dma_start3A_79] : memref<160x32x64xi32, #tpu.memory_space<hbm>> -> memref<1x32x64xi32, #tpu.memory_space<hbm>>
        %dma_start3A_81 = tpu.memref_squeeze %dma_start3A_80 : memref<1x32x64xi32, #tpu.memory_space<hbm>> -> memref<32x64xi32, #tpu.memory_space<hbm>>
        %dma_start3A_82 = arith.constant 0 : i32
        %dma_start3A_83 = arith.constant 0 : i32
        %dma_start3A_84 = tpu.memref_slice %arg14[%rem3A_32, %dma_start3A_82, %dma_start3A_83] : memref<2x32x64xi32, #tpu.memory_space<vmem>> -> memref<1x32x64xi32, #tpu.memory_space<vmem>>
        %dma_start3A_85 = tpu.memref_squeeze %dma_start3A_84 : memref<1x32x64xi32, #tpu.memory_space<vmem>> -> memref<32x64xi32, #tpu.memory_space<vmem>>
        %dma_start3A_86 = arith.constant 0 : i32
        %dma_start3A_87 = arith.constant 0 : i32
        %dma_start3A_88 = tpu.memref_slice %arg4[%add3A_74, %dma_start3A_86, %dma_start3A_87] : memref<160x32x64xi32, #tpu.memory_space<hbm>> -> memref<1x32x64xi32, #tpu.memory_space<hbm>>
        %dma_start3A_89 = tpu.memref_squeeze %dma_start3A_88 : memref<1x32x64xi32, #tpu.memory_space<hbm>> -> memref<32x64xi32, #tpu.memory_space<hbm>>
        tpu.enqueue_dma source(%dma_start3A_89 : memref<32x64xi32, #tpu.memory_space<hbm>>) target(%dma_start3A_85 : memref<32x64xi32, #tpu.memory_space<vmem>>) target_semaphore(%run_scoped3A : memref<!tpu.dma_semaphore, #tpu.memory_space<semaphore_mem>>)
        %dma_wait3A = arith.constant 0 : i32
        %dma_wait3A_90 = arith.constant 0 : i32
        %dma_wait3A_91 = tpu.memref_slice %arg14[%rem3A_32, %dma_wait3A, %dma_wait3A_90] : memref<2x32x64xi32, #tpu.memory_space<vmem>> -> memref<1x32x64xi32, #tpu.memory_space<vmem>>
        %dma_wait3A_92 = tpu.memref_squeeze %dma_wait3A_91 : memref<1x32x64xi32, #tpu.memory_space<vmem>> -> memref<32x64xi32, #tpu.memory_space<vmem>>
        %dma_wait3A_93 = arith.constant 0 : i32
        %dma_wait3A_94 = arith.constant 0 : i32
        %dma_wait3A_95 = tpu.memref_slice %arg4[%add3A_74, %dma_wait3A_93, %dma_wait3A_94] : memref<160x32x64xi32, #tpu.memory_space<hbm>> -> memref<1x32x64xi32, #tpu.memory_space<hbm>>
        %dma_wait3A_96 = tpu.memref_squeeze %dma_wait3A_95 : memref<1x32x64xi32, #tpu.memory_space<hbm>> -> memref<32x64xi32, #tpu.memory_space<hbm>>
        %dma_wait3A_97 = arith.constant 0 : i32
        %dma_wait3A_98 = arith.constant 0 : i32
        %dma_wait3A_99 = tpu.memref_slice %arg14[%rem3A_32, %dma_wait3A_97, %dma_wait3A_98] : memref<2x32x64xi32, #tpu.memory_space<vmem>> -> memref<1x32x64xi32, #tpu.memory_space<vmem>>
        %dma_wait3A_100 = tpu.memref_squeeze %dma_wait3A_99 : memref<1x32x64xi32, #tpu.memory_space<vmem>> -> memref<32x64xi32, #tpu.memory_space<vmem>>
        %dma_wait3A_101 = arith.constant 0 : i32
        %dma_wait3A_102 = arith.constant 0 : i32
        %dma_wait3A_103 = tpu.memref_slice %arg4[%add3A_74, %dma_wait3A_101, %dma_wait3A_102] : memref<160x32x64xi32, #tpu.memory_space<hbm>> -> memref<1x32x64xi32, #tpu.memory_space<hbm>>
        %dma_wait3A_104 = tpu.memref_squeeze %dma_wait3A_103 : memref<1x32x64xi32, #tpu.memory_space<hbm>> -> memref<32x64xi32, #tpu.memory_space<hbm>>
        tpu.wait_dma2 semaphore(%run_scoped3A : memref<!tpu.dma_semaphore, #tpu.memory_space<semaphore_mem>>) src(%dma_wait3A_104 : memref<32x64xi32, #tpu.memory_space<hbm>>) dst(%dma_wait3A_100 : memref<32x64xi32, #tpu.memory_space<vmem>>)
        tpu.yield
      }) : () -> ()
    } else {
    }
    %scan3A_38 = arith.constant 0 : i32
    %scan3A_39 = arith.constant 0 : i32
    %scan3A_40 = arith.constant 53 : i32
    %scan3A_41 = arith.addi %scan3A_39, %scan3A_40 : i32
    %scan3A_42 = arith.constant 1 : i32
    %scan3A_43 = scf.for %scan3A_73 = %scan3A_39 to %scan3A_41 step %scan3A_42 iter_args(%scan3A_74 = %scan3A_38) -> (i32)  : i32 {
      %mul3A_75 = arith.constant 3 : i32
      %mul3A_76 = arith.muli %scan3A_73, %mul3A_75 : i32
      %add3A_77 = arith.constant 0 : i32
      %add3A_78 = arith.addi %mul3A_76, %add3A_77 : i32
      %div3A_79 = arith.constant 32 : i32
      %div3A_80 = arith.divsi %add3A_78, %div3A_79 : i32
      %rem3A_81 = arith.constant 2 : i32
      %rem3A_82 = arith.remsi %div3A_80, %rem3A_81 : i32
      %rem3A_83 = arith.constant 32 : i32
      %rem3A_84 = arith.remsi %add3A_78, %rem3A_83 : i32
      "tpu.region"() ({
        %run_scoped3A = tpu.sem_alloc : memref<!tpu.dma_semaphore, #tpu.memory_space<semaphore_mem>>
        %dma_start3A = arith.constant 0 : i32
        %dma_start3A_168 = tpu.memref_slice %arg13[%rem3A_82, %rem3A_84, %dma_start3A] : memref<2x32x64xi32, #tpu.memory_space<vmem>> -> memref<1x1x64xi32, #tpu.memory_space<vmem>>
        %dma_start3A_169 = tpu.memref_squeeze %dma_start3A_168 : memref<1x1x64xi32, #tpu.memory_space<vmem>> -> memref<64xi32, #tpu.memory_space<vmem>>
        %dma_start3A_170 = arith.constant 0 : i32
        %dma_start3A_171 = arith.constant 0 : i32
        %dma_start3A_172 = tpu.memref_slice %arg2[%dma_start3A_170, %dma_start3A_171] : memref<10240x128xf32, #tpu.memory_space<hbm>> -> memref<10240x128xf32, #tpu.memory_space<hbm>>
        tpu.enqueue_indirect_dma source(%dma_start3A_172 : memref<10240x128xf32, #tpu.memory_space<hbm>>) target(%arg16 : memref<64x128xf32, #tpu.memory_space<vmem>>) offsets(%dma_start3A_169 : memref<64xi32, #tpu.memory_space<vmem>>) semaphore(%run_scoped3A : memref<!tpu.dma_semaphore, #tpu.memory_space<semaphore_mem>>)
        %dma_wait3A = arith.constant 0 : i32
        %dma_wait3A_173 = tpu.memref_slice %arg13[%rem3A_82, %rem3A_84, %dma_wait3A] : memref<2x32x64xi32, #tpu.memory_space<vmem>> -> memref<1x1x64xi32, #tpu.memory_space<vmem>>
        %dma_wait3A_174 = tpu.memref_squeeze %dma_wait3A_173 : memref<1x1x64xi32, #tpu.memory_space<vmem>> -> memref<64xi32, #tpu.memory_space<vmem>>
        %dma_wait3A_175 = arith.constant 0 : i32
        %dma_wait3A_176 = arith.constant 0 : i32
        %dma_wait3A_177 = tpu.memref_slice %arg2[%dma_wait3A_175, %dma_wait3A_176] : memref<10240x128xf32, #tpu.memory_space<hbm>> -> memref<10240x128xf32, #tpu.memory_space<hbm>>
        tpu.wait_indirect_dma semaphore(%run_scoped3A : memref<!tpu.dma_semaphore, #tpu.memory_space<semaphore_mem>>) src(%dma_wait3A_177 : memref<10240x128xf32, #tpu.memory_space<hbm>>) dst(%arg16 : memref<64x128xf32, #tpu.memory_space<vmem>>)
        tpu.yield
      }) : () -> ()
      "tpu.region"() ({
        %run_scoped3A = tpu.sem_alloc : memref<!tpu.dma_semaphore, #tpu.memory_space<semaphore_mem>>
        %dma_start3A = arith.constant 0 : i32
        %dma_start3A_168 = tpu.memref_slice %arg19[%dma_start3A] : memref<192xf32, #tpu.memory_space<vmem>> -> memref<64xf32, #tpu.memory_space<vmem>>
        %dma_start3A_169 = arith.constant 0 : i32
        %dma_start3A_170 = tpu.memref_slice %arg13[%rem3A_82, %rem3A_84, %dma_start3A_169] : memref<2x32x64xi32, #tpu.memory_space<vmem>> -> memref<1x1x64xi32, #tpu.memory_space<vmem>>
        %dma_start3A_171 = tpu.memref_squeeze %dma_start3A_170 : memref<1x1x64xi32, #tpu.memory_space<vmem>> -> memref<64xi32, #tpu.memory_space<vmem>>
        %dma_start3A_172 = tpu.memref_slice %arg11[%mul3A_27] : memref<20480xf32, #tpu.memory_space<hbm>> -> memref<10240xf32, #tpu.memory_space<hbm>>
        %dma_start3A_173 = arith.constant 0 : i32
        %dma_start3A_174 = tpu.memref_slice %dma_start3A_172[%dma_start3A_173] : memref<10240xf32, #tpu.memory_space<hbm>> -> memref<10240xf32, #tpu.memory_space<hbm>>
        tpu.enqueue_indirect_dma source(%dma_start3A_174 : memref<10240xf32, #tpu.memory_space<hbm>>) target(%dma_start3A_168 : memref<64xf32, #tpu.memory_space<vmem>>) offsets(%dma_start3A_171 : memref<64xi32, #tpu.memory_space<vmem>>) semaphore(%run_scoped3A : memref<!tpu.dma_semaphore, #tpu.memory_space<semaphore_mem>>)
        %dma_wait3A = arith.constant 0 : i32
        %dma_wait3A_175 = tpu.memref_slice %arg19[%dma_wait3A] : memref<192xf32, #tpu.memory_space<vmem>> -> memref<64xf32, #tpu.memory_space<vmem>>
        %dma_wait3A_176 = arith.constant 0 : i32
        %dma_wait3A_177 = tpu.memref_slice %arg13[%rem3A_82, %rem3A_84, %dma_wait3A_176] : memref<2x32x64xi32, #tpu.memory_space<vmem>> -> memref<1x1x64xi32, #tpu.memory_space<vmem>>
        %dma_wait3A_178 = tpu.memref_squeeze %dma_wait3A_177 : memref<1x1x64xi32, #tpu.memory_space<vmem>> -> memref<64xi32, #tpu.memory_space<vmem>>
        %dma_wait3A_179 = tpu.memref_slice %arg11[%mul3A_27] : memref<20480xf32, #tpu.memory_space<hbm>> -> memref<10240xf32, #tpu.memory_space<hbm>>
        %dma_wait3A_180 = arith.constant 0 : i32
        %dma_wait3A_181 = tpu.memref_slice %dma_wait3A_179[%dma_wait3A_180] : memref<10240xf32, #tpu.memory_space<hbm>> -> memref<10240xf32, #tpu.memory_space<hbm>>
        tpu.wait_indirect_dma semaphore(%run_scoped3A : memref<!tpu.dma_semaphore, #tpu.memory_space<semaphore_mem>>) src(%dma_wait3A_181 : memref<10240xf32, #tpu.memory_space<hbm>>) dst(%dma_wait3A_175 : memref<64xf32, #tpu.memory_space<vmem>>)
        tpu.yield
      }) : () -> ()
      "tpu.region"() ({
        %run_scoped3A = tpu.sem_alloc : memref<!tpu.dma_semaphore, #tpu.memory_space<semaphore_mem>>
        %dma_start3A = arith.constant 0 : i32
        %dma_start3A_168 = tpu.memref_slice %arg20[%dma_start3A] : memref<192xf32, #tpu.memory_space<vmem>> -> memref<64xf32, #tpu.memory_space<vmem>>
        %dma_start3A_169 = arith.constant 0 : i32
        %dma_start3A_170 = tpu.memref_slice %arg14[%rem3A_82, %rem3A_84, %dma_start3A_169] : memref<2x32x64xi32, #tpu.memory_space<vmem>> -> memref<1x1x64xi32, #tpu.memory_space<vmem>>
        %dma_start3A_171 = tpu.memref_squeeze %dma_start3A_170 : memref<1x1x64xi32, #tpu.memory_space<vmem>> -> memref<64xi32, #tpu.memory_space<vmem>>
        %dma_start3A_172 = tpu.memref_slice %arg12[%mul3A_29] : memref<20480xf32, #tpu.memory_space<hbm>> -> memref<10240xf32, #tpu.memory_space<hbm>>
        %dma_start3A_173 = arith.constant 0 : i32
        %dma_start3A_174 = tpu.memref_slice %dma_start3A_172[%dma_start3A_173] : memref<10240xf32, #tpu.memory_space<hbm>> -> memref<10240xf32, #tpu.memory_space<hbm>>
        tpu.enqueue_indirect_dma source(%dma_start3A_174 : memref<10240xf32, #tpu.memory_space<hbm>>) target(%dma_start3A_168 : memref<64xf32, #tpu.memory_space<vmem>>) offsets(%dma_start3A_171 : memref<64xi32, #tpu.memory_space<vmem>>) semaphore(%run_scoped3A : memref<!tpu.dma_semaphore, #tpu.memory_space<semaphore_mem>>)
        %dma_wait3A = arith.constant 0 : i32
        %dma_wait3A_175 = tpu.memref_slice %arg20[%dma_wait3A] : memref<192xf32, #tpu.memory_space<vmem>> -> memref<64xf32, #tpu.memory_space<vmem>>
        %dma_wait3A_176 = arith.constant 0 : i32
        %dma_wait3A_177 = tpu.memref_slice %arg14[%rem3A_82, %rem3A_84, %dma_wait3A_176] : memref<2x32x64xi32, #tpu.memory_space<vmem>> -> memref<1x1x64xi32, #tpu.memory_space<vmem>>
        %dma_wait3A_178 = tpu.memref_squeeze %dma_wait3A_177 : memref<1x1x64xi32, #tpu.memory_space<vmem>> -> memref<64xi32, #tpu.memory_space<vmem>>
        %dma_wait3A_179 = tpu.memref_slice %arg12[%mul3A_29] : memref<20480xf32, #tpu.memory_space<hbm>> -> memref<10240xf32, #tpu.memory_space<hbm>>
        %dma_wait3A_180 = arith.constant 0 : i32
        %dma_wait3A_181 = tpu.memref_slice %dma_wait3A_179[%dma_wait3A_180] : memref<10240xf32, #tpu.memory_space<hbm>> -> memref<10240xf32, #tpu.memory_space<hbm>>
        tpu.wait_indirect_dma semaphore(%run_scoped3A : memref<!tpu.dma_semaphore, #tpu.memory_space<semaphore_mem>>) src(%dma_wait3A_181 : memref<10240xf32, #tpu.memory_space<hbm>>) dst(%dma_wait3A_175 : memref<64xf32, #tpu.memory_space<vmem>>)
        tpu.yield
      }) : () -> ()
      %scan3A_85 = arith.constant 0 : i32
      %scan3A_86 = arith.constant 0 : i32
      %scan3A_87 = arith.constant 4 : i32
      %scan3A_88 = arith.addi %scan3A_86, %scan3A_87 : i32
      %scan3A_89 = arith.constant 1 : i32
      %scan3A_90 = scf.for %scan3A_168 = %scan3A_86 to %scan3A_88 step %scan3A_89 iter_args(%scan3A_169 = %scan3A_85) -> (i32)  : i32 {
        %mul3A_170 = arith.constant 16 : i32
        %mul3A_171 = arith.muli %scan3A_168, %mul3A_170 : i32
        %add3A_172 = arith.constant 0 : i32
        %add3A_173 = arith.addi %add3A_172, %mul3A_171 : i32
        %get3A = arith.index_cast %add3A_173 : i32 to index
        %get3A_174 = tpu.vector_load %arg20[%get3A] {strides = array<i32>} : memref<192xf32, #tpu.memory_space<vmem>>, vector<16xf32>,
        %mul3A_175 = arith.mulf %get3A_174, %get3A_174 : vector<16xf32>
        %div3A_176 = arith.constant 1.000000e+00 : f32
        %div3A_177 = vector.broadcast %div3A_176 : f32 to vector<16xf32>
        %div3A_178 = arith.divf %div3A_177, %mul3A_175 : vector<16xf32>
        %sub3A = arith.constant 1.000000e+00 : f32
        %sub3A_179 = vector.broadcast %sub3A : f32 to vector<16xf32>
        %sub3A_180 = arith.subf %div3A_178, %sub3A_179 : vector<16xf32>
        %max3A = arith.constant 1.000000e+00 : f32
        %max3A_181 = vector.broadcast %max3A : f32 to vector<16xf32>
        %max3A_182 = arith.maximumf %sub3A_180, %max3A_181 : vector<16xf32>
        %div3A_183 = arith.constant 1.000000e+00 : f32
        %div3A_184 = vector.broadcast %div3A_183 : f32 to vector<16xf32>
        %div3A_185 = arith.divf %div3A_184, %max3A_182 : vector<16xf32>
        %get3A_186 = arith.index_cast %add3A_173 : i32 to index
        %get3A_187 = tpu.vector_load %arg19[%get3A_186] {strides = array<i32>} : memref<192xf32, #tpu.memory_space<vmem>>, vector<16xf32>,
        %mul3A_188 = arith.mulf %get3A_187, %get3A_174 : vector<16xf32>
        %add3A_189 = arith.addf %mul3A_188, %div3A_185 : vector<16xf32>
        %swap3A = arith.index_cast %add3A_173 : i32 to index
        %swap3A_190 = tpu.vector_load %arg21[%swap3A] {strides = array<i32>} : memref<192xf32, #tpu.memory_space<vmem>>, vector<16xf32>,
        tpu.vector_store %arg21[%swap3A], %add3A_189 {strides = array<i32>} : memref<192xf32, #tpu.memory_space<vmem>>, vector<16xf32>,
        %scan3A_191 = arith.constant 0 : i32
        scf.yield %scan3A_191 : i32
      }
      %scan3A_91 = arith.constant 4 : i32
      %scan3A_92 = arith.constant 0 : i32
      %scan3A_93 = arith.constant 0 : i32
      %scan3A_94 = arith.constant 64 : i32
      %scan3A_95 = arith.addi %scan3A_93, %scan3A_94 : i32
      %scan3A_96 = arith.constant 1 : i32
      %scan3A_97 = scf.for %scan3A_168 = %scan3A_93 to %scan3A_95 step %scan3A_96 iter_args(%scan3A_169 = %scan3A_92) -> (i32)  : i32 {
        %add3A_170 = arith.constant 0 : i32
        %add3A_171 = arith.addi %add3A_170, %scan3A_168 : i32
        %broadcast_in_dim3A = arith.constant 0 : i32
        %broadcast_in_dim3A_172 = vector.broadcast %broadcast_in_dim3A : i32 to vector<16xi32>
        %add3A_173 = vector.broadcast %add3A_171 : i32 to vector<16xi32>
        %add3A_174 = arith.addi %broadcast_in_dim3A_172, %add3A_173 : vector<16xi32>
        %gather3A = tpu.vector_load_idx %arg21[%add3A_174] : memref<192xf32, #tpu.memory_space<vmem>>[vector<16xi32>], vector<16xf32>,
        %get3A = arith.index_cast %scan3A_168 : i32 to index
        %get3A_175 = arith.constant 0 : index
        %get3A_176 = tpu.vector_load %arg16[%get3A, %get3A_175] {strides = array<i32>} : memref<64x128xf32, #tpu.memory_space<vmem>>, vector<16xf32>,
        %mul3A_177 = arith.mulf %get3A_176, %gather3A : vector<16xf32>
        %swap3A = arith.index_cast %scan3A_168 : i32 to index
        %swap3A_178 = arith.constant 0 : index
        %swap3A_179 = tpu.vector_load %arg16[%swap3A, %swap3A_178] {strides = array<i32>} : memref<64x128xf32, #tpu.memory_space<vmem>>, vector<16xf32>,
        tpu.vector_store %arg16[%swap3A, %swap3A_178], %mul3A_177 {strides = array<i32>} : memref<64x128xf32, #tpu.memory_space<vmem>>, vector<16xf32>,
        %get3A_180 = arith.index_cast %scan3A_168 : i32 to index
        %get3A_181 = arith.constant 16 : index
        %get3A_182 = tpu.vector_load %arg16[%get3A_180, %get3A_181] {strides = array<i32>} : memref<64x128xf32, #tpu.memory_space<vmem>>, vector<16xf32>,
        %mul3A_183 = arith.mulf %get3A_182, %gather3A : vector<16xf32>
        %swap3A_184 = arith.index_cast %scan3A_168 : i32 to index
        %swap3A_185 = arith.constant 16 : index
        %swap3A_186 = tpu.vector_load %arg16[%swap3A_184, %swap3A_185] {strides = array<i32>} : memref<64x128xf32, #tpu.memory_space<vmem>>, vector<16xf32>,
        tpu.vector_store %arg16[%swap3A_184, %swap3A_185], %mul3A_183 {strides = array<i32>} : memref<64x128xf32, #tpu.memory_space<vmem>>, vector<16xf32>,
        %get3A_187 = arith.index_cast %scan3A_168 : i32 to index
        %get3A_188 = arith.constant 32 : index
        %get3A_189 = tpu.vector_load %arg16[%get3A_187, %get3A_188] {strides = array<i32>} : memref<64x128xf32, #tpu.memory_space<vmem>>, vector<16xf32>,
        %mul3A_190 = arith.mulf %get3A_189, %gather3A : vector<16xf32>
        %swap3A_191 = arith.index_cast %scan3A_168 : i32 to index
        %swap3A_192 = arith.constant 32 : index
        %swap3A_193 = tpu.vector_load %arg16[%swap3A_191, %swap3A_192] {strides = array<i32>} : memref<64x128xf32, #tpu.memory_space<vmem>>, vector<16xf32>,
        tpu.vector_store %arg16[%swap3A_191, %swap3A_192], %mul3A_190 {strides = array<i32>} : memref<64x128xf32, #tpu.memory_space<vmem>>, vector<16xf32>,
        %get3A_194 = arith.index_cast %scan3A_168 : i32 to index
        %get3A_195 = arith.constant 48 : index
        %get3A_196 = tpu.vector_load %arg16[%get3A_194, %get3A_195] {strides = array<i32>} : memref<64x128xf32, #tpu.memory_space<vmem>>, vector<16xf32>,
        %mul3A_197 = arith.mulf %get3A_196, %gather3A : vector<16xf32>
        %swap3A_198 = arith.index_cast %scan3A_168 : i32 to index
        %swap3A_199 = arith.constant 48 : index
        %swap3A_200 = tpu.vector_load %arg16[%swap3A_198, %swap3A_199] {strides = array<i32>} : memref<64x128xf32, #tpu.memory_space<vmem>>, vector<16xf32>,
        tpu.vector_store %arg16[%swap3A_198, %swap3A_199], %mul3A_197 {strides = array<i32>} : memref<64x128xf32, #tpu.memory_space<vmem>>, vector<16xf32>,
        %get3A_201 = arith.index_cast %scan3A_168 : i32 to index
        %get3A_202 = arith.constant 64 : index
        %get3A_203 = tpu.vector_load %arg16[%get3A_201, %get3A_202] {strides = array<i32>} : memref<64x128xf32, #tpu.memory_space<vmem>>, vector<16xf32>,
        %mul3A_204 = arith.mulf %get3A_203, %gather3A : vector<16xf32>
        %swap3A_205 = arith.index_cast %scan3A_168 : i32 to index
        %swap3A_206 = arith.constant 64 : index
        %swap3A_207 = tpu.vector_load %arg16[%swap3A_205, %swap3A_206] {strides = array<i32>} : memref<64x128xf32, #tpu.memory_space<vmem>>, vector<16xf32>,
        tpu.vector_store %arg16[%swap3A_205, %swap3A_206], %mul3A_204 {strides = array<i32>} : memref<64x128xf32, #tpu.memory_space<vmem>>, vector<16xf32>,
        %get3A_208 = arith.index_cast %scan3A_168 : i32 to index
        %get3A_209 = arith.constant 80 : index
        %get3A_210 = tpu.vector_load %arg16[%get3A_208, %get3A_209] {strides = array<i32>} : memref<64x128xf32, #tpu.memory_space<vmem>>, vector<16xf32>,
        %mul3A_211 = arith.mulf %get3A_210, %gather3A : vector<16xf32>
        %swap3A_212 = arith.index_cast %scan3A_168 : i32 to index
        %swap3A_213 = arith.constant 80 : index
        %swap3A_214 = tpu.vector_load %arg16[%swap3A_212, %swap3A_213] {strides = array<i32>} : memref<64x128xf32, #tpu.memory_space<vmem>>, vector<16xf32>,
        tpu.vector_store %arg16[%swap3A_212, %swap3A_213], %mul3A_211 {strides = array<i32>} : memref<64x128xf32, #tpu.memory_space<vmem>>, vector<16xf32>,
        %get3A_215 = arith.index_cast %scan3A_168 : i32 to index
        %get3A_216 = arith.constant 96 : index
        %get3A_217 = tpu.vector_load %arg16[%get3A_215, %get3A_216] {strides = array<i32>} : memref<64x128xf32, #tpu.memory_space<vmem>>, vector<16xf32>,
        %mul3A_218 = arith.mulf %get3A_217, %gather3A : vector<16xf32>
        %swap3A_219 = arith.index_cast %scan3A_168 : i32 to index
        %swap3A_220 = arith.constant 96 : index
        %swap3A_221 = tpu.vector_load %arg16[%swap3A_219, %swap3A_220] {strides = array<i32>} : memref<64x128xf32, #tpu.memory_space<vmem>>, vector<16xf32>,
        tpu.vector_store %arg16[%swap3A_219, %swap3A_220], %mul3A_218 {strides = array<i32>} : memref<64x128xf32, #tpu.memory_space<vmem>>, vector<16xf32>,
        %get3A_222 = arith.index_cast %scan3A_168 : i32 to index
        %get3A_223 = arith.constant 112 : index
        %get3A_224 = tpu.vector_load %arg16[%get3A_222, %get3A_223] {strides = array<i32>} : memref<64x128xf32, #tpu.memory_space<vmem>>, vector<16xf32>,
        %mul3A_225 = arith.mulf %get3A_224, %gather3A : vector<16xf32>
        %swap3A_226 = arith.index_cast %scan3A_168 : i32 to index
        %swap3A_227 = arith.constant 112 : index
        %swap3A_228 = tpu.vector_load %arg16[%swap3A_226, %swap3A_227] {strides = array<i32>} : memref<64x128xf32, #tpu.memory_space<vmem>>, vector<16xf32>,
        tpu.vector_store %arg16[%swap3A_226, %swap3A_227], %mul3A_225 {strides = array<i32>} : memref<64x128xf32, #tpu.memory_space<vmem>>, vector<16xf32>,
        %scan3A_229 = arith.constant 0 : i32
        scf.yield %scan3A_229 : i32
      }
      %scan3A_98 = arith.constant 64 : i32
      %add3A_99 = arith.constant 2 : i32
      %add3A_100 = arith.addi %add3A_78, %add3A_99 : i32
      %lt3A = arith.constant 160 : i32
      %lt3A_101 = arith.cmpi slt, %add3A_100, %lt3A : i32
      %convert_element_type3A_102 = arith.extui %lt3A_101 : i1 to i32
      %cond3A_103 = arith.constant 0 : i32
      %cond3A_104 = arith.cmpi ne, %convert_element_type3A_102, %cond3A_103 : i32
      scf.if %cond3A_104 {
        %div3A_168 = arith.constant 32 : i32
        %div3A_169 = arith.divsi %add3A_100, %div3A_168 : i32
        %rem3A_170 = arith.constant 2 : i32
        %rem3A_171 = arith.remsi %div3A_169, %rem3A_170 : i32
        %rem3A_172 = arith.constant 32 : i32
        %rem3A_173 = arith.remsi %add3A_100, %rem3A_172 : i32
        %eq3A_174 = arith.constant 0 : i32
        %eq3A_175 = arith.cmpi eq, %rem3A_173, %eq3A_174 : i32
        %convert_element_type3A_176 = arith.extui %eq3A_175 : i1 to i32
        %cond3A_177 = arith.constant 0 : i32
        %cond3A_178 = arith.cmpi ne, %convert_element_type3A_176, %cond3A_177 : i32
        scf.if %cond3A_178 {
          %add3A_179 = arith.addi %mul3A_25, %div3A_169 : i32
          "tpu.region"() ({
            %run_scoped3A = tpu.sem_alloc : memref<!tpu.dma_semaphore, #tpu.memory_space<semaphore_mem>>
            %dma_start3A = arith.constant 0 : i32
            %dma_start3A_181 = arith.constant 0 : i32
            %dma_start3A_182 = tpu.memref_slice %arg13[%rem3A_171, %dma_start3A, %dma_start3A_181] : memref<2x32x64xi32, #tpu.memory_space<vmem>> -> memref<1x32x64xi32, #tpu.memory_space<vmem>>
            %dma_start3A_183 = tpu.memref_squeeze %dma_start3A_182 : memref<1x32x64xi32, #tpu.memory_space<vmem>> -> memref<32x64xi32, #tpu.memory_space<vmem>>
            %dma_start3A_184 = arith.constant 0 : i32
            %dma_start3A_185 = arith.constant 0 : i32
            %dma_start3A_186 = tpu.memref_slice %arg3[%add3A_179, %dma_start3A_184, %dma_start3A_185] : memref<160x32x64xi32, #tpu.memory_space<hbm>> -> memref<1x32x64xi32, #tpu.memory_space<hbm>>
            %dma_start3A_187 = tpu.memref_squeeze %dma_start3A_186 : memref<1x32x64xi32, #tpu.memory_space<hbm>> -> memref<32x64xi32, #tpu.memory_space<hbm>>
            %dma_start3A_188 = arith.constant 0 : i32
            %dma_start3A_189 = arith.constant 0 : i32
            %dma_start3A_190 = tpu.memref_slice %arg13[%rem3A_171, %dma_start3A_188, %dma_start3A_189] : memref<2x32x64xi32, #tpu.memory_space<vmem>> -> memref<1x32x64xi32, #tpu.memory_space<vmem>>
            %dma_start3A_191 = tpu.memref_squeeze %dma_start3A_190 : memref<1x32x64xi32, #tpu.memory_space<vmem>> -> memref<32x64xi32, #tpu.memory_space<vmem>>
            %dma_start3A_192 = arith.constant 0 : i32
            %dma_start3A_193 = arith.constant 0 : i32
            %dma_start3A_194 = tpu.memref_slice %arg3[%add3A_179, %dma_start3A_192, %dma_start3A_193] : memref<160x32x64xi32, #tpu.memory_space<hbm>> -> memref<1x32x64xi32, #tpu.memory_space<hbm>>
            %dma_start3A_195 = tpu.memref_squeeze %dma_start3A_194 : memref<1x32x64xi32, #tpu.memory_space<hbm>> -> memref<32x64xi32, #tpu.memory_space<hbm>>
            tpu.enqueue_dma source(%dma_start3A_195 : memref<32x64xi32, #tpu.memory_space<hbm>>) target(%dma_start3A_191 : memref<32x64xi32, #tpu.memory_space<vmem>>) target_semaphore(%run_scoped3A : memref<!tpu.dma_semaphore, #tpu.memory_space<semaphore_mem>>)
            %dma_wait3A = arith.constant 0 : i32
            %dma_wait3A_196 = arith.constant 0 : i32
            %dma_wait3A_197 = tpu.memref_slice %arg13[%rem3A_171, %dma_wait3A, %dma_wait3A_196] : memref<2x32x64xi32, #tpu.memory_space<vmem>> -> memref<1x32x64xi32, #tpu.memory_space<vmem>>
            %dma_wait3A_198 = tpu.memref_squeeze %dma_wait3A_197 : memref<1x32x64xi32, #tpu.memory_space<vmem>> -> memref<32x64xi32, #tpu.memory_space<vmem>>
            %dma_wait3A_199 = arith.constant 0 : i32
            %dma_wait3A_200 = arith.constant 0 : i32
            %dma_wait3A_201 = tpu.memref_slice %arg3[%add3A_179, %dma_wait3A_199, %dma_wait3A_200] : memref<160x32x64xi32, #tpu.memory_space<hbm>> -> memref<1x32x64xi32, #tpu.memory_space<hbm>>
            %dma_wait3A_202 = tpu.memref_squeeze %dma_wait3A_201 : memref<1x32x64xi32, #tpu.memory_space<hbm>> -> memref<32x64xi32, #tpu.memory_space<hbm>>
            %dma_wait3A_203 = arith.constant 0 : i32
            %dma_wait3A_204 = arith.constant 0 : i32
            %dma_wait3A_205 = tpu.memref_slice %arg13[%rem3A_171, %dma_wait3A_203, %dma_wait3A_204] : memref<2x32x64xi32, #tpu.memory_space<vmem>> -> memref<1x32x64xi32, #tpu.memory_space<vmem>>
            %dma_wait3A_206 = tpu.memref_squeeze %dma_wait3A_205 : memref<1x32x64xi32, #tpu.memory_space<vmem>> -> memref<32x64xi32, #tpu.memory_space<vmem>>
            %dma_wait3A_207 = arith.constant 0 : i32
            %dma_wait3A_208 = arith.constant 0 : i32
            %dma_wait3A_209 = tpu.memref_slice %arg3[%add3A_179, %dma_wait3A_207, %dma_wait3A_208] : memref<160x32x64xi32, #tpu.memory_space<hbm>> -> memref<1x32x64xi32, #tpu.memory_space<hbm>>
            %dma_wait3A_210 = tpu.memref_squeeze %dma_wait3A_209 : memref<1x32x64xi32, #tpu.memory_space<hbm>> -> memref<32x64xi32, #tpu.memory_space<hbm>>
            tpu.wait_dma2 semaphore(%run_scoped3A : memref<!tpu.dma_semaphore, #tpu.memory_space<semaphore_mem>>) src(%dma_wait3A_210 : memref<32x64xi32, #tpu.memory_space<hbm>>) dst(%dma_wait3A_206 : memref<32x64xi32, #tpu.memory_space<vmem>>)
            tpu.yield
          }) : () -> ()
          %add3A_180 = arith.addi %mul3A_25, %div3A_169 : i32
          "tpu.region"() ({
            %run_scoped3A = tpu.sem_alloc : memref<!tpu.dma_semaphore, #tpu.memory_space<semaphore_mem>>
            %dma_start3A = arith.constant 0 : i32
            %dma_start3A_181 = arith.constant 0 : i32
            %dma_start3A_182 = tpu.memref_slice %arg14[%rem3A_171, %dma_start3A, %dma_start3A_181] : memref<2x32x64xi32, #tpu.memory_space<vmem>> -> memref<1x32x64xi32, #tpu.memory_space<vmem>>
            %dma_start3A_183 = tpu.memref_squeeze %dma_start3A_182 : memref<1x32x64xi32, #tpu.memory_space<vmem>> -> memref<32x64xi32, #tpu.memory_space<vmem>>
            %dma_start3A_184 = arith.constant 0 : i32
            %dma_start3A_185 = arith.constant 0 : i32
            %dma_start3A_186 = tpu.memref_slice %arg4[%add3A_180, %dma_start3A_184, %dma_start3A_185] : memref<160x32x64xi32, #tpu.memory_space<hbm>> -> memref<1x32x64xi32, #tpu.memory_space<hbm>>
            %dma_start3A_187 = tpu.memref_squeeze %dma_start3A_186 : memref<1x32x64xi32, #tpu.memory_space<hbm>> -> memref<32x64xi32, #tpu.memory_space<hbm>>
            %dma_start3A_188 = arith.constant 0 : i32
            %dma_start3A_189 = arith.constant 0 : i32
            %dma_start3A_190 = tpu.memref_slice %arg14[%rem3A_171, %dma_start3A_188, %dma_start3A_189] : memref<2x32x64xi32, #tpu.memory_space<vmem>> -> memref<1x32x64xi32, #tpu.memory_space<vmem>>
            %dma_start3A_191 = tpu.memref_squeeze %dma_start3A_190 : memref<1x32x64xi32, #tpu.memory_space<vmem>> -> memref<32x64xi32, #tpu.memory_space<vmem>>
            %dma_start3A_192 = arith.constant 0 : i32
            %dma_start3A_193 = arith.constant 0 : i32
            %dma_start3A_194 = tpu.memref_slice %arg4[%add3A_180, %dma_start3A_192, %dma_start3A_193] : memref<160x32x64xi32, #tpu.memory_space<hbm>> -> memref<1x32x64xi32, #tpu.memory_space<hbm>>
            %dma_start3A_195 = tpu.memref_squeeze %dma_start3A_194 : memref<1x32x64xi32, #tpu.memory_space<hbm>> -> memref<32x64xi32, #tpu.memory_space<hbm>>
            tpu.enqueue_dma source(%dma_start3A_195 : memref<32x64xi32, #tpu.memory_space<hbm>>) target(%dma_start3A_191 : memref<32x64xi32, #tpu.memory_space<vmem>>) target_semaphore(%run_scoped3A : memref<!tpu.dma_semaphore, #tpu.memory_space<semaphore_mem>>)
            %dma_wait3A = arith.constant 0 : i32
            %dma_wait3A_196 = arith.constant 0 : i32
            %dma_wait3A_197 = tpu.memref_slice %arg14[%rem3A_171, %dma_wait3A, %dma_wait3A_196] : memref<2x32x64xi32, #tpu.memory_space<vmem>> -> memref<1x32x64xi32, #tpu.memory_space<vmem>>
            %dma_wait3A_198 = tpu.memref_squeeze %dma_wait3A_197 : memref<1x32x64xi32, #tpu.memory_space<vmem>> -> memref<32x64xi32, #tpu.memory_space<vmem>>
            %dma_wait3A_199 = arith.constant 0 : i32
            %dma_wait3A_200 = arith.constant 0 : i32
            %dma_wait3A_201 = tpu.memref_slice %arg4[%add3A_180, %dma_wait3A_199, %dma_wait3A_200] : memref<160x32x64xi32, #tpu.memory_space<hbm>> -> memref<1x32x64xi32, #tpu.memory_space<hbm>>
            %dma_wait3A_202 = tpu.memref_squeeze %dma_wait3A_201 : memref<1x32x64xi32, #tpu.memory_space<hbm>> -> memref<32x64xi32, #tpu.memory_space<hbm>>
            %dma_wait3A_203 = arith.constant 0 : i32
            %dma_wait3A_204 = arith.constant 0 : i32
            %dma_wait3A_205 = tpu.memref_slice %arg14[%rem3A_171, %dma_wait3A_203, %dma_wait3A_204] : memref<2x32x64xi32, #tpu.memory_space<vmem>> -> memref<1x32x64xi32, #tpu.memory_space<vmem>>
            %dma_wait3A_206 = tpu.memref_squeeze %dma_wait3A_205 : memref<1x32x64xi32, #tpu.memory_space<vmem>> -> memref<32x64xi32, #tpu.memory_space<vmem>>
            %dma_wait3A_207 = arith.constant 0 : i32
            %dma_wait3A_208 = arith.constant 0 : i32
            %dma_wait3A_209 = tpu.memref_slice %arg4[%add3A_180, %dma_wait3A_207, %dma_wait3A_208] : memref<160x32x64xi32, #tpu.memory_space<hbm>> -> memref<1x32x64xi32, #tpu.memory_space<hbm>>
            %dma_wait3A_210 = tpu.memref_squeeze %dma_wait3A_209 : memref<1x32x64xi32, #tpu.memory_space<hbm>> -> memref<32x64xi32, #tpu.memory_space<hbm>>
            tpu.wait_dma2 semaphore(%run_scoped3A : memref<!tpu.dma_semaphore, #tpu.memory_space<semaphore_mem>>) src(%dma_wait3A_210 : memref<32x64xi32, #tpu.memory_space<hbm>>) dst(%dma_wait3A_206 : memref<32x64xi32, #tpu.memory_space<vmem>>)
            tpu.yield
          }) : () -> ()
        } else {
        }
      } else {
      }
      "tpu.region"() ({
        %run_scoped3A = tpu.sem_alloc : memref<!tpu.dma_semaphore, #tpu.memory_space<semaphore_mem>>
        %dma_start3A = arith.constant 0 : i32
        %dma_start3A_168 = tpu.memref_slice %arg14[%rem3A_82, %rem3A_84, %dma_start3A] : memref<2x32x64xi32, #tpu.memory_space<vmem>> -> memref<1x1x64xi32, #tpu.memory_space<vmem>>
        %dma_start3A_169 = tpu.memref_squeeze %dma_start3A_168 : memref<1x1x64xi32, #tpu.memory_space<vmem>> -> memref<64xi32, #tpu.memory_space<vmem>>
        %dma_start3A_170 = arith.constant 0 : i32
        %dma_start3A_171 = arith.constant 0 : i32
        %dma_start3A_172 = tpu.memref_slice %arg41[%dma_start3A_170, %dma_start3A_171] : memref<10240x128xf32, #tpu.memory_space<vmem_shared>> -> memref<10240x128xf32, #tpu.memory_space<vmem_shared>>
        tpu.enqueue_indirect_dma source(%arg16 : memref<64x128xf32, #tpu.memory_space<vmem>>) target(%dma_start3A_172 : memref<10240x128xf32, #tpu.memory_space<vmem_shared>>) offsets(%dma_start3A_169 : memref<64xi32, #tpu.memory_space<vmem>>) semaphore(%run_scoped3A : memref<!tpu.dma_semaphore, #tpu.memory_space<semaphore_mem>>) {add = true}
        %dma_wait3A = arith.constant 0 : i32
        %dma_wait3A_173 = tpu.memref_slice %arg14[%rem3A_82, %rem3A_84, %dma_wait3A] : memref<2x32x64xi32, #tpu.memory_space<vmem>> -> memref<1x1x64xi32, #tpu.memory_space<vmem>>
        %dma_wait3A_174 = tpu.memref_squeeze %dma_wait3A_173 : memref<1x1x64xi32, #tpu.memory_space<vmem>> -> memref<64xi32, #tpu.memory_space<vmem>>
        %dma_wait3A_175 = arith.constant 0 : i32
        %dma_wait3A_176 = arith.constant 0 : i32
        %dma_wait3A_177 = tpu.memref_slice %arg41[%dma_wait3A_175, %dma_wait3A_176] : memref<10240x128xf32, #tpu.memory_space<vmem_shared>> -> memref<10240x128xf32, #tpu.memory_space<vmem_shared>>
        tpu.wait_indirect_dma semaphore(%run_scoped3A : memref<!tpu.dma_semaphore, #tpu.memory_space<semaphore_mem>>) src(%arg16 : memref<64x128xf32, #tpu.memory_space<vmem>>) dst(%dma_wait3A_177 : memref<10240x128xf32, #tpu.memory_space<vmem_shared>>)
        tpu.yield
      }) : () -> ()
      %mul3A_105 = arith.constant 3 : i32
      %mul3A_106 = arith.muli %scan3A_73, %mul3A_105 : i32
      %add3A_107 = arith.constant 1 : i32
      %add3A_108 = arith.addi %mul3A_106, %add3A_107 : i32
      %div3A_109 = arith.constant 32 : i32
      %div3A_110 = arith.divsi %add3A_108, %div3A_109 : i32
      %rem3A_111 = arith.constant 2 : i32
      %rem3A_112 = arith.remsi %div3A_110, %rem3A_111 : i32
      %rem3A_113 = arith.constant 32 : i32
      %rem3A_114 = arith.remsi %add3A_108, %rem3A_113 : i32
      "tpu.region"() ({
        %run_scoped3A = tpu.sem_alloc : memref<!tpu.dma_semaphore, #tpu.memory_space<semaphore_mem>>
        %dma_start3A = arith.constant 0 : i32
        %dma_start3A_168 = tpu.memref_slice %arg13[%rem3A_112, %rem3A_114, %dma_start3A] : memref<2x32x64xi32, #tpu.memory_space<vmem>> -> memref<1x1x64xi32, #tpu.memory_space<vmem>>
        %dma_start3A_169 = tpu.memref_squeeze %dma_start3A_168 : memref<1x1x64xi32, #tpu.memory_space<vmem>> -> memref<64xi32, #tpu.memory_space<vmem>>
        %dma_start3A_170 = arith.constant 0 : i32
        %dma_start3A_171 = arith.constant 0 : i32
        %dma_start3A_172 = tpu.memref_slice %arg2[%dma_start3A_170, %dma_start3A_171] : memref<10240x128xf32, #tpu.memory_space<hbm>> -> memref<10240x128xf32, #tpu.memory_space<hbm>>
        tpu.enqueue_indirect_dma source(%dma_start3A_172 : memref<10240x128xf32, #tpu.memory_space<hbm>>) target(%arg17 : memref<64x128xf32, #tpu.memory_space<vmem>>) offsets(%dma_start3A_169 : memref<64xi32, #tpu.memory_space<vmem>>) semaphore(%run_scoped3A : memref<!tpu.dma_semaphore, #tpu.memory_space<semaphore_mem>>)
        %dma_wait3A = arith.constant 0 : i32
        %dma_wait3A_173 = tpu.memref_slice %arg13[%rem3A_112, %rem3A_114, %dma_wait3A] : memref<2x32x64xi32, #tpu.memory_space<vmem>> -> memref<1x1x64xi32, #tpu.memory_space<vmem>>
        %dma_wait3A_174 = tpu.memref_squeeze %dma_wait3A_173 : memref<1x1x64xi32, #tpu.memory_space<vmem>> -> memref<64xi32, #tpu.memory_space<vmem>>
        %dma_wait3A_175 = arith.constant 0 : i32
        %dma_wait3A_176 = arith.constant 0 : i32
        %dma_wait3A_177 = tpu.memref_slice %arg2[%dma_wait3A_175, %dma_wait3A_176] : memref<10240x128xf32, #tpu.memory_space<hbm>> -> memref<10240x128xf32, #tpu.memory_space<hbm>>
        tpu.wait_indirect_dma semaphore(%run_scoped3A : memref<!tpu.dma_semaphore, #tpu.memory_space<semaphore_mem>>) src(%dma_wait3A_177 : memref<10240x128xf32, #tpu.memory_space<hbm>>) dst(%arg17 : memref<64x128xf32, #tpu.memory_space<vmem>>)
        tpu.yield
      }) : () -> ()
      "tpu.region"() ({
        %run_scoped3A = tpu.sem_alloc : memref<!tpu.dma_semaphore, #tpu.memory_space<semaphore_mem>>
        %dma_start3A = arith.constant 64 : i32
        %dma_start3A_168 = tpu.memref_slice %arg19[%dma_start3A] : memref<192xf32, #tpu.memory_space<vmem>> -> memref<64xf32, #tpu.memory_space<vmem>>
        %dma_start3A_169 = arith.constant 0 : i32
        %dma_start3A_170 = tpu.memref_slice %arg13[%rem3A_112, %rem3A_114, %dma_start3A_169] : memref<2x32x64xi32, #tpu.memory_space<vmem>> -> memref<1x1x64xi32, #tpu.memory_space<vmem>>
        %dma_start3A_171 = tpu.memref_squeeze %dma_start3A_170 : memref<1x1x64xi32, #tpu.memory_space<vmem>> -> memref<64xi32, #tpu.memory_space<vmem>>
        %dma_start3A_172 = tpu.memref_slice %arg11[%mul3A_27] : memref<20480xf32, #tpu.memory_space<hbm>> -> memref<10240xf32, #tpu.memory_space<hbm>>
        %dma_start3A_173 = arith.constant 0 : i32
        %dma_start3A_174 = tpu.memref_slice %dma_start3A_172[%dma_start3A_173] : memref<10240xf32, #tpu.memory_space<hbm>> -> memref<10240xf32, #tpu.memory_space<hbm>>
        tpu.enqueue_indirect_dma source(%dma_start3A_174 : memref<10240xf32, #tpu.memory_space<hbm>>) target(%dma_start3A_168 : memref<64xf32, #tpu.memory_space<vmem>>) offsets(%dma_start3A_171 : memref<64xi32, #tpu.memory_space<vmem>>) semaphore(%run_scoped3A : memref<!tpu.dma_semaphore, #tpu.memory_space<semaphore_mem>>)
        %dma_wait3A = arith.constant 64 : i32
        %dma_wait3A_175 = tpu.memref_slice %arg19[%dma_wait3A] : memref<192xf32, #tpu.memory_space<vmem>> -> memref<64xf32, #tpu.memory_space<vmem>>
        %dma_wait3A_176 = arith.constant 0 : i32
        %dma_wait3A_177 = tpu.memref_slice %arg13[%rem3A_112, %rem3A_114, %dma_wait3A_176] : memref<2x32x64xi32, #tpu.memory_space<vmem>> -> memref<1x1x64xi32, #tpu.memory_space<vmem>>
        %dma_wait3A_178 = tpu.memref_squeeze %dma_wait3A_177 : memref<1x1x64xi32, #tpu.memory_space<vmem>> -> memref<64xi32, #tpu.memory_space<vmem>>
        %dma_wait3A_179 = tpu.memref_slice %arg11[%mul3A_27] : memref<20480xf32, #tpu.memory_space<hbm>> -> memref<10240xf32, #tpu.memory_space<hbm>>
        %dma_wait3A_180 = arith.constant 0 : i32
        %dma_wait3A_181 = tpu.memref_slice %dma_wait3A_179[%dma_wait3A_180] : memref<10240xf32, #tpu.memory_space<hbm>> -> memref<10240xf32, #tpu.memory_space<hbm>>
        tpu.wait_indirect_dma semaphore(%run_scoped3A : memref<!tpu.dma_semaphore, #tpu.memory_space<semaphore_mem>>) src(%dma_wait3A_181 : memref<10240xf32, #tpu.memory_space<hbm>>) dst(%dma_wait3A_175 : memref<64xf32, #tpu.memory_space<vmem>>)
        tpu.yield
      }) : () -> ()
      "tpu.region"() ({
        %run_scoped3A = tpu.sem_alloc : memref<!tpu.dma_semaphore, #tpu.memory_space<semaphore_mem>>
        %dma_start3A = arith.constant 64 : i32
        %dma_start3A_168 = tpu.memref_slice %arg20[%dma_start3A] : memref<192xf32, #tpu.memory_space<vmem>> -> memref<64xf32, #tpu.memory_space<vmem>>
        %dma_start3A_169 = arith.constant 0 : i32
        %dma_start3A_170 = tpu.memref_slice %arg14[%rem3A_112, %rem3A_114, %dma_start3A_169] : memref<2x32x64xi32, #tpu.memory_space<vmem>> -> memref<1x1x64xi32, #tpu.memory_space<vmem>>
        %dma_start3A_171 = tpu.memref_squeeze %dma_start3A_170 : memref<1x1x64xi32, #tpu.memory_space<vmem>> -> memref<64xi32, #tpu.memory_space<vmem>>
        %dma_start3A_172 = tpu.memref_slice %arg12[%mul3A_29] : memref<20480xf32, #tpu.memory_space<hbm>> -> memref<10240xf32, #tpu.memory_space<hbm>>
        %dma_start3A_173 = arith.constant 0 : i32
        %dma_start3A_174 = tpu.memref_slice %dma_start3A_172[%dma_start3A_173] : memref<10240xf32, #tpu.memory_space<hbm>> -> memref<10240xf32, #tpu.memory_space<hbm>>
        tpu.enqueue_indirect_dma source(%dma_start3A_174 : memref<10240xf32, #tpu.memory_space<hbm>>) target(%dma_start3A_168 : memref<64xf32, #tpu.memory_space<vmem>>) offsets(%dma_start3A_171 : memref<64xi32, #tpu.memory_space<vmem>>) semaphore(%run_scoped3A : memref<!tpu.dma_semaphore, #tpu.memory_space<semaphore_mem>>)
        %dma_wait3A = arith.constant 64 : i32
        %dma_wait3A_175 = tpu.memref_slice %arg20[%dma_wait3A] : memref<192xf32, #tpu.memory_space<vmem>> -> memref<64xf32, #tpu.memory_space<vmem>>
        %dma_wait3A_176 = arith.constant 0 : i32
        %dma_wait3A_177 = tpu.memref_slice %arg14[%rem3A_112, %rem3A_114, %dma_wait3A_176] : memref<2x32x64xi32, #tpu.memory_space<vmem>> -> memref<1x1x64xi32, #tpu.memory_space<vmem>>
        %dma_wait3A_178 = tpu.memref_squeeze %dma_wait3A_177 : memref<1x1x64xi32, #tpu.memory_space<vmem>> -> memref<64xi32, #tpu.memory_space<vmem>>
        %dma_wait3A_179 = tpu.memref_slice %arg12[%mul3A_29] : memref<20480xf32, #tpu.memory_space<hbm>> -> memref<10240xf32, #tpu.memory_space<hbm>>
        %dma_wait3A_180 = arith.constant 0 : i32
        %dma_wait3A_181 = tpu.memref_slice %dma_wait3A_179[%dma_wait3A_180] : memref<10240xf32, #tpu.memory_space<hbm>> -> memref<10240xf32, #tpu.memory_space<hbm>>
        tpu.wait_indirect_dma semaphore(%run_scoped3A : memref<!tpu.dma_semaphore, #tpu.memory_space<semaphore_mem>>) src(%dma_wait3A_181 : memref<10240xf32, #tpu.memory_space<hbm>>) dst(%dma_wait3A_175 : memref<64xf32, #tpu.memory_space<vmem>>)
        tpu.yield
      }) : () -> ()
      %scan3A_115 = arith.constant 0 : i32
      %scan3A_116 = arith.constant 0 : i32
      %scan3A_117 = arith.constant 4 : i32
      %scan3A_118 = arith.addi %scan3A_116, %scan3A_117 : i32
      %scan3A_119 = arith.constant 1 : i32
      %scan3A_120 = scf.for %scan3A_168 = %scan3A_116 to %scan3A_118 step %scan3A_119 iter_args(%scan3A_169 = %scan3A_115) -> (i32)  : i32 {
        %mul3A_170 = arith.constant 16 : i32
        %mul3A_171 = arith.muli %scan3A_168, %mul3A_170 : i32
        %add3A_172 = arith.constant 64 : i32
        %add3A_173 = arith.addi %add3A_172, %mul3A_171 : i32
        %get3A = arith.index_cast %add3A_173 : i32 to index
        %get3A_174 = tpu.vector_load %arg20[%get3A] {strides = array<i32>} : memref<192xf32, #tpu.memory_space<vmem>>, vector<16xf32>,
        %mul3A_175 = arith.mulf %get3A_174, %get3A_174 : vector<16xf32>
        %div3A_176 = arith.constant 1.000000e+00 : f32
        %div3A_177 = vector.broadcast %div3A_176 : f32 to vector<16xf32>
        %div3A_178 = arith.divf %div3A_177, %mul3A_175 : vector<16xf32>
        %sub3A = arith.constant 1.000000e+00 : f32
        %sub3A_179 = vector.broadcast %sub3A : f32 to vector<16xf32>
        %sub3A_180 = arith.subf %div3A_178, %sub3A_179 : vector<16xf32>
        %max3A = arith.constant 1.000000e+00 : f32
        %max3A_181 = vector.broadcast %max3A : f32 to vector<16xf32>
        %max3A_182 = arith.maximumf %sub3A_180, %max3A_181 : vector<16xf32>
        %div3A_183 = arith.constant 1.000000e+00 : f32
        %div3A_184 = vector.broadcast %div3A_183 : f32 to vector<16xf32>
        %div3A_185 = arith.divf %div3A_184, %max3A_182 : vector<16xf32>
        %get3A_186 = arith.index_cast %add3A_173 : i32 to index
        %get3A_187 = tpu.vector_load %arg19[%get3A_186] {strides = array<i32>} : memref<192xf32, #tpu.memory_space<vmem>>, vector<16xf32>,
        %mul3A_188 = arith.mulf %get3A_187, %get3A_174 : vector<16xf32>
        %add3A_189 = arith.addf %mul3A_188, %div3A_185 : vector<16xf32>
        %swap3A = arith.index_cast %add3A_173 : i32 to index
        %swap3A_190 = tpu.vector_load %arg21[%swap3A] {strides = array<i32>} : memref<192xf32, #tpu.memory_space<vmem>>, vector<16xf32>,
        tpu.vector_store %arg21[%swap3A], %add3A_189 {strides = array<i32>} : memref<192xf32, #tpu.memory_space<vmem>>, vector<16xf32>,
        %scan3A_191 = arith.constant 0 : i32
        scf.yield %scan3A_191 : i32
      }
      %scan3A_121 = arith.constant 4 : i32
      %scan3A_122 = arith.constant 0 : i32
      %scan3A_123 = arith.constant 0 : i32
      %scan3A_124 = arith.constant 64 : i32
      %scan3A_125 = arith.addi %scan3A_123, %scan3A_124 : i32
      %scan3A_126 = arith.constant 1 : i32
      %scan3A_127 = scf.for %scan3A_168 = %scan3A_123 to %scan3A_125 step %scan3A_126 iter_args(%scan3A_169 = %scan3A_122) -> (i32)  : i32 {
        %add3A_170 = arith.constant 64 : i32
        %add3A_171 = arith.addi %add3A_170, %scan3A_168 : i32
        %broadcast_in_dim3A = arith.constant 0 : i32
        %broadcast_in_dim3A_172 = vector.broadcast %broadcast_in_dim3A : i32 to vector<16xi32>
        %add3A_173 = vector.broadcast %add3A_171 : i32 to vector<16xi32>
        %add3A_174 = arith.addi %broadcast_in_dim3A_172, %add3A_173 : vector<16xi32>
        %gather3A = tpu.vector_load_idx %arg21[%add3A_174] : memref<192xf32, #tpu.memory_space<vmem>>[vector<16xi32>], vector<16xf32>,
        %get3A = arith.index_cast %scan3A_168 : i32 to index
        %get3A_175 = arith.constant 0 : index
        %get3A_176 = tpu.vector_load %arg17[%get3A, %get3A_175] {strides = array<i32>} : memref<64x128xf32, #tpu.memory_space<vmem>>, vector<16xf32>,
        %mul3A_177 = arith.mulf %get3A_176, %gather3A : vector<16xf32>
        %swap3A = arith.index_cast %scan3A_168 : i32 to index
        %swap3A_178 = arith.constant 0 : index
        %swap3A_179 = tpu.vector_load %arg17[%swap3A, %swap3A_178] {strides = array<i32>} : memref<64x128xf32, #tpu.memory_space<vmem>>, vector<16xf32>,
        tpu.vector_store %arg17[%swap3A, %swap3A_178], %mul3A_177 {strides = array<i32>} : memref<64x128xf32, #tpu.memory_space<vmem>>, vector<16xf32>,
        %get3A_180 = arith.index_cast %scan3A_168 : i32 to index
        %get3A_181 = arith.constant 16 : index
        %get3A_182 = tpu.vector_load %arg17[%get3A_180, %get3A_181] {strides = array<i32>} : memref<64x128xf32, #tpu.memory_space<vmem>>, vector<16xf32>,
        %mul3A_183 = arith.mulf %get3A_182, %gather3A : vector<16xf32>
        %swap3A_184 = arith.index_cast %scan3A_168 : i32 to index
        %swap3A_185 = arith.constant 16 : index
        %swap3A_186 = tpu.vector_load %arg17[%swap3A_184, %swap3A_185] {strides = array<i32>} : memref<64x128xf32, #tpu.memory_space<vmem>>, vector<16xf32>,
        tpu.vector_store %arg17[%swap3A_184, %swap3A_185], %mul3A_183 {strides = array<i32>} : memref<64x128xf32, #tpu.memory_space<vmem>>, vector<16xf32>,
        %get3A_187 = arith.index_cast %scan3A_168 : i32 to index
        %get3A_188 = arith.constant 32 : index
        %get3A_189 = tpu.vector_load %arg17[%get3A_187, %get3A_188] {strides = array<i32>} : memref<64x128xf32, #tpu.memory_space<vmem>>, vector<16xf32>,
        %mul3A_190 = arith.mulf %get3A_189, %gather3A : vector<16xf32>
        %swap3A_191 = arith.index_cast %scan3A_168 : i32 to index
        %swap3A_192 = arith.constant 32 : index
        %swap3A_193 = tpu.vector_load %arg17[%swap3A_191, %swap3A_192] {strides = array<i32>} : memref<64x128xf32, #tpu.memory_space<vmem>>, vector<16xf32>,
        tpu.vector_store %arg17[%swap3A_191, %swap3A_192], %mul3A_190 {strides = array<i32>} : memref<64x128xf32, #tpu.memory_space<vmem>>, vector<16xf32>,
        %get3A_194 = arith.index_cast %scan3A_168 : i32 to index
        %get3A_195 = arith.constant 48 : index
        %get3A_196 = tpu.vector_load %arg17[%get3A_194, %get3A_195] {strides = array<i32>} : memref<64x128xf32, #tpu.memory_space<vmem>>, vector<16xf32>,
        %mul3A_197 = arith.mulf %get3A_196, %gather3A : vector<16xf32>
        %swap3A_198 = arith.index_cast %scan3A_168 : i32 to index
        %swap3A_199 = arith.constant 48 : index
        %swap3A_200 = tpu.vector_load %arg17[%swap3A_198, %swap3A_199] {strides = array<i32>} : memref<64x128xf32, #tpu.memory_space<vmem>>, vector<16xf32>,
        tpu.vector_store %arg17[%swap3A_198, %swap3A_199], %mul3A_197 {strides = array<i32>} : memref<64x128xf32, #tpu.memory_space<vmem>>, vector<16xf32>,
        %get3A_201 = arith.index_cast %scan3A_168 : i32 to index
        %get3A_202 = arith.constant 64 : index
        %get3A_203 = tpu.vector_load %arg17[%get3A_201, %get3A_202] {strides = array<i32>} : memref<64x128xf32, #tpu.memory_space<vmem>>, vector<16xf32>,
        %mul3A_204 = arith.mulf %get3A_203, %gather3A : vector<16xf32>
        %swap3A_205 = arith.index_cast %scan3A_168 : i32 to index
        %swap3A_206 = arith.constant 64 : index
        %swap3A_207 = tpu.vector_load %arg17[%swap3A_205, %swap3A_206] {strides = array<i32>} : memref<64x128xf32, #tpu.memory_space<vmem>>, vector<16xf32>,
        tpu.vector_store %arg17[%swap3A_205, %swap3A_206], %mul3A_204 {strides = array<i32>} : memref<64x128xf32, #tpu.memory_space<vmem>>, vector<16xf32>,
        %get3A_208 = arith.index_cast %scan3A_168 : i32 to index
        %get3A_209 = arith.constant 80 : index
        %get3A_210 = tpu.vector_load %arg17[%get3A_208, %get3A_209] {strides = array<i32>} : memref<64x128xf32, #tpu.memory_space<vmem>>, vector<16xf32>,
        %mul3A_211 = arith.mulf %get3A_210, %gather3A : vector<16xf32>
        %swap3A_212 = arith.index_cast %scan3A_168 : i32 to index
        %swap3A_213 = arith.constant 80 : index
        %swap3A_214 = tpu.vector_load %arg17[%swap3A_212, %swap3A_213] {strides = array<i32>} : memref<64x128xf32, #tpu.memory_space<vmem>>, vector<16xf32>,
        tpu.vector_store %arg17[%swap3A_212, %swap3A_213], %mul3A_211 {strides = array<i32>} : memref<64x128xf32, #tpu.memory_space<vmem>>, vector<16xf32>,
        %get3A_215 = arith.index_cast %scan3A_168 : i32 to index
        %get3A_216 = arith.constant 96 : index
        %get3A_217 = tpu.vector_load %arg17[%get3A_215, %get3A_216] {strides = array<i32>} : memref<64x128xf32, #tpu.memory_space<vmem>>, vector<16xf32>,
        %mul3A_218 = arith.mulf %get3A_217, %gather3A : vector<16xf32>
        %swap3A_219 = arith.index_cast %scan3A_168 : i32 to index
        %swap3A_220 = arith.constant 96 : index
        %swap3A_221 = tpu.vector_load %arg17[%swap3A_219, %swap3A_220] {strides = array<i32>} : memref<64x128xf32, #tpu.memory_space<vmem>>, vector<16xf32>,
        tpu.vector_store %arg17[%swap3A_219, %swap3A_220], %mul3A_218 {strides = array<i32>} : memref<64x128xf32, #tpu.memory_space<vmem>>, vector<16xf32>,
        %get3A_222 = arith.index_cast %scan3A_168 : i32 to index
        %get3A_223 = arith.constant 112 : index
        %get3A_224 = tpu.vector_load %arg17[%get3A_222, %get3A_223] {strides = array<i32>} : memref<64x128xf32, #tpu.memory_space<vmem>>, vector<16xf32>,
        %mul3A_225 = arith.mulf %get3A_224, %gather3A : vector<16xf32>
        %swap3A_226 = arith.index_cast %scan3A_168 : i32 to index
        %swap3A_227 = arith.constant 112 : index
        %swap3A_228 = tpu.vector_load %arg17[%swap3A_226, %swap3A_227] {strides = array<i32>} : memref<64x128xf32, #tpu.memory_space<vmem>>, vector<16xf32>,
        tpu.vector_store %arg17[%swap3A_226, %swap3A_227], %mul3A_225 {strides = array<i32>} : memref<64x128xf32, #tpu.memory_space<vmem>>, vector<16xf32>,
        %scan3A_229 = arith.constant 0 : i32
        scf.yield %scan3A_229 : i32
      }
      %scan3A_128 = arith.constant 64 : i32
      %add3A_129 = arith.constant 2 : i32
      %add3A_130 = arith.addi %add3A_108, %add3A_129 : i32
      %lt3A_131 = arith.constant 160 : i32
      %lt3A_132 = arith.cmpi slt, %add3A_130, %lt3A_131 : i32
      %convert_element_type3A_133 = arith.extui %lt3A_132 : i1 to i32
      %cond3A_134 = arith.constant 0 : i32
      %cond3A_135 = arith.cmpi ne, %convert_element_type3A_133, %cond3A_134 : i32
      scf.if %cond3A_135 {
        %div3A_168 = arith.constant 32 : i32
        %div3A_169 = arith.divsi %add3A_130, %div3A_168 : i32
        %rem3A_170 = arith.constant 2 : i32
        %rem3A_171 = arith.remsi %div3A_169, %rem3A_170 : i32
        %rem3A_172 = arith.constant 32 : i32
        %rem3A_173 = arith.remsi %add3A_130, %rem3A_172 : i32
        %eq3A_174 = arith.constant 0 : i32
        %eq3A_175 = arith.cmpi eq, %rem3A_173, %eq3A_174 : i32
        %convert_element_type3A_176 = arith.extui %eq3A_175 : i1 to i32
        %cond3A_177 = arith.constant 0 : i32
        %cond3A_178 = arith.cmpi ne, %convert_element_type3A_176, %cond3A_177 : i32
        scf.if %cond3A_178 {
          %add3A_179 = arith.addi %mul3A_25, %div3A_169 : i32
          "tpu.region"() ({
            %run_scoped3A = tpu.sem_alloc : memref<!tpu.dma_semaphore, #tpu.memory_space<semaphore_mem>>
            %dma_start3A = arith.constant 0 : i32
            %dma_start3A_181 = arith.constant 0 : i32
            %dma_start3A_182 = tpu.memref_slice %arg13[%rem3A_171, %dma_start3A, %dma_start3A_181] : memref<2x32x64xi32, #tpu.memory_space<vmem>> -> memref<1x32x64xi32, #tpu.memory_space<vmem>>
            %dma_start3A_183 = tpu.memref_squeeze %dma_start3A_182 : memref<1x32x64xi32, #tpu.memory_space<vmem>> -> memref<32x64xi32, #tpu.memory_space<vmem>>
            %dma_start3A_184 = arith.constant 0 : i32
            %dma_start3A_185 = arith.constant 0 : i32
            %dma_start3A_186 = tpu.memref_slice %arg3[%add3A_179, %dma_start3A_184, %dma_start3A_185] : memref<160x32x64xi32, #tpu.memory_space<hbm>> -> memref<1x32x64xi32, #tpu.memory_space<hbm>>
            %dma_start3A_187 = tpu.memref_squeeze %dma_start3A_186 : memref<1x32x64xi32, #tpu.memory_space<hbm>> -> memref<32x64xi32, #tpu.memory_space<hbm>>
            %dma_start3A_188 = arith.constant 0 : i32
            %dma_start3A_189 = arith.constant 0 : i32
            %dma_start3A_190 = tpu.memref_slice %arg13[%rem3A_171, %dma_start3A_188, %dma_start3A_189] : memref<2x32x64xi32, #tpu.memory_space<vmem>> -> memref<1x32x64xi32, #tpu.memory_space<vmem>>
            %dma_start3A_191 = tpu.memref_squeeze %dma_start3A_190 : memref<1x32x64xi32, #tpu.memory_space<vmem>> -> memref<32x64xi32, #tpu.memory_space<vmem>>
            %dma_start3A_192 = arith.constant 0 : i32
            %dma_start3A_193 = arith.constant 0 : i32
            %dma_start3A_194 = tpu.memref_slice %arg3[%add3A_179, %dma_start3A_192, %dma_start3A_193] : memref<160x32x64xi32, #tpu.memory_space<hbm>> -> memref<1x32x64xi32, #tpu.memory_space<hbm>>
            %dma_start3A_195 = tpu.memref_squeeze %dma_start3A_194 : memref<1x32x64xi32, #tpu.memory_space<hbm>> -> memref<32x64xi32, #tpu.memory_space<hbm>>
            tpu.enqueue_dma source(%dma_start3A_195 : memref<32x64xi32, #tpu.memory_space<hbm>>) target(%dma_start3A_191 : memref<32x64xi32, #tpu.memory_space<vmem>>) target_semaphore(%run_scoped3A : memref<!tpu.dma_semaphore, #tpu.memory_space<semaphore_mem>>)
            %dma_wait3A = arith.constant 0 : i32
            %dma_wait3A_196 = arith.constant 0 : i32
            %dma_wait3A_197 = tpu.memref_slice %arg13[%rem3A_171, %dma_wait3A, %dma_wait3A_196] : memref<2x32x64xi32, #tpu.memory_space<vmem>> -> memref<1x32x64xi32, #tpu.memory_space<vmem>>
            %dma_wait3A_198 = tpu.memref_squeeze %dma_wait3A_197 : memref<1x32x64xi32, #tpu.memory_space<vmem>> -> memref<32x64xi32, #tpu.memory_space<vmem>>
            %dma_wait3A_199 = arith.constant 0 : i32
            %dma_wait3A_200 = arith.constant 0 : i32
            %dma_wait3A_201 = tpu.memref_slice %arg3[%add3A_179, %dma_wait3A_199, %dma_wait3A_200] : memref<160x32x64xi32, #tpu.memory_space<hbm>> -> memref<1x32x64xi32, #tpu.memory_space<hbm>>
            %dma_wait3A_202 = tpu.memref_squeeze %dma_wait3A_201 : memref<1x32x64xi32, #tpu.memory_space<hbm>> -> memref<32x64xi32, #tpu.memory_space<hbm>>
            %dma_wait3A_203 = arith.constant 0 : i32
            %dma_wait3A_204 = arith.constant 0 : i32
            %dma_wait3A_205 = tpu.memref_slice %arg13[%rem3A_171, %dma_wait3A_203, %dma_wait3A_204] : memref<2x32x64xi32, #tpu.memory_space<vmem>> -> memref<1x32x64xi32, #tpu.memory_space<vmem>>
            %dma_wait3A_206 = tpu.memref_squeeze %dma_wait3A_205 : memref<1x32x64xi32, #tpu.memory_space<vmem>> -> memref<32x64xi32, #tpu.memory_space<vmem>>
            %dma_wait3A_207 = arith.constant 0 : i32
            %dma_wait3A_208 = arith.constant 0 : i32
            %dma_wait3A_209 = tpu.memref_slice %arg3[%add3A_179, %dma_wait3A_207, %dma_wait3A_208] : memref<160x32x64xi32, #tpu.memory_space<hbm>> -> memref<1x32x64xi32, #tpu.memory_space<hbm>>
            %dma_wait3A_210 = tpu.memref_squeeze %dma_wait3A_209 : memref<1x32x64xi32, #tpu.memory_space<hbm>> -> memref<32x64xi32, #tpu.memory_space<hbm>>
            tpu.wait_dma2 semaphore(%run_scoped3A : memref<!tpu.dma_semaphore, #tpu.memory_space<semaphore_mem>>) src(%dma_wait3A_210 : memref<32x64xi32, #tpu.memory_space<hbm>>) dst(%dma_wait3A_206 : memref<32x64xi32, #tpu.memory_space<vmem>>)
            tpu.yield
          }) : () -> ()
          %add3A_180 = arith.addi %mul3A_25, %div3A_169 : i32
          "tpu.region"() ({
            %run_scoped3A = tpu.sem_alloc : memref<!tpu.dma_semaphore, #tpu.memory_space<semaphore_mem>>
            %dma_start3A = arith.constant 0 : i32
            %dma_start3A_181 = arith.constant 0 : i32
            %dma_start3A_182 = tpu.memref_slice %arg14[%rem3A_171, %dma_start3A, %dma_start3A_181] : memref<2x32x64xi32, #tpu.memory_space<vmem>> -> memref<1x32x64xi32, #tpu.memory_space<vmem>>
            %dma_start3A_183 = tpu.memref_squeeze %dma_start3A_182 : memref<1x32x64xi32, #tpu.memory_space<vmem>> -> memref<32x64xi32, #tpu.memory_space<vmem>>
            %dma_start3A_184 = arith.constant 0 : i32
            %dma_start3A_185 = arith.constant 0 : i32
            %dma_start3A_186 = tpu.memref_slice %arg4[%add3A_180, %dma_start3A_184, %dma_start3A_185] : memref<160x32x64xi32, #tpu.memory_space<hbm>> -> memref<1x32x64xi32, #tpu.memory_space<hbm>>
            %dma_start3A_187 = tpu.memref_squeeze %dma_start3A_186 : memref<1x32x64xi32, #tpu.memory_space<hbm>> -> memref<32x64xi32, #tpu.memory_space<hbm>>
            %dma_start3A_188 = arith.constant 0 : i32
            %dma_start3A_189 = arith.constant 0 : i32
            %dma_start3A_190 = tpu.memref_slice %arg14[%rem3A_171, %dma_start3A_188, %dma_start3A_189] : memref<2x32x64xi32, #tpu.memory_space<vmem>> -> memref<1x32x64xi32, #tpu.memory_space<vmem>>
            %dma_start3A_191 = tpu.memref_squeeze %dma_start3A_190 : memref<1x32x64xi32, #tpu.memory_space<vmem>> -> memref<32x64xi32, #tpu.memory_space<vmem>>
            %dma_start3A_192 = arith.constant 0 : i32
            %dma_start3A_193 = arith.constant 0 : i32
            %dma_start3A_194 = tpu.memref_slice %arg4[%add3A_180, %dma_start3A_192, %dma_start3A_193] : memref<160x32x64xi32, #tpu.memory_space<hbm>> -> memref<1x32x64xi32, #tpu.memory_space<hbm>>
            %dma_start3A_195 = tpu.memref_squeeze %dma_start3A_194 : memref<1x32x64xi32, #tpu.memory_space<hbm>> -> memref<32x64xi32, #tpu.memory_space<hbm>>
            tpu.enqueue_dma source(%dma_start3A_195 : memref<32x64xi32, #tpu.memory_space<hbm>>) target(%dma_start3A_191 : memref<32x64xi32, #tpu.memory_space<vmem>>) target_semaphore(%run_scoped3A : memref<!tpu.dma_semaphore, #tpu.memory_space<semaphore_mem>>)
            %dma_wait3A = arith.constant 0 : i32
            %dma_wait3A_196 = arith.constant 0 : i32
            %dma_wait3A_197 = tpu.memref_slice %arg14[%rem3A_171, %dma_wait3A, %dma_wait3A_196] : memref<2x32x64xi32, #tpu.memory_space<vmem>> -> memref<1x32x64xi32, #tpu.memory_space<vmem>>
            %dma_wait3A_198 = tpu.memref_squeeze %dma_wait3A_197 : memref<1x32x64xi32, #tpu.memory_space<vmem>> -> memref<32x64xi32, #tpu.memory_space<vmem>>
            %dma_wait3A_199 = arith.constant 0 : i32
            %dma_wait3A_200 = arith.constant 0 : i32
            %dma_wait3A_201 = tpu.memref_slice %arg4[%add3A_180, %dma_wait3A_199, %dma_wait3A_200] : memref<160x32x64xi32, #tpu.memory_space<hbm>> -> memref<1x32x64xi32, #tpu.memory_space<hbm>>
            %dma_wait3A_202 = tpu.memref_squeeze %dma_wait3A_201 : memref<1x32x64xi32, #tpu.memory_space<hbm>> -> memref<32x64xi32, #tpu.memory_space<hbm>>
            %dma_wait3A_203 = arith.constant 0 : i32
            %dma_wait3A_204 = arith.constant 0 : i32
            %dma_wait3A_205 = tpu.memref_slice %arg14[%rem3A_171, %dma_wait3A_203, %dma_wait3A_204] : memref<2x32x64xi32, #tpu.memory_space<vmem>> -> memref<1x32x64xi32, #tpu.memory_space<vmem>>
            %dma_wait3A_206 = tpu.memref_squeeze %dma_wait3A_205 : memref<1x32x64xi32, #tpu.memory_space<vmem>> -> memref<32x64xi32, #tpu.memory_space<vmem>>
            %dma_wait3A_207 = arith.constant 0 : i32
            %dma_wait3A_208 = arith.constant 0 : i32
            %dma_wait3A_209 = tpu.memref_slice %arg4[%add3A_180, %dma_wait3A_207, %dma_wait3A_208] : memref<160x32x64xi32, #tpu.memory_space<hbm>> -> memref<1x32x64xi32, #tpu.memory_space<hbm>>
            %dma_wait3A_210 = tpu.memref_squeeze %dma_wait3A_209 : memref<1x32x64xi32, #tpu.memory_space<hbm>> -> memref<32x64xi32, #tpu.memory_space<hbm>>
            tpu.wait_dma2 semaphore(%run_scoped3A : memref<!tpu.dma_semaphore, #tpu.memory_space<semaphore_mem>>) src(%dma_wait3A_210 : memref<32x64xi32, #tpu.memory_space<hbm>>) dst(%dma_wait3A_206 : memref<32x64xi32, #tpu.memory_space<vmem>>)
            tpu.yield
          }) : () -> ()
        } else {
        }
      } else {
      }
      "tpu.region"() ({
        %run_scoped3A = tpu.sem_alloc : memref<!tpu.dma_semaphore, #tpu.memory_space<semaphore_mem>>
        %dma_start3A = arith.constant 0 : i32
        %dma_start3A_168 = tpu.memref_slice %arg14[%rem3A_112, %rem3A_114, %dma_start3A] : memref<2x32x64xi32, #tpu.memory_space<vmem>> -> memref<1x1x64xi32, #tpu.memory_space<vmem>>
        %dma_start3A_169 = tpu.memref_squeeze %dma_start3A_168 : memref<1x1x64xi32, #tpu.memory_space<vmem>> -> memref<64xi32, #tpu.memory_space<vmem>>
        %dma_start3A_170 = arith.constant 0 : i32
        %dma_start3A_171 = arith.constant 0 : i32
        %dma_start3A_172 = tpu.memref_slice %arg41[%dma_start3A_170, %dma_start3A_171] : memref<10240x128xf32, #tpu.memory_space<vmem_shared>> -> memref<10240x128xf32, #tpu.memory_space<vmem_shared>>
        tpu.enqueue_indirect_dma source(%arg17 : memref<64x128xf32, #tpu.memory_space<vmem>>) target(%dma_start3A_172 : memref<10240x128xf32, #tpu.memory_space<vmem_shared>>) offsets(%dma_start3A_169 : memref<64xi32, #tpu.memory_space<vmem>>) semaphore(%run_scoped3A : memref<!tpu.dma_semaphore, #tpu.memory_space<semaphore_mem>>) {add = true}
        %dma_wait3A = arith.constant 0 : i32
        %dma_wait3A_173 = tpu.memref_slice %arg14[%rem3A_112, %rem3A_114, %dma_wait3A] : memref<2x32x64xi32, #tpu.memory_space<vmem>> -> memref<1x1x64xi32, #tpu.memory_space<vmem>>
        %dma_wait3A_174 = tpu.memref_squeeze %dma_wait3A_173 : memref<1x1x64xi32, #tpu.memory_space<vmem>> -> memref<64xi32, #tpu.memory_space<vmem>>
        %dma_wait3A_175 = arith.constant 0 : i32
        %dma_wait3A_176 = arith.constant 0 : i32
        %dma_wait3A_177 = tpu.memref_slice %arg41[%dma_wait3A_175, %dma_wait3A_176] : memref<10240x128xf32, #tpu.memory_space<vmem_shared>> -> memref<10240x128xf32, #tpu.memory_space<vmem_shared>>
        tpu.wait_indirect_dma semaphore(%run_scoped3A : memref<!tpu.dma_semaphore, #tpu.memory_space<semaphore_mem>>) src(%arg17 : memref<64x128xf32, #tpu.memory_space<vmem>>) dst(%dma_wait3A_177 : memref<10240x128xf32, #tpu.memory_space<vmem_shared>>)
        tpu.yield
      }) : () -> ()
      %mul3A_136 = arith.constant 3 : i32
      %mul3A_137 = arith.muli %scan3A_73, %mul3A_136 : i32
      %add3A_138 = arith.constant 2 : i32
      %add3A_139 = arith.addi %mul3A_137, %add3A_138 : i32
      %div3A_140 = arith.constant 32 : i32
      %div3A_141 = arith.divsi %add3A_139, %div3A_140 : i32
      %rem3A_142 = arith.constant 2 : i32
      %rem3A_143 = arith.remsi %div3A_141, %rem3A_142 : i32
      %rem3A_144 = arith.constant 32 : i32
      %rem3A_145 = arith.remsi %add3A_139, %rem3A_144 : i32
      "tpu.region"() ({
        %run_scoped3A = tpu.sem_alloc : memref<!tpu.dma_semaphore, #tpu.memory_space<semaphore_mem>>
        %dma_start3A = arith.constant 0 : i32
        %dma_start3A_168 = tpu.memref_slice %arg13[%rem3A_143, %rem3A_145, %dma_start3A] : memref<2x32x64xi32, #tpu.memory_space<vmem>> -> memref<1x1x64xi32, #tpu.memory_space<vmem>>
        %dma_start3A_169 = tpu.memref_squeeze %dma_start3A_168 : memref<1x1x64xi32, #tpu.memory_space<vmem>> -> memref<64xi32, #tpu.memory_space<vmem>>
        %dma_start3A_170 = arith.constant 0 : i32
        %dma_start3A_171 = arith.constant 0 : i32
        %dma_start3A_172 = tpu.memref_slice %arg2[%dma_start3A_170, %dma_start3A_171] : memref<10240x128xf32, #tpu.memory_space<hbm>> -> memref<10240x128xf32, #tpu.memory_space<hbm>>
        tpu.enqueue_indirect_dma source(%dma_start3A_172 : memref<10240x128xf32, #tpu.memory_space<hbm>>) target(%arg18 : memref<64x128xf32, #tpu.memory_space<vmem>>) offsets(%dma_start3A_169 : memref<64xi32, #tpu.memory_space<vmem>>) semaphore(%run_scoped3A : memref<!tpu.dma_semaphore, #tpu.memory_space<semaphore_mem>>)
        %dma_wait3A = arith.constant 0 : i32
        %dma_wait3A_173 = tpu.memref_slice %arg13[%rem3A_143, %rem3A_145, %dma_wait3A] : memref<2x32x64xi32, #tpu.memory_space<vmem>> -> memref<1x1x64xi32, #tpu.memory_space<vmem>>
        %dma_wait3A_174 = tpu.memref_squeeze %dma_wait3A_173 : memref<1x1x64xi32, #tpu.memory_space<vmem>> -> memref<64xi32, #tpu.memory_space<vmem>>
        %dma_wait3A_175 = arith.constant 0 : i32
        %dma_wait3A_176 = arith.constant 0 : i32
        %dma_wait3A_177 = tpu.memref_slice %arg2[%dma_wait3A_175, %dma_wait3A_176] : memref<10240x128xf32, #tpu.memory_space<hbm>> -> memref<10240x128xf32, #tpu.memory_space<hbm>>
        tpu.wait_indirect_dma semaphore(%run_scoped3A : memref<!tpu.dma_semaphore, #tpu.memory_space<semaphore_mem>>) src(%dma_wait3A_177 : memref<10240x128xf32, #tpu.memory_space<hbm>>) dst(%arg18 : memref<64x128xf32, #tpu.memory_space<vmem>>)
        tpu.yield
      }) : () -> ()
      "tpu.region"() ({
        %run_scoped3A = tpu.sem_alloc : memref<!tpu.dma_semaphore, #tpu.memory_space<semaphore_mem>>
        %dma_start3A = arith.constant 128 : i32
        %dma_start3A_168 = tpu.memref_slice %arg19[%dma_start3A] : memref<192xf32, #tpu.memory_space<vmem>> -> memref<64xf32, #tpu.memory_space<vmem>>
        %dma_start3A_169 = arith.constant 0 : i32
        %dma_start3A_170 = tpu.memref_slice %arg13[%rem3A_143, %rem3A_145, %dma_start3A_169] : memref<2x32x64xi32, #tpu.memory_space<vmem>> -> memref<1x1x64xi32, #tpu.memory_space<vmem>>
        %dma_start3A_171 = tpu.memref_squeeze %dma_start3A_170 : memref<1x1x64xi32, #tpu.memory_space<vmem>> -> memref<64xi32, #tpu.memory_space<vmem>>
        %dma_start3A_172 = tpu.memref_slice %arg11[%mul3A_27] : memref<20480xf32, #tpu.memory_space<hbm>> -> memref<10240xf32, #tpu.memory_space<hbm>>
        %dma_start3A_173 = arith.constant 0 : i32
        %dma_start3A_174 = tpu.memref_slice %dma_start3A_172[%dma_start3A_173] : memref<10240xf32, #tpu.memory_space<hbm>> -> memref<10240xf32, #tpu.memory_space<hbm>>
        tpu.enqueue_indirect_dma source(%dma_start3A_174 : memref<10240xf32, #tpu.memory_space<hbm>>) target(%dma_start3A_168 : memref<64xf32, #tpu.memory_space<vmem>>) offsets(%dma_start3A_171 : memref<64xi32, #tpu.memory_space<vmem>>) semaphore(%run_scoped3A : memref<!tpu.dma_semaphore, #tpu.memory_space<semaphore_mem>>)
        %dma_wait3A = arith.constant 128 : i32
        %dma_wait3A_175 = tpu.memref_slice %arg19[%dma_wait3A] : memref<192xf32, #tpu.memory_space<vmem>> -> memref<64xf32, #tpu.memory_space<vmem>>
        %dma_wait3A_176 = arith.constant 0 : i32
        %dma_wait3A_177 = tpu.memref_slice %arg13[%rem3A_143, %rem3A_145, %dma_wait3A_176] : memref<2x32x64xi32, #tpu.memory_space<vmem>> -> memref<1x1x64xi32, #tpu.memory_space<vmem>>
        %dma_wait3A_178 = tpu.memref_squeeze %dma_wait3A_177 : memref<1x1x64xi32, #tpu.memory_space<vmem>> -> memref<64xi32, #tpu.memory_space<vmem>>
        %dma_wait3A_179 = tpu.memref_slice %arg11[%mul3A_27] : memref<20480xf32, #tpu.memory_space<hbm>> -> memref<10240xf32, #tpu.memory_space<hbm>>
        %dma_wait3A_180 = arith.constant 0 : i32
        %dma_wait3A_181 = tpu.memref_slice %dma_wait3A_179[%dma_wait3A_180] : memref<10240xf32, #tpu.memory_space<hbm>> -> memref<10240xf32, #tpu.memory_space<hbm>>
        tpu.wait_indirect_dma semaphore(%run_scoped3A : memref<!tpu.dma_semaphore, #tpu.memory_space<semaphore_mem>>) src(%dma_wait3A_181 : memref<10240xf32, #tpu.memory_space<hbm>>) dst(%dma_wait3A_175 : memref<64xf32, #tpu.memory_space<vmem>>)
        tpu.yield
      }) : () -> ()
      "tpu.region"() ({
        %run_scoped3A = tpu.sem_alloc : memref<!tpu.dma_semaphore, #tpu.memory_space<semaphore_mem>>
        %dma_start3A = arith.constant 128 : i32
        %dma_start3A_168 = tpu.memref_slice %arg20[%dma_start3A] : memref<192xf32, #tpu.memory_space<vmem>> -> memref<64xf32, #tpu.memory_space<vmem>>
        %dma_start3A_169 = arith.constant 0 : i32
        %dma_start3A_170 = tpu.memref_slice %arg14[%rem3A_143, %rem3A_145, %dma_start3A_169] : memref<2x32x64xi32, #tpu.memory_space<vmem>> -> memref<1x1x64xi32, #tpu.memory_space<vmem>>
        %dma_start3A_171 = tpu.memref_squeeze %dma_start3A_170 : memref<1x1x64xi32, #tpu.memory_space<vmem>> -> memref<64xi32, #tpu.memory_space<vmem>>
        %dma_start3A_172 = tpu.memref_slice %arg12[%mul3A_29] : memref<20480xf32, #tpu.memory_space<hbm>> -> memref<10240xf32, #tpu.memory_space<hbm>>
        %dma_start3A_173 = arith.constant 0 : i32
        %dma_start3A_174 = tpu.memref_slice %dma_start3A_172[%dma_start3A_173] : memref<10240xf32, #tpu.memory_space<hbm>> -> memref<10240xf32, #tpu.memory_space<hbm>>
        tpu.enqueue_indirect_dma source(%dma_start3A_174 : memref<10240xf32, #tpu.memory_space<hbm>>) target(%dma_start3A_168 : memref<64xf32, #tpu.memory_space<vmem>>) offsets(%dma_start3A_171 : memref<64xi32, #tpu.memory_space<vmem>>) semaphore(%run_scoped3A : memref<!tpu.dma_semaphore, #tpu.memory_space<semaphore_mem>>)
        %dma_wait3A = arith.constant 128 : i32
        %dma_wait3A_175 = tpu.memref_slice %arg20[%dma_wait3A] : memref<192xf32, #tpu.memory_space<vmem>> -> memref<64xf32, #tpu.memory_space<vmem>>
        %dma_wait3A_176 = arith.constant 0 : i32
        %dma_wait3A_177 = tpu.memref_slice %arg14[%rem3A_143, %rem3A_145, %dma_wait3A_176] : memref<2x32x64xi32, #tpu.memory_space<vmem>> -> memref<1x1x64xi32, #tpu.memory_space<vmem>>
        %dma_wait3A_178 = tpu.memref_squeeze %dma_wait3A_177 : memref<1x1x64xi32, #tpu.memory_space<vmem>> -> memref<64xi32, #tpu.memory_space<vmem>>
        %dma_wait3A_179 = tpu.memref_slice %arg12[%mul3A_29] : memref<20480xf32, #tpu.memory_space<hbm>> -> memref<10240xf32, #tpu.memory_space<hbm>>
        %dma_wait3A_180 = arith.constant 0 : i32
        %dma_wait3A_181 = tpu.memref_slice %dma_wait3A_179[%dma_wait3A_180] : memref<10240xf32, #tpu.memory_space<hbm>> -> memref<10240xf32, #tpu.memory_space<hbm>>
        tpu.wait_indirect_dma semaphore(%run_scoped3A : memref<!tpu.dma_semaphore, #tpu.memory_space<semaphore_mem>>) src(%dma_wait3A_181 : memref<10240xf32, #tpu.memory_space<hbm>>) dst(%dma_wait3A_175 : memref<64xf32, #tpu.memory_space<vmem>>)
        tpu.yield
      }) : () -> ()
      %scan3A_146 = arith.constant 0 : i32
      %scan3A_147 = arith.constant 0 : i32
      %scan3A_148 = arith.constant 4 : i32
      %scan3A_149 = arith.addi %scan3A_147, %scan3A_148 : i32
      %scan3A_150 = arith.constant 1 : i32
      %scan3A_151 = scf.for %scan3A_168 = %scan3A_147 to %scan3A_149 step %scan3A_150 iter_args(%scan3A_169 = %scan3A_146) -> (i32)  : i32 {
        %mul3A_170 = arith.constant 16 : i32
        %mul3A_171 = arith.muli %scan3A_168, %mul3A_170 : i32
        %add3A_172 = arith.constant 128 : i32
        %add3A_173 = arith.addi %add3A_172, %mul3A_171 : i32
        %get3A = arith.index_cast %add3A_173 : i32 to index
        %get3A_174 = tpu.vector_load %arg20[%get3A] {strides = array<i32>} : memref<192xf32, #tpu.memory_space<vmem>>, vector<16xf32>,
        %mul3A_175 = arith.mulf %get3A_174, %get3A_174 : vector<16xf32>
        %div3A_176 = arith.constant 1.000000e+00 : f32
        %div3A_177 = vector.broadcast %div3A_176 : f32 to vector<16xf32>
        %div3A_178 = arith.divf %div3A_177, %mul3A_175 : vector<16xf32>
        %sub3A = arith.constant 1.000000e+00 : f32
        %sub3A_179 = vector.broadcast %sub3A : f32 to vector<16xf32>
        %sub3A_180 = arith.subf %div3A_178, %sub3A_179 : vector<16xf32>
        %max3A = arith.constant 1.000000e+00 : f32
        %max3A_181 = vector.broadcast %max3A : f32 to vector<16xf32>
        %max3A_182 = arith.maximumf %sub3A_180, %max3A_181 : vector<16xf32>
        %div3A_183 = arith.constant 1.000000e+00 : f32
        %div3A_184 = vector.broadcast %div3A_183 : f32 to vector<16xf32>
        %div3A_185 = arith.divf %div3A_184, %max3A_182 : vector<16xf32>
        %get3A_186 = arith.index_cast %add3A_173 : i32 to index
        %get3A_187 = tpu.vector_load %arg19[%get3A_186] {strides = array<i32>} : memref<192xf32, #tpu.memory_space<vmem>>, vector<16xf32>,
        %mul3A_188 = arith.mulf %get3A_187, %get3A_174 : vector<16xf32>
        %add3A_189 = arith.addf %mul3A_188, %div3A_185 : vector<16xf32>
        %swap3A = arith.index_cast %add3A_173 : i32 to index
        %swap3A_190 = tpu.vector_load %arg21[%swap3A] {strides = array<i32>} : memref<192xf32, #tpu.memory_space<vmem>>, vector<16xf32>,
        tpu.vector_store %arg21[%swap3A], %add3A_189 {strides = array<i32>} : memref<192xf32, #tpu.memory_space<vmem>>, vector<16xf32>,
        %scan3A_191 = arith.constant 0 : i32
        scf.yield %scan3A_191 : i32
      }
      %scan3A_152 = arith.constant 4 : i32
      %scan3A_153 = arith.constant 0 : i32
      %scan3A_154 = arith.constant 0 : i32
      %scan3A_155 = arith.constant 64 : i32
      %scan3A_156 = arith.addi %scan3A_154, %scan3A_155 : i32
      %scan3A_157 = arith.constant 1 : i32
      %scan3A_158 = scf.for %scan3A_168 = %scan3A_154 to %scan3A_156 step %scan3A_157 iter_args(%scan3A_169 = %scan3A_153) -> (i32)  : i32 {
        %add3A_170 = arith.constant 128 : i32
        %add3A_171 = arith.addi %add3A_170, %scan3A_168 : i32
        %broadcast_in_dim3A = arith.constant 0 : i32
        %broadcast_in_dim3A_172 = vector.broadcast %broadcast_in_dim3A : i32 to vector<16xi32>
        %add3A_173 = vector.broadcast %add3A_171 : i32 to vector<16xi32>
        %add3A_174 = arith.addi %broadcast_in_dim3A_172, %add3A_173 : vector<16xi32>
        %gather3A = tpu.vector_load_idx %arg21[%add3A_174] : memref<192xf32, #tpu.memory_space<vmem>>[vector<16xi32>], vector<16xf32>,
        %get3A = arith.index_cast %scan3A_168 : i32 to index
        %get3A_175 = arith.constant 0 : index
        %get3A_176 = tpu.vector_load %arg18[%get3A, %get3A_175] {strides = array<i32>} : memref<64x128xf32, #tpu.memory_space<vmem>>, vector<16xf32>,
        %mul3A_177 = arith.mulf %get3A_176, %gather3A : vector<16xf32>
        %swap3A = arith.index_cast %scan3A_168 : i32 to index
        %swap3A_178 = arith.constant 0 : index
        %swap3A_179 = tpu.vector_load %arg18[%swap3A, %swap3A_178] {strides = array<i32>} : memref<64x128xf32, #tpu.memory_space<vmem>>, vector<16xf32>,
        tpu.vector_store %arg18[%swap3A, %swap3A_178], %mul3A_177 {strides = array<i32>} : memref<64x128xf32, #tpu.memory_space<vmem>>, vector<16xf32>,
        %get3A_180 = arith.index_cast %scan3A_168 : i32 to index
        %get3A_181 = arith.constant 16 : index
        %get3A_182 = tpu.vector_load %arg18[%get3A_180, %get3A_181] {strides = array<i32>} : memref<64x128xf32, #tpu.memory_space<vmem>>, vector<16xf32>,
        %mul3A_183 = arith.mulf %get3A_182, %gather3A : vector<16xf32>
        %swap3A_184 = arith.index_cast %scan3A_168 : i32 to index
        %swap3A_185 = arith.constant 16 : index
        %swap3A_186 = tpu.vector_load %arg18[%swap3A_184, %swap3A_185] {strides = array<i32>} : memref<64x128xf32, #tpu.memory_space<vmem>>, vector<16xf32>,
        tpu.vector_store %arg18[%swap3A_184, %swap3A_185], %mul3A_183 {strides = array<i32>} : memref<64x128xf32, #tpu.memory_space<vmem>>, vector<16xf32>,
        %get3A_187 = arith.index_cast %scan3A_168 : i32 to index
        %get3A_188 = arith.constant 32 : index
        %get3A_189 = tpu.vector_load %arg18[%get3A_187, %get3A_188] {strides = array<i32>} : memref<64x128xf32, #tpu.memory_space<vmem>>, vector<16xf32>,
        %mul3A_190 = arith.mulf %get3A_189, %gather3A : vector<16xf32>
        %swap3A_191 = arith.index_cast %scan3A_168 : i32 to index
        %swap3A_192 = arith.constant 32 : index
        %swap3A_193 = tpu.vector_load %arg18[%swap3A_191, %swap3A_192] {strides = array<i32>} : memref<64x128xf32, #tpu.memory_space<vmem>>, vector<16xf32>,
        tpu.vector_store %arg18[%swap3A_191, %swap3A_192], %mul3A_190 {strides = array<i32>} : memref<64x128xf32, #tpu.memory_space<vmem>>, vector<16xf32>,
        %get3A_194 = arith.index_cast %scan3A_168 : i32 to index
        %get3A_195 = arith.constant 48 : index
        %get3A_196 = tpu.vector_load %arg18[%get3A_194, %get3A_195] {strides = array<i32>} : memref<64x128xf32, #tpu.memory_space<vmem>>, vector<16xf32>,
        %mul3A_197 = arith.mulf %get3A_196, %gather3A : vector<16xf32>
        %swap3A_198 = arith.index_cast %scan3A_168 : i32 to index
        %swap3A_199 = arith.constant 48 : index
        %swap3A_200 = tpu.vector_load %arg18[%swap3A_198, %swap3A_199] {strides = array<i32>} : memref<64x128xf32, #tpu.memory_space<vmem>>, vector<16xf32>,
        tpu.vector_store %arg18[%swap3A_198, %swap3A_199], %mul3A_197 {strides = array<i32>} : memref<64x128xf32, #tpu.memory_space<vmem>>, vector<16xf32>,
        %get3A_201 = arith.index_cast %scan3A_168 : i32 to index
        %get3A_202 = arith.constant 64 : index
        %get3A_203 = tpu.vector_load %arg18[%get3A_201, %get3A_202] {strides = array<i32>} : memref<64x128xf32, #tpu.memory_space<vmem>>, vector<16xf32>,
        %mul3A_204 = arith.mulf %get3A_203, %gather3A : vector<16xf32>
        %swap3A_205 = arith.index_cast %scan3A_168 : i32 to index
        %swap3A_206 = arith.constant 64 : index
        %swap3A_207 = tpu.vector_load %arg18[%swap3A_205, %swap3A_206] {strides = array<i32>} : memref<64x128xf32, #tpu.memory_space<vmem>>, vector<16xf32>,
        tpu.vector_store %arg18[%swap3A_205, %swap3A_206], %mul3A_204 {strides = array<i32>} : memref<64x128xf32, #tpu.memory_space<vmem>>, vector<16xf32>,
        %get3A_208 = arith.index_cast %scan3A_168 : i32 to index
        %get3A_209 = arith.constant 80 : index
        %get3A_210 = tpu.vector_load %arg18[%get3A_208, %get3A_209] {strides = array<i32>} : memref<64x128xf32, #tpu.memory_space<vmem>>, vector<16xf32>,
        %mul3A_211 = arith.mulf %get3A_210, %gather3A : vector<16xf32>
        %swap3A_212 = arith.index_cast %scan3A_168 : i32 to index
        %swap3A_213 = arith.constant 80 : index
        %swap3A_214 = tpu.vector_load %arg18[%swap3A_212, %swap3A_213] {strides = array<i32>} : memref<64x128xf32, #tpu.memory_space<vmem>>, vector<16xf32>,
        tpu.vector_store %arg18[%swap3A_212, %swap3A_213], %mul3A_211 {strides = array<i32>} : memref<64x128xf32, #tpu.memory_space<vmem>>, vector<16xf32>,
        %get3A_215 = arith.index_cast %scan3A_168 : i32 to index
        %get3A_216 = arith.constant 96 : index
        %get3A_217 = tpu.vector_load %arg18[%get3A_215, %get3A_216] {strides = array<i32>} : memref<64x128xf32, #tpu.memory_space<vmem>>, vector<16xf32>,
        %mul3A_218 = arith.mulf %get3A_217, %gather3A : vector<16xf32>
        %swap3A_219 = arith.index_cast %scan3A_168 : i32 to index
        %swap3A_220 = arith.constant 96 : index
        %swap3A_221 = tpu.vector_load %arg18[%swap3A_219, %swap3A_220] {strides = array<i32>} : memref<64x128xf32, #tpu.memory_space<vmem>>, vector<16xf32>,
        tpu.vector_store %arg18[%swap3A_219, %swap3A_220], %mul3A_218 {strides = array<i32>} : memref<64x128xf32, #tpu.memory_space<vmem>>, vector<16xf32>,
        %get3A_222 = arith.index_cast %scan3A_168 : i32 to index
        %get3A_223 = arith.constant 112 : index
        %get3A_224 = tpu.vector_load %arg18[%get3A_222, %get3A_223] {strides = array<i32>} : memref<64x128xf32, #tpu.memory_space<vmem>>, vector<16xf32>,
        %mul3A_225 = arith.mulf %get3A_224, %gather3A : vector<16xf32>
        %swap3A_226 = arith.index_cast %scan3A_168 : i32 to index
        %swap3A_227 = arith.constant 112 : index
        %swap3A_228 = tpu.vector_load %arg18[%swap3A_226, %swap3A_227] {strides = array<i32>} : memref<64x128xf32, #tpu.memory_space<vmem>>, vector<16xf32>,
        tpu.vector_store %arg18[%swap3A_226, %swap3A_227], %mul3A_225 {strides = array<i32>} : memref<64x128xf32, #tpu.memory_space<vmem>>, vector<16xf32>,
        %scan3A_229 = arith.constant 0 : i32
        scf.yield %scan3A_229 : i32
      }
      %scan3A_159 = arith.constant 64 : i32
      %add3A_160 = arith.constant 2 : i32
      %add3A_161 = arith.addi %add3A_139, %add3A_160 : i32
      %lt3A_162 = arith.constant 160 : i32
      %lt3A_163 = arith.cmpi slt, %add3A_161, %lt3A_162 : i32
      %convert_element_type3A_164 = arith.extui %lt3A_163 : i1 to i32
      %cond3A_165 = arith.constant 0 : i32
      %cond3A_166 = arith.cmpi ne, %convert_element_type3A_164, %cond3A_165 : i32
      scf.if %cond3A_166 {
        %div3A_168 = arith.constant 32 : i32
        %div3A_169 = arith.divsi %add3A_161, %div3A_168 : i32
        %rem3A_170 = arith.constant 2 : i32
        %rem3A_171 = arith.remsi %div3A_169, %rem3A_170 : i32
        %rem3A_172 = arith.constant 32 : i32
        %rem3A_173 = arith.remsi %add3A_161, %rem3A_172 : i32
        %eq3A_174 = arith.constant 0 : i32
        %eq3A_175 = arith.cmpi eq, %rem3A_173, %eq3A_174 : i32
        %convert_element_type3A_176 = arith.extui %eq3A_175 : i1 to i32
        %cond3A_177 = arith.constant 0 : i32
        %cond3A_178 = arith.cmpi ne, %convert_element_type3A_176, %cond3A_177 : i32
        scf.if %cond3A_178 {
          %add3A_179 = arith.addi %mul3A_25, %div3A_169 : i32
          "tpu.region"() ({
            %run_scoped3A = tpu.sem_alloc : memref<!tpu.dma_semaphore, #tpu.memory_space<semaphore_mem>>
            %dma_start3A = arith.constant 0 : i32
            %dma_start3A_181 = arith.constant 0 : i32
            %dma_start3A_182 = tpu.memref_slice %arg13[%rem3A_171, %dma_start3A, %dma_start3A_181] : memref<2x32x64xi32, #tpu.memory_space<vmem>> -> memref<1x32x64xi32, #tpu.memory_space<vmem>>
            %dma_start3A_183 = tpu.memref_squeeze %dma_start3A_182 : memref<1x32x64xi32, #tpu.memory_space<vmem>> -> memref<32x64xi32, #tpu.memory_space<vmem>>
            %dma_start3A_184 = arith.constant 0 : i32
            %dma_start3A_185 = arith.constant 0 : i32
            %dma_start3A_186 = tpu.memref_slice %arg3[%add3A_179, %dma_start3A_184, %dma_start3A_185] : memref<160x32x64xi32, #tpu.memory_space<hbm>> -> memref<1x32x64xi32, #tpu.memory_space<hbm>>
            %dma_start3A_187 = tpu.memref_squeeze %dma_start3A_186 : memref<1x32x64xi32, #tpu.memory_space<hbm>> -> memref<32x64xi32, #tpu.memory_space<hbm>>
            %dma_start3A_188 = arith.constant 0 : i32
            %dma_start3A_189 = arith.constant 0 : i32
            %dma_start3A_190 = tpu.memref_slice %arg13[%rem3A_171, %dma_start3A_188, %dma_start3A_189] : memref<2x32x64xi32, #tpu.memory_space<vmem>> -> memref<1x32x64xi32, #tpu.memory_space<vmem>>
            %dma_start3A_191 = tpu.memref_squeeze %dma_start3A_190 : memref<1x32x64xi32, #tpu.memory_space<vmem>> -> memref<32x64xi32, #tpu.memory_space<vmem>>
            %dma_start3A_192 = arith.constant 0 : i32
            %dma_start3A_193 = arith.constant 0 : i32
            %dma_start3A_194 = tpu.memref_slice %arg3[%add3A_179, %dma_start3A_192, %dma_start3A_193] : memref<160x32x64xi32, #tpu.memory_space<hbm>> -> memref<1x32x64xi32, #tpu.memory_space<hbm>>
            %dma_start3A_195 = tpu.memref_squeeze %dma_start3A_194 : memref<1x32x64xi32, #tpu.memory_space<hbm>> -> memref<32x64xi32, #tpu.memory_space<hbm>>
            tpu.enqueue_dma source(%dma_start3A_195 : memref<32x64xi32, #tpu.memory_space<hbm>>) target(%dma_start3A_191 : memref<32x64xi32, #tpu.memory_space<vmem>>) target_semaphore(%run_scoped3A : memref<!tpu.dma_semaphore, #tpu.memory_space<semaphore_mem>>)
            %dma_wait3A = arith.constant 0 : i32
            %dma_wait3A_196 = arith.constant 0 : i32
            %dma_wait3A_197 = tpu.memref_slice %arg13[%rem3A_171, %dma_wait3A, %dma_wait3A_196] : memref<2x32x64xi32, #tpu.memory_space<vmem>> -> memref<1x32x64xi32, #tpu.memory_space<vmem>>
            %dma_wait3A_198 = tpu.memref_squeeze %dma_wait3A_197 : memref<1x32x64xi32, #tpu.memory_space<vmem>> -> memref<32x64xi32, #tpu.memory_space<vmem>>
            %dma_wait3A_199 = arith.constant 0 : i32
            %dma_wait3A_200 = arith.constant 0 : i32
            %dma_wait3A_201 = tpu.memref_slice %arg3[%add3A_179, %dma_wait3A_199, %dma_wait3A_200] : memref<160x32x64xi32, #tpu.memory_space<hbm>> -> memref<1x32x64xi32, #tpu.memory_space<hbm>>
            %dma_wait3A_202 = tpu.memref_squeeze %dma_wait3A_201 : memref<1x32x64xi32, #tpu.memory_space<hbm>> -> memref<32x64xi32, #tpu.memory_space<hbm>>
            %dma_wait3A_203 = arith.constant 0 : i32
            %dma_wait3A_204 = arith.constant 0 : i32
            %dma_wait3A_205 = tpu.memref_slice %arg13[%rem3A_171, %dma_wait3A_203, %dma_wait3A_204] : memref<2x32x64xi32, #tpu.memory_space<vmem>> -> memref<1x32x64xi32, #tpu.memory_space<vmem>>
            %dma_wait3A_206 = tpu.memref_squeeze %dma_wait3A_205 : memref<1x32x64xi32, #tpu.memory_space<vmem>> -> memref<32x64xi32, #tpu.memory_space<vmem>>
            %dma_wait3A_207 = arith.constant 0 : i32
            %dma_wait3A_208 = arith.constant 0 : i32
            %dma_wait3A_209 = tpu.memref_slice %arg3[%add3A_179, %dma_wait3A_207, %dma_wait3A_208] : memref<160x32x64xi32, #tpu.memory_space<hbm>> -> memref<1x32x64xi32, #tpu.memory_space<hbm>>
            %dma_wait3A_210 = tpu.memref_squeeze %dma_wait3A_209 : memref<1x32x64xi32, #tpu.memory_space<hbm>> -> memref<32x64xi32, #tpu.memory_space<hbm>>
            tpu.wait_dma2 semaphore(%run_scoped3A : memref<!tpu.dma_semaphore, #tpu.memory_space<semaphore_mem>>) src(%dma_wait3A_210 : memref<32x64xi32, #tpu.memory_space<hbm>>) dst(%dma_wait3A_206 : memref<32x64xi32, #tpu.memory_space<vmem>>)
            tpu.yield
          }) : () -> ()
          %add3A_180 = arith.addi %mul3A_25, %div3A_169 : i32
          "tpu.region"() ({
            %run_scoped3A = tpu.sem_alloc : memref<!tpu.dma_semaphore, #tpu.memory_space<semaphore_mem>>
            %dma_start3A = arith.constant 0 : i32
            %dma_start3A_181 = arith.constant 0 : i32
            %dma_start3A_182 = tpu.memref_slice %arg14[%rem3A_171, %dma_start3A, %dma_start3A_181] : memref<2x32x64xi32, #tpu.memory_space<vmem>> -> memref<1x32x64xi32, #tpu.memory_space<vmem>>
            %dma_start3A_183 = tpu.memref_squeeze %dma_start3A_182 : memref<1x32x64xi32, #tpu.memory_space<vmem>> -> memref<32x64xi32, #tpu.memory_space<vmem>>
            %dma_start3A_184 = arith.constant 0 : i32
            %dma_start3A_185 = arith.constant 0 : i32
            %dma_start3A_186 = tpu.memref_slice %arg4[%add3A_180, %dma_start3A_184, %dma_start3A_185] : memref<160x32x64xi32, #tpu.memory_space<hbm>> -> memref<1x32x64xi32, #tpu.memory_space<hbm>>
            %dma_start3A_187 = tpu.memref_squeeze %dma_start3A_186 : memref<1x32x64xi32, #tpu.memory_space<hbm>> -> memref<32x64xi32, #tpu.memory_space<hbm>>
            %dma_start3A_188 = arith.constant 0 : i32
            %dma_start3A_189 = arith.constant 0 : i32
            %dma_start3A_190 = tpu.memref_slice %arg14[%rem3A_171, %dma_start3A_188, %dma_start3A_189] : memref<2x32x64xi32, #tpu.memory_space<vmem>> -> memref<1x32x64xi32, #tpu.memory_space<vmem>>
            %dma_start3A_191 = tpu.memref_squeeze %dma_start3A_190 : memref<1x32x64xi32, #tpu.memory_space<vmem>> -> memref<32x64xi32, #tpu.memory_space<vmem>>
            %dma_start3A_192 = arith.constant 0 : i32
            %dma_start3A_193 = arith.constant 0 : i32
            %dma_start3A_194 = tpu.memref_slice %arg4[%add3A_180, %dma_start3A_192, %dma_start3A_193] : memref<160x32x64xi32, #tpu.memory_space<hbm>> -> memref<1x32x64xi32, #tpu.memory_space<hbm>>
            %dma_start3A_195 = tpu.memref_squeeze %dma_start3A_194 : memref<1x32x64xi32, #tpu.memory_space<hbm>> -> memref<32x64xi32, #tpu.memory_space<hbm>>
            tpu.enqueue_dma source(%dma_start3A_195 : memref<32x64xi32, #tpu.memory_space<hbm>>) target(%dma_start3A_191 : memref<32x64xi32, #tpu.memory_space<vmem>>) target_semaphore(%run_scoped3A : memref<!tpu.dma_semaphore, #tpu.memory_space<semaphore_mem>>)
            %dma_wait3A = arith.constant 0 : i32
            %dma_wait3A_196 = arith.constant 0 : i32
            %dma_wait3A_197 = tpu.memref_slice %arg14[%rem3A_171, %dma_wait3A, %dma_wait3A_196] : memref<2x32x64xi32, #tpu.memory_space<vmem>> -> memref<1x32x64xi32, #tpu.memory_space<vmem>>
            %dma_wait3A_198 = tpu.memref_squeeze %dma_wait3A_197 : memref<1x32x64xi32, #tpu.memory_space<vmem>> -> memref<32x64xi32, #tpu.memory_space<vmem>>
            %dma_wait3A_199 = arith.constant 0 : i32
            %dma_wait3A_200 = arith.constant 0 : i32
            %dma_wait3A_201 = tpu.memref_slice %arg4[%add3A_180, %dma_wait3A_199, %dma_wait3A_200] : memref<160x32x64xi32, #tpu.memory_space<hbm>> -> memref<1x32x64xi32, #tpu.memory_space<hbm>>
            %dma_wait3A_202 = tpu.memref_squeeze %dma_wait3A_201 : memref<1x32x64xi32, #tpu.memory_space<hbm>> -> memref<32x64xi32, #tpu.memory_space<hbm>>
            %dma_wait3A_203 = arith.constant 0 : i32
            %dma_wait3A_204 = arith.constant 0 : i32
            %dma_wait3A_205 = tpu.memref_slice %arg14[%rem3A_171, %dma_wait3A_203, %dma_wait3A_204] : memref<2x32x64xi32, #tpu.memory_space<vmem>> -> memref<1x32x64xi32, #tpu.memory_space<vmem>>
            %dma_wait3A_206 = tpu.memref_squeeze %dma_wait3A_205 : memref<1x32x64xi32, #tpu.memory_space<vmem>> -> memref<32x64xi32, #tpu.memory_space<vmem>>
            %dma_wait3A_207 = arith.constant 0 : i32
            %dma_wait3A_208 = arith.constant 0 : i32
            %dma_wait3A_209 = tpu.memref_slice %arg4[%add3A_180, %dma_wait3A_207, %dma_wait3A_208] : memref<160x32x64xi32, #tpu.memory_space<hbm>> -> memref<1x32x64xi32, #tpu.memory_space<hbm>>
            %dma_wait3A_210 = tpu.memref_squeeze %dma_wait3A_209 : memref<1x32x64xi32, #tpu.memory_space<hbm>> -> memref<32x64xi32, #tpu.memory_space<hbm>>
            tpu.wait_dma2 semaphore(%run_scoped3A : memref<!tpu.dma_semaphore, #tpu.memory_space<semaphore_mem>>) src(%dma_wait3A_210 : memref<32x64xi32, #tpu.memory_space<hbm>>) dst(%dma_wait3A_206 : memref<32x64xi32, #tpu.memory_space<vmem>>)
            tpu.yield
          }) : () -> ()
        } else {
        }
      } else {
      }
      "tpu.region"() ({
        %run_scoped3A = tpu.sem_alloc : memref<!tpu.dma_semaphore, #tpu.memory_space<semaphore_mem>>
        %dma_start3A = arith.constant 0 : i32
        %dma_start3A_168 = tpu.memref_slice %arg14[%rem3A_143, %rem3A_145, %dma_start3A] : memref<2x32x64xi32, #tpu.memory_space<vmem>> -> memref<1x1x64xi32, #tpu.memory_space<vmem>>
        %dma_start3A_169 = tpu.memref_squeeze %dma_start3A_168 : memref<1x1x64xi32, #tpu.memory_space<vmem>> -> memref<64xi32, #tpu.memory_space<vmem>>
        %dma_start3A_170 = arith.constant 0 : i32
        %dma_start3A_171 = arith.constant 0 : i32
        %dma_start3A_172 = tpu.memref_slice %arg41[%dma_start3A_170, %dma_start3A_171] : memref<10240x128xf32, #tpu.memory_space<vmem_shared>> -> memref<10240x128xf32, #tpu.memory_space<vmem_shared>>
        tpu.enqueue_indirect_dma source(%arg18 : memref<64x128xf32, #tpu.memory_space<vmem>>) target(%dma_start3A_172 : memref<10240x128xf32, #tpu.memory_space<vmem_shared>>) offsets(%dma_start3A_169 : memref<64xi32, #tpu.memory_space<vmem>>) semaphore(%run_scoped3A : memref<!tpu.dma_semaphore, #tpu.memory_space<semaphore_mem>>) {add = true}
        %dma_wait3A = arith.constant 0 : i32
        %dma_wait3A_173 = tpu.memref_slice %arg14[%rem3A_143, %rem3A_145, %dma_wait3A] : memref<2x32x64xi32, #tpu.memory_space<vmem>> -> memref<1x1x64xi32, #tpu.memory_space<vmem>>
        %dma_wait3A_174 = tpu.memref_squeeze %dma_wait3A_173 : memref<1x1x64xi32, #tpu.memory_space<vmem>> -> memref<64xi32, #tpu.memory_space<vmem>>
        %dma_wait3A_175 = arith.constant 0 : i32
        %dma_wait3A_176 = arith.constant 0 : i32
        %dma_wait3A_177 = tpu.memref_slice %arg41[%dma_wait3A_175, %dma_wait3A_176] : memref<10240x128xf32, #tpu.memory_space<vmem_shared>> -> memref<10240x128xf32, #tpu.memory_space<vmem_shared>>
        tpu.wait_indirect_dma semaphore(%run_scoped3A : memref<!tpu.dma_semaphore, #tpu.memory_space<semaphore_mem>>) src(%arg18 : memref<64x128xf32, #tpu.memory_space<vmem>>) dst(%dma_wait3A_177 : memref<10240x128xf32, #tpu.memory_space<vmem_shared>>)
        tpu.yield
      }) : () -> ()
      %scan3A_167 = arith.constant 0 : i32
      scf.yield %scan3A_167 : i32
    }
    %scan3A_44 = arith.constant 53 : i32
    %div3A_45 = arith.constant 159 : i32
    %div3A_46 = arith.constant 32 : i32
    %div3A_47 = arith.divsi %div3A_45, %div3A_46 : i32
    %rem3A_48 = arith.constant 2 : i32
    %rem3A_49 = arith.remsi %div3A_47, %rem3A_48 : i32
    %rem3A_50 = arith.constant 159 : i32
    %rem3A_51 = arith.constant 32 : i32
    %rem3A_52 = arith.remsi %rem3A_50, %rem3A_51 : i32
    "tpu.region"() ({
      %run_scoped3A = tpu.sem_alloc : memref<!tpu.dma_semaphore, #tpu.memory_space<semaphore_mem>>
      %dma_start3A = arith.constant 0 : i32
      %dma_start3A_73 = tpu.memref_slice %arg13[%rem3A_49, %rem3A_52, %dma_start3A] : memref<2x32x64xi32, #tpu.memory_space<vmem>> -> memref<1x1x64xi32, #tpu.memory_space<vmem>>
      %dma_start3A_74 = tpu.memref_squeeze %dma_start3A_73 : memref<1x1x64xi32, #tpu.memory_space<vmem>> -> memref<64xi32, #tpu.memory_space<vmem>>
      %dma_start3A_75 = arith.constant 0 : i32
      %dma_start3A_76 = arith.constant 0 : i32
      %dma_start3A_77 = tpu.memref_slice %arg2[%dma_start3A_75, %dma_start3A_76] : memref<10240x128xf32, #tpu.memory_space<hbm>> -> memref<10240x128xf32, #tpu.memory_space<hbm>>
      tpu.enqueue_indirect_dma source(%dma_start3A_77 : memref<10240x128xf32, #tpu.memory_space<hbm>>) target(%arg16 : memref<64x128xf32, #tpu.memory_space<vmem>>) offsets(%dma_start3A_74 : memref<64xi32, #tpu.memory_space<vmem>>) semaphore(%run_scoped3A : memref<!tpu.dma_semaphore, #tpu.memory_space<semaphore_mem>>)
      %dma_wait3A = arith.constant 0 : i32
      %dma_wait3A_78 = tpu.memref_slice %arg13[%rem3A_49, %rem3A_52, %dma_wait3A] : memref<2x32x64xi32, #tpu.memory_space<vmem>> -> memref<1x1x64xi32, #tpu.memory_space<vmem>>
      %dma_wait3A_79 = tpu.memref_squeeze %dma_wait3A_78 : memref<1x1x64xi32, #tpu.memory_space<vmem>> -> memref<64xi32, #tpu.memory_space<vmem>>
      %dma_wait3A_80 = arith.constant 0 : i32
      %dma_wait3A_81 = arith.constant 0 : i32
      %dma_wait3A_82 = tpu.memref_slice %arg2[%dma_wait3A_80, %dma_wait3A_81] : memref<10240x128xf32, #tpu.memory_space<hbm>> -> memref<10240x128xf32, #tpu.memory_space<hbm>>
      tpu.wait_indirect_dma semaphore(%run_scoped3A : memref<!tpu.dma_semaphore, #tpu.memory_space<semaphore_mem>>) src(%dma_wait3A_82 : memref<10240x128xf32, #tpu.memory_space<hbm>>) dst(%arg16 : memref<64x128xf32, #tpu.memory_space<vmem>>)
      tpu.yield
    }) : () -> ()
    "tpu.region"() ({
      %run_scoped3A = tpu.sem_alloc : memref<!tpu.dma_semaphore, #tpu.memory_space<semaphore_mem>>
      %dma_start3A = arith.constant 0 : i32
      %dma_start3A_73 = tpu.memref_slice %arg19[%dma_start3A] : memref<192xf32, #tpu.memory_space<vmem>> -> memref<64xf32, #tpu.memory_space<vmem>>
      %dma_start3A_74 = arith.constant 0 : i32
      %dma_start3A_75 = tpu.memref_slice %arg13[%rem3A_49, %rem3A_52, %dma_start3A_74] : memref<2x32x64xi32, #tpu.memory_space<vmem>> -> memref<1x1x64xi32, #tpu.memory_space<vmem>>
      %dma_start3A_76 = tpu.memref_squeeze %dma_start3A_75 : memref<1x1x64xi32, #tpu.memory_space<vmem>> -> memref<64xi32, #tpu.memory_space<vmem>>
      %dma_start3A_77 = tpu.memref_slice %arg11[%mul3A_27] : memref<20480xf32, #tpu.memory_space<hbm>> -> memref<10240xf32, #tpu.memory_space<hbm>>
      %dma_start3A_78 = arith.constant 0 : i32
      %dma_start3A_79 = tpu.memref_slice %dma_start3A_77[%dma_start3A_78] : memref<10240xf32, #tpu.memory_space<hbm>> -> memref<10240xf32, #tpu.memory_space<hbm>>
      tpu.enqueue_indirect_dma source(%dma_start3A_79 : memref<10240xf32, #tpu.memory_space<hbm>>) target(%dma_start3A_73 : memref<64xf32, #tpu.memory_space<vmem>>) offsets(%dma_start3A_76 : memref<64xi32, #tpu.memory_space<vmem>>) semaphore(%run_scoped3A : memref<!tpu.dma_semaphore, #tpu.memory_space<semaphore_mem>>)
      %dma_wait3A = arith.constant 0 : i32
      %dma_wait3A_80 = tpu.memref_slice %arg19[%dma_wait3A] : memref<192xf32, #tpu.memory_space<vmem>> -> memref<64xf32, #tpu.memory_space<vmem>>
      %dma_wait3A_81 = arith.constant 0 : i32
      %dma_wait3A_82 = tpu.memref_slice %arg13[%rem3A_49, %rem3A_52, %dma_wait3A_81] : memref<2x32x64xi32, #tpu.memory_space<vmem>> -> memref<1x1x64xi32, #tpu.memory_space<vmem>>
      %dma_wait3A_83 = tpu.memref_squeeze %dma_wait3A_82 : memref<1x1x64xi32, #tpu.memory_space<vmem>> -> memref<64xi32, #tpu.memory_space<vmem>>
      %dma_wait3A_84 = tpu.memref_slice %arg11[%mul3A_27] : memref<20480xf32, #tpu.memory_space<hbm>> -> memref<10240xf32, #tpu.memory_space<hbm>>
      %dma_wait3A_85 = arith.constant 0 : i32
      %dma_wait3A_86 = tpu.memref_slice %dma_wait3A_84[%dma_wait3A_85] : memref<10240xf32, #tpu.memory_space<hbm>> -> memref<10240xf32, #tpu.memory_space<hbm>>
      tpu.wait_indirect_dma semaphore(%run_scoped3A : memref<!tpu.dma_semaphore, #tpu.memory_space<semaphore_mem>>) src(%dma_wait3A_86 : memref<10240xf32, #tpu.memory_space<hbm>>) dst(%dma_wait3A_80 : memref<64xf32, #tpu.memory_space<vmem>>)
      tpu.yield
    }) : () -> ()
    "tpu.region"() ({
      %run_scoped3A = tpu.sem_alloc : memref<!tpu.dma_semaphore, #tpu.memory_space<semaphore_mem>>
      %dma_start3A = arith.constant 0 : i32
      %dma_start3A_73 = tpu.memref_slice %arg20[%dma_start3A] : memref<192xf32, #tpu.memory_space<vmem>> -> memref<64xf32, #tpu.memory_space<vmem>>
      %dma_start3A_74 = arith.constant 0 : i32
      %dma_start3A_75 = tpu.memref_slice %arg14[%rem3A_49, %rem3A_52, %dma_start3A_74] : memref<2x32x64xi32, #tpu.memory_space<vmem>> -> memref<1x1x64xi32, #tpu.memory_space<vmem>>
      %dma_start3A_76 = tpu.memref_squeeze %dma_start3A_75 : memref<1x1x64xi32, #tpu.memory_space<vmem>> -> memref<64xi32, #tpu.memory_space<vmem>>
      %dma_start3A_77 = tpu.memref_slice %arg12[%mul3A_29] : memref<20480xf32, #tpu.memory_space<hbm>> -> memref<10240xf32, #tpu.memory_space<hbm>>
      %dma_start3A_78 = arith.constant 0 : i32
      %dma_start3A_79 = tpu.memref_slice %dma_start3A_77[%dma_start3A_78] : memref<10240xf32, #tpu.memory_space<hbm>> -> memref<10240xf32, #tpu.memory_space<hbm>>
      tpu.enqueue_indirect_dma source(%dma_start3A_79 : memref<10240xf32, #tpu.memory_space<hbm>>) target(%dma_start3A_73 : memref<64xf32, #tpu.memory_space<vmem>>) offsets(%dma_start3A_76 : memref<64xi32, #tpu.memory_space<vmem>>) semaphore(%run_scoped3A : memref<!tpu.dma_semaphore, #tpu.memory_space<semaphore_mem>>)
      %dma_wait3A = arith.constant 0 : i32
      %dma_wait3A_80 = tpu.memref_slice %arg20[%dma_wait3A] : memref<192xf32, #tpu.memory_space<vmem>> -> memref<64xf32, #tpu.memory_space<vmem>>
      %dma_wait3A_81 = arith.constant 0 : i32
      %dma_wait3A_82 = tpu.memref_slice %arg14[%rem3A_49, %rem3A_52, %dma_wait3A_81] : memref<2x32x64xi32, #tpu.memory_space<vmem>> -> memref<1x1x64xi32, #tpu.memory_space<vmem>>
      %dma_wait3A_83 = tpu.memref_squeeze %dma_wait3A_82 : memref<1x1x64xi32, #tpu.memory_space<vmem>> -> memref<64xi32, #tpu.memory_space<vmem>>
      %dma_wait3A_84 = tpu.memref_slice %arg12[%mul3A_29] : memref<20480xf32, #tpu.memory_space<hbm>> -> memref<10240xf32, #tpu.memory_space<hbm>>
      %dma_wait3A_85 = arith.constant 0 : i32
      %dma_wait3A_86 = tpu.memref_slice %dma_wait3A_84[%dma_wait3A_85] : memref<10240xf32, #tpu.memory_space<hbm>> -> memref<10240xf32, #tpu.memory_space<hbm>>
      tpu.wait_indirect_dma semaphore(%run_scoped3A : memref<!tpu.dma_semaphore, #tpu.memory_space<semaphore_mem>>) src(%dma_wait3A_86 : memref<10240xf32, #tpu.memory_space<hbm>>) dst(%dma_wait3A_80 : memref<64xf32, #tpu.memory_space<vmem>>)
      tpu.yield
    }) : () -> ()
    %scan3A_53 = arith.constant 0 : i32
    %scan3A_54 = arith.constant 0 : i32
    %scan3A_55 = arith.constant 4 : i32
    %scan3A_56 = arith.addi %scan3A_54, %scan3A_55 : i32
    %scan3A_57 = arith.constant 1 : i32
    %scan3A_58 = scf.for %scan3A_73 = %scan3A_54 to %scan3A_56 step %scan3A_57 iter_args(%scan3A_74 = %scan3A_53) -> (i32)  : i32 {
      %mul3A_75 = arith.constant 16 : i32
      %mul3A_76 = arith.muli %scan3A_73, %mul3A_75 : i32
      %add3A_77 = arith.constant 0 : i32
      %add3A_78 = arith.addi %add3A_77, %mul3A_76 : i32
      %get3A = arith.index_cast %add3A_78 : i32 to index
      %get3A_79 = tpu.vector_load %arg20[%get3A] {strides = array<i32>} : memref<192xf32, #tpu.memory_space<vmem>>, vector<16xf32>,
      %mul3A_80 = arith.mulf %get3A_79, %get3A_79 : vector<16xf32>
      %div3A_81 = arith.constant 1.000000e+00 : f32
      %div3A_82 = vector.broadcast %div3A_81 : f32 to vector<16xf32>
      %div3A_83 = arith.divf %div3A_82, %mul3A_80 : vector<16xf32>
      %sub3A = arith.constant 1.000000e+00 : f32
      %sub3A_84 = vector.broadcast %sub3A : f32 to vector<16xf32>
      %sub3A_85 = arith.subf %div3A_83, %sub3A_84 : vector<16xf32>
      %max3A = arith.constant 1.000000e+00 : f32
      %max3A_86 = vector.broadcast %max3A : f32 to vector<16xf32>
      %max3A_87 = arith.maximumf %sub3A_85, %max3A_86 : vector<16xf32>
      %div3A_88 = arith.constant 1.000000e+00 : f32
      %div3A_89 = vector.broadcast %div3A_88 : f32 to vector<16xf32>
      %div3A_90 = arith.divf %div3A_89, %max3A_87 : vector<16xf32>
      %get3A_91 = arith.index_cast %add3A_78 : i32 to index
      %get3A_92 = tpu.vector_load %arg19[%get3A_91] {strides = array<i32>} : memref<192xf32, #tpu.memory_space<vmem>>, vector<16xf32>,
      %mul3A_93 = arith.mulf %get3A_92, %get3A_79 : vector<16xf32>
      %add3A_94 = arith.addf %mul3A_93, %div3A_90 : vector<16xf32>
      %swap3A = arith.index_cast %add3A_78 : i32 to index
      %swap3A_95 = tpu.vector_load %arg21[%swap3A] {strides = array<i32>} : memref<192xf32, #tpu.memory_space<vmem>>, vector<16xf32>,
      tpu.vector_store %arg21[%swap3A], %add3A_94 {strides = array<i32>} : memref<192xf32, #tpu.memory_space<vmem>>, vector<16xf32>,
      %scan3A_96 = arith.constant 0 : i32
      scf.yield %scan3A_96 : i32
    }
    %scan3A_59 = arith.constant 4 : i32
    %scan3A_60 = arith.constant 0 : i32
    %scan3A_61 = arith.constant 0 : i32
    %scan3A_62 = arith.constant 64 : i32
    %scan3A_63 = arith.addi %scan3A_61, %scan3A_62 : i32
    %scan3A_64 = arith.constant 1 : i32
    %scan3A_65 = scf.for %scan3A_73 = %scan3A_61 to %scan3A_63 step %scan3A_64 iter_args(%scan3A_74 = %scan3A_60) -> (i32)  : i32 {
      %add3A_75 = arith.constant 0 : i32
      %add3A_76 = arith.addi %add3A_75, %scan3A_73 : i32
      %broadcast_in_dim3A = arith.constant 0 : i32
      %broadcast_in_dim3A_77 = vector.broadcast %broadcast_in_dim3A : i32 to vector<16xi32>
      %add3A_78 = vector.broadcast %add3A_76 : i32 to vector<16xi32>
      %add3A_79 = arith.addi %broadcast_in_dim3A_77, %add3A_78 : vector<16xi32>
      %gather3A = tpu.vector_load_idx %arg21[%add3A_79] : memref<192xf32, #tpu.memory_space<vmem>>[vector<16xi32>], vector<16xf32>,
      %get3A = arith.index_cast %scan3A_73 : i32 to index
      %get3A_80 = arith.constant 0 : index
      %get3A_81 = tpu.vector_load %arg16[%get3A, %get3A_80] {strides = array<i32>} : memref<64x128xf32, #tpu.memory_space<vmem>>, vector<16xf32>,
      %mul3A_82 = arith.mulf %get3A_81, %gather3A : vector<16xf32>
      %swap3A = arith.index_cast %scan3A_73 : i32 to index
      %swap3A_83 = arith.constant 0 : index
      %swap3A_84 = tpu.vector_load %arg16[%swap3A, %swap3A_83] {strides = array<i32>} : memref<64x128xf32, #tpu.memory_space<vmem>>, vector<16xf32>,
      tpu.vector_store %arg16[%swap3A, %swap3A_83], %mul3A_82 {strides = array<i32>} : memref<64x128xf32, #tpu.memory_space<vmem>>, vector<16xf32>,
      %get3A_85 = arith.index_cast %scan3A_73 : i32 to index
      %get3A_86 = arith.constant 16 : index
      %get3A_87 = tpu.vector_load %arg16[%get3A_85, %get3A_86] {strides = array<i32>} : memref<64x128xf32, #tpu.memory_space<vmem>>, vector<16xf32>,
      %mul3A_88 = arith.mulf %get3A_87, %gather3A : vector<16xf32>
      %swap3A_89 = arith.index_cast %scan3A_73 : i32 to index
      %swap3A_90 = arith.constant 16 : index
      %swap3A_91 = tpu.vector_load %arg16[%swap3A_89, %swap3A_90] {strides = array<i32>} : memref<64x128xf32, #tpu.memory_space<vmem>>, vector<16xf32>,
      tpu.vector_store %arg16[%swap3A_89, %swap3A_90], %mul3A_88 {strides = array<i32>} : memref<64x128xf32, #tpu.memory_space<vmem>>, vector<16xf32>,
      %get3A_92 = arith.index_cast %scan3A_73 : i32 to index
      %get3A_93 = arith.constant 32 : index
      %get3A_94 = tpu.vector_load %arg16[%get3A_92, %get3A_93] {strides = array<i32>} : memref<64x128xf32, #tpu.memory_space<vmem>>, vector<16xf32>,
      %mul3A_95 = arith.mulf %get3A_94, %gather3A : vector<16xf32>
      %swap3A_96 = arith.index_cast %scan3A_73 : i32 to index
      %swap3A_97 = arith.constant 32 : index
      %swap3A_98 = tpu.vector_load %arg16[%swap3A_96, %swap3A_97] {strides = array<i32>} : memref<64x128xf32, #tpu.memory_space<vmem>>, vector<16xf32>,
      tpu.vector_store %arg16[%swap3A_96, %swap3A_97], %mul3A_95 {strides = array<i32>} : memref<64x128xf32, #tpu.memory_space<vmem>>, vector<16xf32>,
      %get3A_99 = arith.index_cast %scan3A_73 : i32 to index
      %get3A_100 = arith.constant 48 : index
      %get3A_101 = tpu.vector_load %arg16[%get3A_99, %get3A_100] {strides = array<i32>} : memref<64x128xf32, #tpu.memory_space<vmem>>, vector<16xf32>,
      %mul3A_102 = arith.mulf %get3A_101, %gather3A : vector<16xf32>
      %swap3A_103 = arith.index_cast %scan3A_73 : i32 to index
      %swap3A_104 = arith.constant 48 : index
      %swap3A_105 = tpu.vector_load %arg16[%swap3A_103, %swap3A_104] {strides = array<i32>} : memref<64x128xf32, #tpu.memory_space<vmem>>, vector<16xf32>,
      tpu.vector_store %arg16[%swap3A_103, %swap3A_104], %mul3A_102 {strides = array<i32>} : memref<64x128xf32, #tpu.memory_space<vmem>>, vector<16xf32>,
      %get3A_106 = arith.index_cast %scan3A_73 : i32 to index
      %get3A_107 = arith.constant 64 : index
      %get3A_108 = tpu.vector_load %arg16[%get3A_106, %get3A_107] {strides = array<i32>} : memref<64x128xf32, #tpu.memory_space<vmem>>, vector<16xf32>,
      %mul3A_109 = arith.mulf %get3A_108, %gather3A : vector<16xf32>
      %swap3A_110 = arith.index_cast %scan3A_73 : i32 to index
      %swap3A_111 = arith.constant 64 : index
      %swap3A_112 = tpu.vector_load %arg16[%swap3A_110, %swap3A_111] {strides = array<i32>} : memref<64x128xf32, #tpu.memory_space<vmem>>, vector<16xf32>,
      tpu.vector_store %arg16[%swap3A_110, %swap3A_111], %mul3A_109 {strides = array<i32>} : memref<64x128xf32, #tpu.memory_space<vmem>>, vector<16xf32>,
      %get3A_113 = arith.index_cast %scan3A_73 : i32 to index
      %get3A_114 = arith.constant 80 : index
      %get3A_115 = tpu.vector_load %arg16[%get3A_113, %get3A_114] {strides = array<i32>} : memref<64x128xf32, #tpu.memory_space<vmem>>, vector<16xf32>,
      %mul3A_116 = arith.mulf %get3A_115, %gather3A : vector<16xf32>
      %swap3A_117 = arith.index_cast %scan3A_73 : i32 to index
      %swap3A_118 = arith.constant 80 : index
      %swap3A_119 = tpu.vector_load %arg16[%swap3A_117, %swap3A_118] {strides = array<i32>} : memref<64x128xf32, #tpu.memory_space<vmem>>, vector<16xf32>,
      tpu.vector_store %arg16[%swap3A_117, %swap3A_118], %mul3A_116 {strides = array<i32>} : memref<64x128xf32, #tpu.memory_space<vmem>>, vector<16xf32>,
      %get3A_120 = arith.index_cast %scan3A_73 : i32 to index
      %get3A_121 = arith.constant 96 : index
      %get3A_122 = tpu.vector_load %arg16[%get3A_120, %get3A_121] {strides = array<i32>} : memref<64x128xf32, #tpu.memory_space<vmem>>, vector<16xf32>,
      %mul3A_123 = arith.mulf %get3A_122, %gather3A : vector<16xf32>
      %swap3A_124 = arith.index_cast %scan3A_73 : i32 to index
      %swap3A_125 = arith.constant 96 : index
      %swap3A_126 = tpu.vector_load %arg16[%swap3A_124, %swap3A_125] {strides = array<i32>} : memref<64x128xf32, #tpu.memory_space<vmem>>, vector<16xf32>,
      tpu.vector_store %arg16[%swap3A_124, %swap3A_125], %mul3A_123 {strides = array<i32>} : memref<64x128xf32, #tpu.memory_space<vmem>>, vector<16xf32>,
      %get3A_127 = arith.index_cast %scan3A_73 : i32 to index
      %get3A_128 = arith.constant 112 : index
      %get3A_129 = tpu.vector_load %arg16[%get3A_127, %get3A_128] {strides = array<i32>} : memref<64x128xf32, #tpu.memory_space<vmem>>, vector<16xf32>,
      %mul3A_130 = arith.mulf %get3A_129, %gather3A : vector<16xf32>
      %swap3A_131 = arith.index_cast %scan3A_73 : i32 to index
      %swap3A_132 = arith.constant 112 : index
      %swap3A_133 = tpu.vector_load %arg16[%swap3A_131, %swap3A_132] {strides = array<i32>} : memref<64x128xf32, #tpu.memory_space<vmem>>, vector<16xf32>,
      tpu.vector_store %arg16[%swap3A_131, %swap3A_132], %mul3A_130 {strides = array<i32>} : memref<64x128xf32, #tpu.memory_space<vmem>>, vector<16xf32>,
      %scan3A_134 = arith.constant 0 : i32
      scf.yield %scan3A_134 : i32
    }
    %scan3A_66 = arith.constant 64 : i32
    "tpu.region"() ({
      %run_scoped3A = tpu.sem_alloc : memref<!tpu.dma_semaphore, #tpu.memory_space<semaphore_mem>>
      %dma_start3A = arith.constant 0 : i32
      %dma_start3A_73 = tpu.memref_slice %arg14[%rem3A_49, %rem3A_52, %dma_start3A] : memref<2x32x64xi32, #tpu.memory_space<vmem>> -> memref<1x1x64xi32, #tpu.memory_space<vmem>>
      %dma_start3A_74 = tpu.memref_squeeze %dma_start3A_73 : memref<1x1x64xi32, #tpu.memory_space<vmem>> -> memref<64xi32, #tpu.memory_space<vmem>>
      %dma_start3A_75 = arith.constant 0 : i32
      %dma_start3A_76 = arith.constant 0 : i32
      %dma_start3A_77 = tpu.memref_slice %arg41[%dma_start3A_75, %dma_start3A_76] : memref<10240x128xf32, #tpu.memory_space<vmem_shared>> -> memref<10240x128xf32, #tpu.memory_space<vmem_shared>>
      tpu.enqueue_indirect_dma source(%arg16 : memref<64x128xf32, #tpu.memory_space<vmem>>) target(%dma_start3A_77 : memref<10240x128xf32, #tpu.memory_space<vmem_shared>>) offsets(%dma_start3A_74 : memref<64xi32, #tpu.memory_space<vmem>>) semaphore(%run_scoped3A : memref<!tpu.dma_semaphore, #tpu.memory_space<semaphore_mem>>) {add = true}
      %dma_wait3A = arith.constant 0 : i32
      %dma_wait3A_78 = tpu.memref_slice %arg14[%rem3A_49, %rem3A_52, %dma_wait3A] : memref<2x32x64xi32, #tpu.memory_space<vmem>> -> memref<1x1x64xi32, #tpu.memory_space<vmem>>
      %dma_wait3A_79 = tpu.memref_squeeze %dma_wait3A_78 : memref<1x1x64xi32, #tpu.memory_space<vmem>> -> memref<64xi32, #tpu.memory_space<vmem>>
      %dma_wait3A_80 = arith.constant 0 : i32
      %dma_wait3A_81 = arith.constant 0 : i32
      %dma_wait3A_82 = tpu.memref_slice %arg41[%dma_wait3A_80, %dma_wait3A_81] : memref<10240x128xf32, #tpu.memory_space<vmem_shared>> -> memref<10240x128xf32, #tpu.memory_space<vmem_shared>>
      tpu.wait_indirect_dma semaphore(%run_scoped3A : memref<!tpu.dma_semaphore, #tpu.memory_space<semaphore_mem>>) src(%arg16 : memref<64x128xf32, #tpu.memory_space<vmem>>) dst(%dma_wait3A_82 : memref<10240x128xf32, #tpu.memory_space<vmem_shared>>)
      tpu.yield
    }) : () -> ()
    %eq3A_67 = arith.constant 0 : i32
    %eq3A_68 = arith.cmpi eq, %arg0, %eq3A_67 : i32
    %convert_element_type3A_69 = arith.extui %eq3A_68 : i1 to i32
    %cond3A_70 = arith.constant 0 : i32
    %cond3A_71 = arith.cmpi ne, %convert_element_type3A_69, %cond3A_70 : i32
    scf.if %cond3A_71 {
      %scan3A_73 = arith.constant 0 : i32
      %scan3A_74 = arith.constant 0 : i32
      %scan3A_75 = arith.constant 10 : i32
      %scan3A_76 = arith.addi %scan3A_74, %scan3A_75 : i32
      %scan3A_77 = arith.constant 1 : i32
      %scan3A_78 = scf.for %scan3A_80 = %scan3A_74 to %scan3A_76 step %scan3A_77 iter_args(%scan3A_81 = %scan3A_73) -> (i32)  : i32 {
        %mul3A_82 = arith.constant 64 : i32
        %mul3A_83 = arith.muli %scan3A_80, %mul3A_82 : i32
        %add3A_84 = arith.addi %mul3A_0, %mul3A_83 : i32
        "tpu.region"() ({
          %run_scoped3A = tpu.sem_alloc : memref<!tpu.dma_semaphore, #tpu.memory_space<semaphore_mem>>
          %dma_start3A = arith.constant 0 : i32
          %dma_start3A_100 = tpu.memref_slice %arg2[%add3A_84, %dma_start3A] : memref<10240x128xf32, #tpu.memory_space<hbm>> -> memref<64x128xf32, #tpu.memory_space<hbm>>
          %dma_start3A_101 = arith.constant 0 : i32
          %dma_start3A_102 = tpu.memref_slice %arg2[%add3A_84, %dma_start3A_101] : memref<10240x128xf32, #tpu.memory_space<hbm>> -> memref<64x128xf32, #tpu.memory_space<hbm>>
          tpu.enqueue_dma source(%dma_start3A_102 : memref<64x128xf32, #tpu.memory_space<hbm>>) target(%arg16 : memref<64x128xf32, #tpu.memory_space<vmem>>) target_semaphore(%run_scoped3A : memref<!tpu.dma_semaphore, #tpu.memory_space<semaphore_mem>>)
          %dma_wait3A = arith.constant 0 : i32
          %dma_wait3A_103 = tpu.memref_slice %arg2[%add3A_84, %dma_wait3A] : memref<10240x128xf32, #tpu.memory_space<hbm>> -> memref<64x128xf32, #tpu.memory_space<hbm>>
          %dma_wait3A_104 = arith.constant 0 : i32
          %dma_wait3A_105 = tpu.memref_slice %arg2[%add3A_84, %dma_wait3A_104] : memref<10240x128xf32, #tpu.memory_space<hbm>> -> memref<64x128xf32, #tpu.memory_space<hbm>>
          tpu.wait_dma2 semaphore(%run_scoped3A : memref<!tpu.dma_semaphore, #tpu.memory_space<semaphore_mem>>) src(%dma_wait3A_105 : memref<64x128xf32, #tpu.memory_space<hbm>>) dst(%arg16 : memref<64x128xf32, #tpu.memory_space<vmem>>)
          tpu.yield
        }) : () -> ()
        %scan3A_85 = arith.constant 0 : i32
        %scan3A_86 = arith.constant 0 : i32
        %scan3A_87 = arith.constant 4 : i32
        %scan3A_88 = arith.addi %scan3A_86, %scan3A_87 : i32
        %scan3A_89 = arith.constant 1 : i32
        %scan3A_90 = scf.for %scan3A_100 = %scan3A_86 to %scan3A_88 step %scan3A_89 iter_args(%scan3A_101 = %scan3A_85) -> (i32)  : i32 {
          %iota3A = tpu.iota {dimensions = array<i32: 0>} : vector<16xi32>
          %add3A_102 = vector.broadcast %add3A_84 : i32 to vector<16xi32>
          %add3A_103 = arith.addi %iota3A, %add3A_102 : vector<16xi32>
          %mul3A_104 = arith.constant 16 : i32
          %mul3A_105 = arith.muli %scan3A_100, %mul3A_104 : i32
          %add3A_106 = vector.broadcast %mul3A_105 : i32 to vector<16xi32>
          %add3A_107 = arith.addi %add3A_103, %add3A_106 : vector<16xi32>
          %mul3A_108 = arith.constant 16 : i32
          %mul3A_109 = arith.muli %scan3A_100, %mul3A_108 : i32
          %swap3A = arith.index_cast %mul3A_109 : i32 to index
          %swap3A_110 = tpu.vector_load %arg26[%swap3A] {strides = array<i32>} : memref<64xi32, #tpu.memory_space<vmem>>, vector<16xi32>,
          tpu.vector_store %arg26[%swap3A], %add3A_107 {strides = array<i32>} : memref<64xi32, #tpu.memory_space<vmem>>, vector<16xi32>,
          %scan3A_111 = arith.constant 0 : i32
          scf.yield %scan3A_111 : i32
        }
        %scan3A_91 = arith.constant 4 : i32
        %scan3A_92 = arith.constant 0 : i32
        %scan3A_93 = arith.constant 0 : i32
        %scan3A_94 = arith.constant 64 : i32
        %scan3A_95 = arith.addi %scan3A_93, %scan3A_94 : i32
        %scan3A_96 = arith.constant 1 : i32
        %scan3A_97 = scf.for %scan3A_100 = %scan3A_93 to %scan3A_95 step %scan3A_96 iter_args(%scan3A_101 = %scan3A_92) -> (i32)  : i32 {
          %mul3A_102 = arith.constant 64 : i32
          %mul3A_103 = arith.muli %scan3A_80, %mul3A_102 : i32
          %add3A_104 = arith.addi %mul3A_103, %scan3A_100 : i32
          %broadcast_in_dim3A = arith.constant 0 : i32
          %broadcast_in_dim3A_105 = vector.broadcast %broadcast_in_dim3A : i32 to vector<16xi32>
          %add3A_106 = vector.broadcast %add3A_104 : i32 to vector<16xi32>
          %add3A_107 = arith.addi %broadcast_in_dim3A_105, %add3A_106 : vector<16xi32>
          %gather3A = tpu.vector_load_idx %arg25[%add3A_107] : memref<640xf32, #tpu.memory_space<vmem>>[vector<16xi32>], vector<16xf32>,
          %get3A = arith.index_cast %scan3A_100 : i32 to index
          %get3A_108 = arith.constant 0 : index
          %get3A_109 = tpu.vector_load %arg16[%get3A, %get3A_108] {strides = array<i32>} : memref<64x128xf32, #tpu.memory_space<vmem>>, vector<16xf32>,
          %mul3A_110 = arith.mulf %get3A_109, %gather3A : vector<16xf32>
          %swap3A = arith.index_cast %scan3A_100 : i32 to index
          %swap3A_111 = arith.constant 0 : index
          %swap3A_112 = tpu.vector_load %arg16[%swap3A, %swap3A_111] {strides = array<i32>} : memref<64x128xf32, #tpu.memory_space<vmem>>, vector<16xf32>,
          tpu.vector_store %arg16[%swap3A, %swap3A_111], %mul3A_110 {strides = array<i32>} : memref<64x128xf32, #tpu.memory_space<vmem>>, vector<16xf32>,
          %get3A_113 = arith.index_cast %scan3A_100 : i32 to index
          %get3A_114 = arith.constant 16 : index
          %get3A_115 = tpu.vector_load %arg16[%get3A_113, %get3A_114] {strides = array<i32>} : memref<64x128xf32, #tpu.memory_space<vmem>>, vector<16xf32>,
          %mul3A_116 = arith.mulf %get3A_115, %gather3A : vector<16xf32>
          %swap3A_117 = arith.index_cast %scan3A_100 : i32 to index
          %swap3A_118 = arith.constant 16 : index
          %swap3A_119 = tpu.vector_load %arg16[%swap3A_117, %swap3A_118] {strides = array<i32>} : memref<64x128xf32, #tpu.memory_space<vmem>>, vector<16xf32>,
          tpu.vector_store %arg16[%swap3A_117, %swap3A_118], %mul3A_116 {strides = array<i32>} : memref<64x128xf32, #tpu.memory_space<vmem>>, vector<16xf32>,
          %get3A_120 = arith.index_cast %scan3A_100 : i32 to index
          %get3A_121 = arith.constant 32 : index
          %get3A_122 = tpu.vector_load %arg16[%get3A_120, %get3A_121] {strides = array<i32>} : memref<64x128xf32, #tpu.memory_space<vmem>>, vector<16xf32>,
          %mul3A_123 = arith.mulf %get3A_122, %gather3A : vector<16xf32>
          %swap3A_124 = arith.index_cast %scan3A_100 : i32 to index
          %swap3A_125 = arith.constant 32 : index
          %swap3A_126 = tpu.vector_load %arg16[%swap3A_124, %swap3A_125] {strides = array<i32>} : memref<64x128xf32, #tpu.memory_space<vmem>>, vector<16xf32>,
          tpu.vector_store %arg16[%swap3A_124, %swap3A_125], %mul3A_123 {strides = array<i32>} : memref<64x128xf32, #tpu.memory_space<vmem>>, vector<16xf32>,
          %get3A_127 = arith.index_cast %scan3A_100 : i32 to index
          %get3A_128 = arith.constant 48 : index
          %get3A_129 = tpu.vector_load %arg16[%get3A_127, %get3A_128] {strides = array<i32>} : memref<64x128xf32, #tpu.memory_space<vmem>>, vector<16xf32>,
          %mul3A_130 = arith.mulf %get3A_129, %gather3A : vector<16xf32>
          %swap3A_131 = arith.index_cast %scan3A_100 : i32 to index
          %swap3A_132 = arith.constant 48 : index
          %swap3A_133 = tpu.vector_load %arg16[%swap3A_131, %swap3A_132] {strides = array<i32>} : memref<64x128xf32, #tpu.memory_space<vmem>>, vector<16xf32>,
          tpu.vector_store %arg16[%swap3A_131, %swap3A_132], %mul3A_130 {strides = array<i32>} : memref<64x128xf32, #tpu.memory_space<vmem>>, vector<16xf32>,
          %get3A_134 = arith.index_cast %scan3A_100 : i32 to index
          %get3A_135 = arith.constant 64 : index
          %get3A_136 = tpu.vector_load %arg16[%get3A_134, %get3A_135] {strides = array<i32>} : memref<64x128xf32, #tpu.memory_space<vmem>>, vector<16xf32>,
          %mul3A_137 = arith.mulf %get3A_136, %gather3A : vector<16xf32>
          %swap3A_138 = arith.index_cast %scan3A_100 : i32 to index
          %swap3A_139 = arith.constant 64 : index
          %swap3A_140 = tpu.vector_load %arg16[%swap3A_138, %swap3A_139] {strides = array<i32>} : memref<64x128xf32, #tpu.memory_space<vmem>>, vector<16xf32>,
          tpu.vector_store %arg16[%swap3A_138, %swap3A_139], %mul3A_137 {strides = array<i32>} : memref<64x128xf32, #tpu.memory_space<vmem>>, vector<16xf32>,
          %get3A_141 = arith.index_cast %scan3A_100 : i32 to index
          %get3A_142 = arith.constant 80 : index
          %get3A_143 = tpu.vector_load %arg16[%get3A_141, %get3A_142] {strides = array<i32>} : memref<64x128xf32, #tpu.memory_space<vmem>>, vector<16xf32>,
          %mul3A_144 = arith.mulf %get3A_143, %gather3A : vector<16xf32>
          %swap3A_145 = arith.index_cast %scan3A_100 : i32 to index
          %swap3A_146 = arith.constant 80 : index
          %swap3A_147 = tpu.vector_load %arg16[%swap3A_145, %swap3A_146] {strides = array<i32>} : memref<64x128xf32, #tpu.memory_space<vmem>>, vector<16xf32>,
          tpu.vector_store %arg16[%swap3A_145, %swap3A_146], %mul3A_144 {strides = array<i32>} : memref<64x128xf32, #tpu.memory_space<vmem>>, vector<16xf32>,
          %get3A_148 = arith.index_cast %scan3A_100 : i32 to index
          %get3A_149 = arith.constant 96 : index
          %get3A_150 = tpu.vector_load %arg16[%get3A_148, %get3A_149] {strides = array<i32>} : memref<64x128xf32, #tpu.memory_space<vmem>>, vector<16xf32>,
          %mul3A_151 = arith.mulf %get3A_150, %gather3A : vector<16xf32>
          %swap3A_152 = arith.index_cast %scan3A_100 : i32 to index
          %swap3A_153 = arith.constant 96 : index
          %swap3A_154 = tpu.vector_load %arg16[%swap3A_152, %swap3A_153] {strides = array<i32>} : memref<64x128xf32, #tpu.memory_space<vmem>>, vector<16xf32>,
          tpu.vector_store %arg16[%swap3A_152, %swap3A_153], %mul3A_151 {strides = array<i32>} : memref<64x128xf32, #tpu.memory_space<vmem>>, vector<16xf32>,
          %get3A_155 = arith.index_cast %scan3A_100 : i32 to index
          %get3A_156 = arith.constant 112 : index
          %get3A_157 = tpu.vector_load %arg16[%get3A_155, %get3A_156] {strides = array<i32>} : memref<64x128xf32, #tpu.memory_space<vmem>>, vector<16xf32>,
          %mul3A_158 = arith.mulf %get3A_157, %gather3A : vector<16xf32>
          %swap3A_159 = arith.index_cast %scan3A_100 : i32 to index
          %swap3A_160 = arith.constant 112 : index
          %swap3A_161 = tpu.vector_load %arg16[%swap3A_159, %swap3A_160] {strides = array<i32>} : memref<64x128xf32, #tpu.memory_space<vmem>>, vector<16xf32>,
          tpu.vector_store %arg16[%swap3A_159, %swap3A_160], %mul3A_158 {strides = array<i32>} : memref<64x128xf32, #tpu.memory_space<vmem>>, vector<16xf32>,
          %scan3A_162 = arith.constant 0 : i32
          scf.yield %scan3A_162 : i32
        }
        %scan3A_98 = arith.constant 64 : i32
        "tpu.region"() ({
          %run_scoped3A = tpu.sem_alloc : memref<!tpu.dma_semaphore, #tpu.memory_space<semaphore_mem>>
          %dma_start3A = arith.constant 0 : i32
          %dma_start3A_100 = arith.constant 0 : i32
          %dma_start3A_101 = tpu.memref_slice %arg41[%dma_start3A, %dma_start3A_100] : memref<10240x128xf32, #tpu.memory_space<vmem_shared>> -> memref<10240x128xf32, #tpu.memory_space<vmem_shared>>
          tpu.enqueue_indirect_dma source(%arg16 : memref<64x128xf32, #tpu.memory_space<vmem>>) target(%dma_start3A_101 : memref<10240x128xf32, #tpu.memory_space<vmem_shared>>) offsets(%arg26 : memref<64xi32, #tpu.memory_space<vmem>>) semaphore(%run_scoped3A : memref<!tpu.dma_semaphore, #tpu.memory_space<semaphore_mem>>) {add = true}
          %dma_wait3A = arith.constant 0 : i32
          %dma_wait3A_102 = arith.constant 0 : i32
          %dma_wait3A_103 = tpu.memref_slice %arg41[%dma_wait3A, %dma_wait3A_102] : memref<10240x128xf32, #tpu.memory_space<vmem_shared>> -> memref<10240x128xf32, #tpu.memory_space<vmem_shared>>
          tpu.wait_indirect_dma semaphore(%run_scoped3A : memref<!tpu.dma_semaphore, #tpu.memory_space<semaphore_mem>>) src(%arg16 : memref<64x128xf32, #tpu.memory_space<vmem>>) dst(%dma_wait3A_103 : memref<10240x128xf32, #tpu.memory_space<vmem_shared>>)
          tpu.yield
        }) : () -> ()
        %scan3A_99 = arith.constant 0 : i32
        scf.yield %scan3A_99 : i32
      }
      %scan3A_79 = arith.constant 10 : i32
    } else {
    }
    %barrier3A_72 = arith.constant 0 : index
    tpu.barrier barrier_id(%barrier3A_72)
    "tpu.region"() ({
      %run_scoped3A = tpu.sem_alloc : memref<!tpu.dma_semaphore, #tpu.memory_space<semaphore_mem>>
      %dma_start3A = arith.constant 0 : i32
      %dma_start3A_73 = tpu.memref_slice %arg10[%arg0, %mul3A_0, %dma_start3A] : memref<2x10240x128xf32, #tpu.memory_space<hbm>> -> memref<1x640x128xf32, #tpu.memory_space<hbm>>
      %dma_start3A_74 = tpu.memref_squeeze %dma_start3A_73 : memref<1x640x128xf32, #tpu.memory_space<hbm>> -> memref<640x128xf32, #tpu.memory_space<hbm>>
      %dma_start3A_75 = arith.constant 0 : i32
      %dma_start3A_76 = tpu.memref_slice %arg41[%mul3A_0, %dma_start3A_75] : memref<10240x128xf32, #tpu.memory_space<vmem_shared>> -> memref<640x128xf32, #tpu.memory_space<vmem_shared>>
      tpu.enqueue_dma source(%dma_start3A_76 : memref<640x128xf32, #tpu.memory_space<vmem_shared>>) target(%dma_start3A_74 : memref<640x128xf32, #tpu.memory_space<hbm>>) target_semaphore(%run_scoped3A : memref<!tpu.dma_semaphore, #tpu.memory_space<semaphore_mem>>)
      %dma_wait3A = arith.constant 0 : i32
      %dma_wait3A_77 = tpu.memref_slice %arg10[%arg0, %mul3A_0, %dma_wait3A] : memref<2x10240x128xf32, #tpu.memory_space<hbm>> -> memref<1x640x128xf32, #tpu.memory_space<hbm>>
      %dma_wait3A_78 = tpu.memref_squeeze %dma_wait3A_77 : memref<1x640x128xf32, #tpu.memory_space<hbm>> -> memref<640x128xf32, #tpu.memory_space<hbm>>
      %dma_wait3A_79 = arith.constant 0 : i32
      %dma_wait3A_80 = tpu.memref_slice %arg41[%mul3A_0, %dma_wait3A_79] : memref<10240x128xf32, #tpu.memory_space<vmem_shared>> -> memref<640x128xf32, #tpu.memory_space<vmem_shared>>
      tpu.wait_dma2 semaphore(%run_scoped3A : memref<!tpu.dma_semaphore, #tpu.memory_space<semaphore_mem>>) src(%dma_wait3A_80 : memref<640x128xf32, #tpu.memory_space<vmem_shared>>) dst(%dma_wait3A_78 : memref<640x128xf32, #tpu.memory_space<hbm>>)
      tpu.yield
    }) : () -> ()
    return
  }
}

module attributes {stable_mosaic.version = 14 : i64} {
  func.func @_mm_body(%arg0: i32, %arg1: memref<2048x128xf32, #tpu.memory_space<vmem>>, %arg2: memref<128x128xf32, #tpu.memory_space<vmem>>, %arg3: memref<1x128xf32, #tpu.memory_space<vmem>>, %arg4: memref<2048x128xf32, #tpu.memory_space<vmem>>) attributes {dimension_semantics = [#tpu.dimension_semantics<arbitrary>], iteration_bounds = array<i64: 5>, scalar_prefetch = 0 : i64, scratch_operands = 0 : i64, tpu.core_type = #tpu.core_type<tc>, window_params = [{transform_indices = @transform_0, window_bounds = array<i64: 2048, 128>}, {pipeline_mode = #tpu.pipeline_mode<synchronous>, transform_indices = @transform_1, window_bounds = array<i64: 128, 128>}, {pipeline_mode = #tpu.pipeline_mode<synchronous>, transform_indices = @transform_2, window_bounds = array<i64: 1, 128>}, {transform_indices = @transform_3, window_bounds = array<i64: 2048, 128>}]} {
    %get3A = arith.constant 0 : index
    %get3A_0 = arith.constant 0 : index
    %get3A_1 = vector.load %arg1[%get3A, %get3A_0] : memref<2048x128xf32, #tpu.memory_space<vmem>>, vector<2048x128xf32>
    %get3A_2 = arith.constant 0 : index
    %get3A_3 = arith.constant 0 : index
    %get3A_4 = vector.load %arg2[%get3A_2, %get3A_3] : memref<128x128xf32, #tpu.memory_space<vmem>>, vector<128x128xf32>
    %dot_general3A = arith.constant dense<0.000000e+00> : vector<2048x128xf32>
    %dot_general3A_5 = tpu.matmul %get3A_1, %get3A_4, %dot_general3A {dimension_numbers = #tpu.dot_dimension_numbers<[1], [1], [0], [0], [0, 0, 1, 0], [], []>, transpose_lhs_hint = false} : vector<2048x128xf32>, vector<128x128xf32>, vector<2048x128xf32> -> vector<2048x128xf32>
    %get3A_6 = arith.constant 0 : index
    %get3A_7 = arith.constant 0 : index
    %get3A_8 = vector.load %arg3[%get3A_6, %get3A_7] : memref<1x128xf32, #tpu.memory_space<vmem>>, vector<1x128xf32>
    %add3A = vector.broadcast %get3A_8 : vector<1x128xf32> to vector<2048x128xf32>
    %add3A_9 = arith.addf %dot_general3A_5, %add3A : vector<2048x128xf32>
    %swap3A = arith.constant 0 : index
    %swap3A_10 = arith.constant 0 : index
    %swap3A_11 = vector.load %arg4[%swap3A, %swap3A_10] : memref<2048x128xf32, #tpu.memory_space<vmem>>, vector<2048x128xf32>
    tpu.vector_store %arg4[%swap3A, %swap3A_10], %add3A_9 {strides = array<i32>} : memref<2048x128xf32, #tpu.memory_space<vmem>>, vector<2048x128xf32>,
    return
  }
  func.func @transform_0(%arg0: i32) -> (i32, i32) {
    %c0_i32 = arith.constant 0 : i32
    %c0_i32_0 = arith.constant 0 : i32
    return %arg0, %c0_i32 : i32, i32
  }
  func.func @transform_1(%arg0: i32) -> (i32, i32) {
    %c0_i32 = arith.constant 0 : i32
    %c0_i32_0 = arith.constant 0 : i32
    %c0_i32_1 = arith.constant 0 : i32
    return %c0_i32, %c0_i32_0 : i32, i32
  }
  func.func @transform_2(%arg0: i32) -> (i32, i32) {
    %c0_i32 = arith.constant 0 : i32
    %c0_i32_0 = arith.constant 0 : i32
    %c0_i32_1 = arith.constant 0 : i32
    return %c0_i32, %c0_i32_0 : i32, i32
  }
  func.func @transform_3(%arg0: i32) -> (i32, i32) {
    %c0_i32 = arith.constant 0 : i32
    %c0_i32_0 = arith.constant 0 : i32
    return %arg0, %c0_i32 : i32, i32
  }
}

module attributes {stable_mosaic.version = 14 : i64} {
  func.func @_fin_body(%arg0: i32, %arg1: memref<2x2000x128xf32, #tpu.memory_space<vmem>>, %arg2: memref<2000x128xf32, #tpu.memory_space<vmem>>) attributes {dimension_semantics = [#tpu.dimension_semantics<arbitrary>], iteration_bounds = array<i64: 5>, scalar_prefetch = 0 : i64, scratch_operands = 0 : i64, tpu.core_type = #tpu.core_type<tc>, window_params = [{transform_indices = @transform_0, window_bounds = array<i64: 2, 2000, 128>}, {transform_indices = @transform_1, window_bounds = array<i64: 2000, 128>}]} {
    %get3A = arith.constant 0 : index
    %get3A_0 = arith.constant 0 : index
    %get3A_1 = arith.constant 0 : index
    %get3A_2 = vector.load %arg1[%get3A, %get3A_0, %get3A_1] : memref<2x2000x128xf32, #tpu.memory_space<vmem>>, vector<1x2000x128xf32>
    %get3A_3 = vector.shape_cast %get3A_2 : vector<1x2000x128xf32> to vector<2000x128xf32>
    %get3A_4 = arith.constant 1 : index
    %get3A_5 = arith.constant 0 : index
    %get3A_6 = arith.constant 0 : index
    %get3A_7 = vector.load %arg1[%get3A_4, %get3A_5, %get3A_6] : memref<2x2000x128xf32, #tpu.memory_space<vmem>>, vector<1x2000x128xf32>
    %get3A_8 = vector.shape_cast %get3A_7 : vector<1x2000x128xf32> to vector<2000x128xf32>
    %add3A = arith.addf %get3A_3, %get3A_8 : vector<2000x128xf32>
    %mul3A = arith.constant 5.000000e-01 : f32
    %mul3A_9 = vector.broadcast %mul3A : f32 to vector<2000x128xf32>
    %mul3A_10 = arith.mulf %mul3A_9, %add3A : vector<2000x128xf32>
    %max3A = arith.constant 0.000000e+00 : f32
    %max3A_11 = vector.broadcast %max3A : f32 to vector<2000x128xf32>
    %max3A_12 = arith.maximumf %mul3A_10, %max3A_11 : vector<2000x128xf32>
    %swap3A = arith.constant 0 : index
    %swap3A_13 = arith.constant 0 : index
    %swap3A_14 = vector.load %arg2[%swap3A, %swap3A_13] : memref<2000x128xf32, #tpu.memory_space<vmem>>, vector<2000x128xf32>
    tpu.vector_store %arg2[%swap3A, %swap3A_13], %max3A_12 {strides = array<i32>} : memref<2000x128xf32, #tpu.memory_space<vmem>>, vector<2000x128xf32>,
    return
  }
  func.func @transform_0(%arg0: i32) -> (i32, i32, i32) {
    %c0_i32 = arith.constant 0 : i32
    %c0_i32_0 = arith.constant 0 : i32
    %c0_i32_1 = arith.constant 0 : i32
    return %c0_i32, %arg0, %c0_i32_0 : i32, i32, i32
  }
  func.func @transform_1(%arg0: i32) -> (i32, i32) {
    %c0_i32 = arith.constant 0 : i32
    %c0_i32_0 = arith.constant 0 : i32
    return %arg0, %c0_i32 : i32, i32
  }
}

</mosaic_0001>

<sc_bundles>
// kernel: homconv_sc_aggregate.3.cloned.1.call-start
scs
__scs_entry_jumppad:
0x0: {  	(pc) =	sbr.rel $0x88, $3  }
0x1: {  	(tag) =	ssettag $0x0;
	lr =	simm.s32 $0x1  }
0x2: {  	[smem:$0x3F9D] =	sst lr;
	_ =	strace $0xD0000000  }
0x3: {  	_ = 	snop  }
0x4: {  	_ = 	snop  }
0x5: {  	_ = 	snop  }
0x6: {  	_ = 	snop  }
0x7: {  	_ = 	snop  }
__scs_overlays_trampoline_lowered:
0x8: {  	[smem:$0x3FAC] =	sst s0  }
0x9: {  	[smem:$0x3FAD] =	sst s1  }
0xa: {  	[smem:$0x3FAE] =	sst s2  }
0xb: {  	[smem:$0x3FAF] =	sst s3  }
0xc: {  	[smem:$0x3FB0] =	sst s4  }
0xd: {  	[smem:$0x3FB1] =	sst s5  }
0xe: {  	[smem:$0x3FB2] =	sst s6  }
0xf: {  	[smem:$0x3FB3] =	sst s7  }
0x10: {  	[smem:$0x3FB4] =	sst s8  }
0x11: {  	[smem:$0x3FB5] =	sst s9;
	s0 =	simm.s32 @!p0 $0x0  }
0x12: {  	s1 =	sld [smem:$0x3F9B];
	s0 =	simm.s32 @p0 $0x1  }
0x13: {  	[smem:$0x3FB6] =	sst s0;
	s0 =	simm.s32 @!p1 $0x0  }
0x14: {  	s2 =	sld [smem:$0x3F9A];
	s0 =	simm.s32 @p1 $0x1  }
0x15: {  	[smem:$0x3FB7] =	sst s0;
	s0 =	simm.s32 @!p2 $0x0  }
0x16: {  	s3 =	sld [smem:$0x3FDB];
	s0 =	simm.s32 @p2 $0x1  }
0x17: {  	s4 =	simm.s32 $0x1BF5;
	[smem:$0x3FB9] =	sst s0  }
0x18: {  	s0 =	sld [smem:$0x3F9C];
	_ =	swait.ge [sflag:s4], $0x0  }
0x19: {  	s7 =	sld [smem:$0x3F9D]  }
0x1a: {  	s8 =	sadd.s32 $0xFFFFE003, lr  }
0x1b: {  	s9 =	sadd.s32 $0xFFFFFEF7, lr;
	s5 =	simm.s32 $0xFFFFFFFF;
	p2 =	slt.u32 s8, $0xFFFFF086  }
0x1c: {  	p1 =	slt.u32 s9, $0xF7A;
	s5 =	simm.s32 @!p2 $0x0  }
0x1d: {  	s5 =	simm.s32 @p1 $0x1;
	p0 =	seq.s32 s7, s2  }
0x1e: {  	s7 =	smul.u32 @!p0 $0xF7A, s2;
	p2 =	seq.s32 @!p0 s5, $0x0  }
0x1f: {  	s9 =	smul.u32 $0xF7A, s1;
	s8 =	simm.s32 @!p0 $0x1BF5;
	p2 =	por !p2, p0  }
0x20: {  	[sflag:s8] =	ssyncset.s32 @!p0 $0xFFFFF086;
	s6 =	sadd.s32 @!p0 s3, s7;
	s7 =	simm.s32 @!p0 $0x108  }
0x21: {  	s3 =	sadd.s32 s3, s9;
	s6 =	sadd.s32 @!p0 $0x88, s6;
	s7 =	simm.s32 @p2 $0x1082  }
0x22: {  	[simem:s7], [sflag:s8] =	dma.local @!p0 [hbm:s6], $0xF7A  }
0x23: {  	s9 =	sor.u32 $0xD0000000, s2;
	s6 =	simm.s32 $0x108;
	_ =	swait.ge @!p0 [sflag:s8], $0x0  }
0x24: {  	s3 =	sadd.s32 $0x88, s3;
	s6 =	simm.s32 @!p1 $0x1082;
	[sflag:s4] =	ssyncset.s32 $0xFFFFF086  }
0x25: {  	[simem:s6], [sflag:s4] =	dma.local [hbm:s3], $0xF7A  }
0x26: {  	[smem:$0x3F9D] =	sst s1;
	(tag) =	ssettag s2;
	_ =	strace s9  }
0x27: {  	s1 =	sld [smem:$0x3FAD]  }
0x28: {  	s2 =	sld [smem:$0x3FAE]  }
0x29: {  	s4 =	sld [smem:$0x3FB0]  }
0x2a: {  	p0 =	seq.s32 s5, $0x0;
	s5 =	sld [smem:$0x3FB1]  }
0x2b: {  	s6 =	sld [smem:$0x3FB2]  }
0x2c: {  	s7 =	sld [smem:$0x3FB3]  }
0x2d: {  	s3 =	simm.s32 $0x108;
	s8 =	sld [smem:$0x3FB4]  }
0x2e: {  	s3 =	simm.s32 @!p0 $0x1082;
	s9 =	sld [smem:$0x3FB5]  }
0x2f: {  	lr =	sadd.s32 s0, s3;
	s0 =	sld [smem:$0x3FAC]  }
0x30: {  	s3 =	sld [smem:$0x3FAF]  }
0x31: {  	[smem:$0x3FB8] =	sst s10  }
0x32: {  	s10 =	sld [smem:$0x3FB6];
	_ =	sdelay $0x3  }
0x33: {  	p0 =	seq.s32 s10, $0x1;
	s10 =	sld [smem:$0x3FB8];
	_ =	sdelay $0x3  }
0x34: {  	[smem:$0x3FB8] =	sst s10  }
0x35: {  	s10 =	sld [smem:$0x3FB7];
	_ =	sdelay $0x3  }
0x36: {  	p1 =	seq.s32 s10, $0x1;
	s10 =	sld [smem:$0x3FB8];
	_ =	sdelay $0x3  }
0x37: {  	[smem:$0x3FB8] =	sst s10  }
0x38: {  	s10 =	sld [smem:$0x3FB9]  }
0x39: {  	_ = 	snop;
	(pc) =	sbr.ind lr, $3  }
0x3a: {  	_ = 	snop  }
0x3b: {  	_ = 	snop  }
0x3c: {  	p2 =	seq.s32 s10, $0x1;
	s10 =	sld [smem:$0x3FB8]  }
0x3d: {  	_ =	shalt  }
0x3e: {  	_ =	shalt  }
0x3f: {  	_ =	shalt  }
0x40: {  	_ =	shalt  }
0x41: {  	_ =	shalt  }
0x42: {  	_ =	shalt  }
0x43: {  	_ =	shalt  }
0x44: {  	_ =	shalt  }
0x45: {  	_ =	shalt  }
0x46: {  	_ =	shalt  }
0x47: {  	_ =	shalt  }
0x48: {  	_ =	shalt  }
0x49: {  	_ =	shalt  }
0x4a: {  	_ =	shalt  }
0x4b: {  	_ =	shalt  }
0x4c: {  	_ =	shalt  }
0x4d: {  	_ =	shalt  }
0x4e: {  	_ =	shalt  }
0x4f: {  	_ =	shalt  }
0x50: {  	_ =	shalt  }
0x51: {  	_ =	shalt  }
0x52: {  	_ =	shalt  }
0x53: {  	_ =	shalt  }
0x54: {  	_ =	shalt  }
0x55: {  	_ =	shalt  }
0x56: {  	_ =	shalt  }
0x57: {  	_ =	shalt  }
0x58: {  	_ =	shalt  }
0x59: {  	_ =	shalt  }
0x5a: {  	_ =	shalt  }
0x5b: {  	_ =	shalt  }
0x5c: {  	_ =	shalt  }
0x5d: {  	_ =	shalt  }
0x5e: {  	_ =	shalt  }
0x5f: {  	_ =	shalt  }
0x60: {  	_ =	shalt  }
0x61: {  	_ =	shalt  }
0x62: {  	_ =	shalt  }
0x63: {  	_ =	shalt  }
0x64: {  	_ =	shalt  }
0x65: {  	_ =	shalt  }
0x66: {  	_ =	shalt  }
0x67: {  	_ =	shalt  }
0x68: {  	_ =	shalt  }
0x69: {  	_ =	shalt  }
0x6a: {  	_ =	shalt  }
0x6b: {  	_ =	shalt  }
0x6c: {  	_ =	shalt  }
0x6d: {  	_ =	shalt  }
0x6e: {  	_ =	shalt  }
0x6f: {  	_ =	shalt  }
0x70: {  	_ =	shalt  }
0x71: {  	_ =	shalt  }
0x72: {  	_ =	shalt  }
0x73: {  	_ =	shalt  }
0x74: {  	_ =	shalt  }
0x75: {  	_ =	shalt  }
0x76: {  	_ =	shalt  }
0x77: {  	_ =	shalt  }
0x78: {  	_ =	shalt  }
0x79: {  	_ =	shalt  }
0x7a: {  	_ =	shalt  }
0x7b: {  	_ =	shalt  }
0x7c: {  	_ =	shalt  }
0x7d: {  	_ =	shalt  }
0x7e: {  	_ =	shalt  }
0x7f: {  	_ =	shalt  }
0x80: {  	_ =	shalt  }
0x81: {  	_ =	shalt  }
0x82: {  	_ =	shalt  }
0x83: {  	_ =	shalt  }
0x84: {  	_ =	shalt  }
0x85: {  	_ =	shalt  }
0x86: {  	_ =	shalt  }
0x87: {  	_ =	shalt  }
.Lfunc_end0:
.L_simem_size_0:
called_computation_lowered:
.L_overlay_start_0:
0x88: {  	s2 =	sld [smem:$0x3FD9]  }
0x89: {  	s3 =	sld [smem:$0x3FFE];
	_ =	sdelay $0x1  }
0x8a: {  	s1 =	srdreg.scid  }
0x8b: {  	s0 =	sand.u32 $0x1, s1  }
0x8c: {  	s17 =	sshll.u32 s0, $0xA;
	s2 =	sadd.s32 s3, s2  }
0x8d: {  	s2 =	sadd.s32 s2, s17  }
0x8e: {  	[smem:$0x3FC4] =	sst s2  }
0x8f: {  	_ = 	snop  }
0x90: {  	s2 =	sld [smem:$0x3FD0];
	(tm) =	ssettm $0x1  }
0x91: {  	s18 =	sld [smem:$0x3FFB];
	_ =	sdelay $0x3  }
0x92: {  	_ =	strace s18  }
0x93: {  	s3 =	sld [smem:$0x3FFC];
	_ =	sdelay $0x3  }
0x94: {  	_ =	strace s3  }
0x95: {  	s3 =	sld [smem:$0x3FFD];
	_ =	sdelay $0x3  }
0x96: {  	_ =	strace s3  }
0x97: {  	_ =	strace $0x8FFFFFFF  }
0x98: {  	s19 =	sld [smem:$0x3FDB];
	_ =	sdelay $0x1  }
0x99: {  	s4 =	simm.s32 $_scs_section_size  }
0x9a: {  	s5 =	simm.s32 $_size__tile_overlayer_lowered;
	s6 =	simm.s32 $_tile_overlayer_lowered  }
0x9b: {  	s22 =	simm.s32 $0x1BFF;
	s21 =	sshll.u32 s6, $0x1;
	s3 =	sadd.s32 s4, s19  }
0x9c: {  	s7 =	simm.s32 $0x0;
	s20 =	sshll.u32 s5, $0x1;
	s5 =	sadd.s32 s21, s3  }
0x9d: {  	[timem:s7], [sflag:s22] =	dma.local [hbm:s5], s20  }
0x9e: {  	_ =	swait.ge [sflag:s22], s20  }
0x9f: {  	s4 =	ssub.s32 $0x0, s20;
	[sflag:s22] =	ssyncset.done $0x0  }
0xa0: {  	[sflag:s22] =	ssyncadd.s32 s4;
	_ =	sdelay $0x1  }
0xa1: {  	s23 =	simm.s32 $0x1B8B  }
0xa2: {  	_ =	swait.ge [sflag:s23], $0x1  }
0xa3: {  	[sflag:s23] =	ssyncset.done $0x0  }
0xa4: {  	s25 =	simm.s32 $0x1B8E;
	s24 =	sld [smem:$0x3FFE];
	[sflag:s23] =	ssyncadd.s32 $0xFFFFFFFF  }
0xa5: {  	s26 =	simm.s32 $execute0_lowered;
	[smem:$0x3FD2] =	sst s25  }
0xa6: {  	s5 =	sshll.u32 s26, $0x1;
	_ =	strace $0x80000046;
	[dreg:$0x1] =	wrdreg $0xFFFFFFFF  }
0xa7: {  	s28 =	simm.s32 $_size_execute0_lowered;
	s3 =	sadd.s32 s3, s5;
	[dreg:$0x0] =	wrdreg $0x0  }
0xa8: {  	s5 =	sshll.u32 s28, $0x1;
	[dreg:$0x2] =	wrdreg s3  }
0xa9: {  	[dreg:$0x3] =	wrdreg s5  }
0xaa: {  	[dreg:$0x4] =	wrdreg $0xC0  }
0xab: {  	_ =	task [dreg:s7], $0x5FFFF  }
0xac: {  	[dreg:$0x1] =	wrdreg $0xFFFFFFFF  }
0xad: {  	[dreg:$0x0] =	wrdreg $0x60  }
0xae: {  	[dreg:$0x2] =	wrdreg s24  }
0xaf: {  	[dreg:$0x3] =	wrdreg s2  }
0xb0: {  	[dreg:$0x4] =	wrdreg $0xB8800  }
0xb1: {  	[dreg:$0x5] =	wrdreg $0xB6000  }
0xb2: {  	[dreg:$0x6] =	wrdreg $0xB3800  }
0xb3: {  	[dreg:$0x7] =	wrdreg $0x9  }
0xb4: {  	_ =	task.clear_ibuf [dreg:s7], $0x8FFFF;
	_ =	strace $0x90000046  }
0xb5: {  	s29 =	simm.s32 $0x9;
	_ =	strace $0x80000048  }
0xb6: {  	_ =	swait.ge [sflag:s29], $0x1  }
0xb7: {  	[sflag:s29] =	ssyncadd.s32 $0xFFFFFFFF  }
0xb8: {  	_ =	strace $0x90000048  }
0xb9: {  	_ =	sfence  }
0xba: {  	s30 =	sld [smem:$0x0];
	_ =	sdelay $0x2  }
0xbb: {  	s31 =	sshll.u32 s1, $0xD;
	s1 =	sshrl.u32 s1, $0x2  }
0xbc: {  	s3 =	sand.u32 $0x4000, s31;
	s1 =	sadd.s32 s1, s30  }
0xbd: {  	s0 =	sor.u32 s3, s0;
	s1 =	sshll.u32 s1, $0x11  }
0xbe: {  	s0 =	sor.u32 s1, s0  }
0xbf: {  	s0 =	sadd.s32 $0x8F2B, s0  }
0xc0: {  	[sflag:s0] =	ssyncadd.remote.s32 $0x1  }
0xc1: {  	_ =	sfence.sel $0xFFFF  }
0xc2: {  	[dreg:$0x0] =	wrdreg $0xFFFFFFFF;
	(pc) =	sbr.abs _section_cstart, $3  }
0xc3: {  	[dreg:$0x1] =	wrdreg $0xFFFFFFFF  }
0xc4: {  	_ =	task.clear_ibuf [dreg:s7], $0x2FFFF;
	_ =	strace $0x9FFFFFFF  }
0xc5: {  	(tm) =	ssettm $0x7FFFFFFF  }
tec
execute0_lowered:
.L_overlay_start_1:
0x0: {  	(tag) =	ssettag $0x1  }
0x1: {  	s0 =	rddreg [dreg:$0x0]  }
0x2: {  	s13 =	rddreg [dreg:$0x1]  }
0x3: {  	s14 =	rddreg [dreg:$0x2]  }
0x4: {  	s4 =	rddreg [dreg:$0x3];
	s6 =	stileid.u32  }
0x5: {  	s1 =	srdreg.scid;
	s5 =	rddreg [dreg:$0x4]  }
0x6: {  	s17 =	simm.s32 $0x0;
	s29 =	simm.s32 $0x1;
	s30 =	simm.s32 $0xAB00  }
0x7: {  	s31 =	simm.s32 $0x4000;
	s28 =	simm.s32 $0x4680;
	s2 =	smul.u32 $0xA00, s6  }
0x8: {  	s1 =	sand.u32 $0x1, s1;
	[smem:$0x7FF] =	sst s17;
	s7 =	smul.u32 $0x14000, s6  }
0x9: {  	s8 =	sadd.s32 $0x29400, s0;
	s15 =	sadd.s32 $0x15400, s0;
	s16 =	sadd.s32 $0x51800, s0  }
0xa: {  	s18 =	sadd.s32 $0x51600, s0;
	_ =	strace $0x80000047;
	[dreg:$0x6] =	wrdreg s8  }
0xb: {  	s19 =	sadd.s32 $0x51400, s0;
	s9 =	smul.u32 $0x50000, s6;
	[dreg:$0x8] =	wrdreg s16  }
0xc: {  	s20 =	sadd.s32 $0x54000, s0;
	s3 =	smul.u32 $0x140000, s1;
	[dreg:$0x9] =	wrdreg s18  }
0xd: {  	s11 =	sshll.u32 s6, $0x6;
	[dreg:$0xa] =	wrdreg s19;
	s16 =	smul.u32 $0x280, s6  }
0xe: {  	s21 =	ssub.s32 $0x2, s1;
	s12 =	smul.u32 $0x2800, s1;
	s18 =	sor.u32 $0x1C01, s11  }
0xf: {  	s23 =	sshll.u32 s1, $0x4;
	[dreg:$0x7] =	wrdreg s15;
	p0 =	sne.s32 s1, $0x0  }
0x10: {  	s2 =	sadd.s32 s2, s0;
	s10 =	sshrl.u32 s21, $0x1;
	s9 =	sshrl.u32 s9, $0x2  }
0x11: {  	s25 =	sor.u32 s6, s23;
	[dreg:$0xc] =	wrdreg s18;
	s3 =	sadd.s32 s7, s3  }
0x12: {  	s8 =	ssub.s32 s21, s10;
	s22 =	sadd.s32 s16, s12;
	s11 =	smul.u32 $0xA00, s25  }
0x13: {  	s9 =	sadd.s32 s9, s14;
	s12 =	sshrl.u32 s12, $0x3;
	s10 =	smul.u32 $0x5, s25  }
0x14: {  	s25 =	sadd.s32 $0xB400, s2;
	s23 =	sadd.s32 s16, s4;
	[dreg:$0xb] =	wrdreg s16  }
0x15: {  	s7 =	simm.s32 $0x0;
	s3 =	sshrl.u32 s3, $0x3;
	[dreg:$0xd] =	wrdreg s9  }
0x16: {  	s24 =	sshrl.u32 s22, $0x3;
	s14 =	sadd.s32 s20, s12;
	s22 =	smax.u32 s8, $0x1  }
0x17: {  	[dreg:$0x17] =	wrdreg s23;
	s23 =	simm.s32 $0x4500;
	s8 =	simm.s32 $0xB080  }
0x18: {  	s3 =	sadd.s32 s3, s0;
	s0 =	sadd.s32 $0x54A00, s0;
	[dreg:$0x10] =	wrdreg s10  }
0x19: {  	s9 =	sadd.s32 s20, s24;
	[dreg:$0x11] =	wrdreg s14;
	s19 =	sadd.s32 s13, s11  }
0x1a: {  	s20 =	sadd.s32 s15, s11;
	[dreg:$0x16] =	wrdreg s22;
	s11 =	simm.s32 $0x4180  }
0x1b: {  	s14 =	simm.s32 $0x4200;
	s15 =	simm.s32 $0x4280;
	s22 =	simm.s32 $0x4480  }
0x1c: {  	s10 =	simm.s32 $0x4580;
	s13 =	simm.s32 $0x4700;
	[dreg:$0xf] =	wrdreg s9  }
0x1d: {  	s26 =	sadd.s32 s0, s24;
	s0 =	sadd.s32 s0, s12;
	[dreg:$0x13] =	wrdreg s19  }
0x1e: {  	[dreg:$0x14] =	wrdreg s20;
	s21 =	sadd.s32 $0x55400, s3;
	s24 =	sadd.s32 $0x1400, s2  }
.Ltmp0:
0x1f: {  	s3 =	simm.s32 $0x80;
	[dreg:$0xe] =	wrdreg s26;
	(pc) =	sbr.rel .LBB2_1-.Ltmp0, $4  }
0x20: {  	s9 =	simm.s32 $0x4100;
	s20 =	simm.s32 $0x4380;
	[dreg:$0x12] =	wrdreg s0  }
0x21: {  	s12 =	simm.s32 $0x4780;
	s2 =	simm.s32 $0xAA00;
	[dreg:$0x15] =	wrdreg s21  }
0x22: {  	s26 =	sadd.s32 s16, s5;
	s0 =	simm.s32 $0x4080;
	s16 =	simm.s32 $0x4300  }
0x23: {  	v0 =	vlaneseq.u32;
	s21 =	simm.s32 $0x4400;
	[dreg:$0x18] =	wrdreg s26;
	s26 =	simm.s32 $0x4600  }
.LBB2_19:
0x24: {  	[bflag:$0x0] =	sbarrier.arrive $0xFFFF  }
0x25: {  	s18 =	rddreg [dreg:$0xc]  }
0x26: {  	s1 =	rddreg [dreg:$0x15]  }
0x27: {  	s6 =	rddreg [dreg:$0x1a]  }
0x28: {  	[hbm:s1], [sflag:s18] =	dma.local [spmem:s6], $0x2800  }
0x29: {  	_ =	swait.ge [sflag:s29], $0x2800  }
0x2a: {  	s7 =	rddreg [dreg:$0x19]  }
0x2b: {  	s19 =	rddreg [dreg:$0x16];
	s7 =	sadd.s32 $0x1, s7  }
0x2c: {  	p1 =	sne.s32 s7, s19  }
.Ltmp1:
0x2d: {  	_ = 	snop;
	(pc) =	sbr.rel @!p1 .LBB2_20-.Ltmp1, $3  }
0x2e: {  	_ =	sdelay $0x1  }
0x2f: {  	[sflag:s29] =	ssyncset.done $0x0  }
0x30: {  	s17 =	simm.s32 $0x0;
	[sflag:s29] =	ssyncadd.s32 $0xFFFFD800  }
.LBB2_1:
0x31: {  	[dreg:$0x19] =	wrdreg s7  }
0x32: {  	s1 =	rddreg [dreg:$0x17]  }
0x33: {  	s6 =	rddreg [dreg:$0x9];
	s1 =	sshrl.u32 s1, $0x3  }
0x34: {  	[spmem:s1], [sflag:s18] =	dma.local [hbm:s6], $0x50  }
0x35: {  	_ =	swait.ge [sflag:s29], $0x50  }
0x36: {  	[sflag:s29] =	ssyncset.done $0x0;
	s19 =	rddreg [dreg:$0x18]  }
0x37: {  	[sflag:s29] =	ssyncadd.s32 $0xFFFFFFB0;
	s1 =	sshrl.u32 s19, $0x3  }
0x38: {  	[spmem:s1], [sflag:s18] =	dma.local [hbm:s6], $0x50  }
0x39: {  	_ =	swait.ge [sflag:s29], $0x50  }
0x3a: {  	s6 =	rddreg [dreg:$0xd]  }
0x3b: {  	[sflag:s29] =	ssyncset.done $0x0;
	s19 =	rddreg [dreg:$0x8];
	s7 =	sshrl.u32 s6, $0x3  }
0x3c: {  	[sflag:s29] =	ssyncadd.s32 $0xFFFFFFB0;
	[dreg:$0x1a] =	wrdreg s7  }
0x3d: {  	[spmem:s7], [sflag:s18] =	dma.local [hbm:s19], $0x2800  }
0x3e: {  	_ =	swait.ge [sflag:s29], $0x2800  }
0x3f: {  	[sflag:s29] =	ssyncset.done $0x0  }
0x40: {  	s7 =	rddreg [dreg:$0xa];
	[sflag:s29] =	ssyncadd.s32 $0xFFFFD800  }
0x41: {  	[tilespmem:s30], [sflag:$0x1] =	stream.linear.gather [hbm4b:s7+s17], $0x80, $0x38;
	[tilespmem:$0x1F880] =	vst v63  }
0x42: {  	_ =	swait.ge [sflag:s29], $0x80  }
0x43: {  	[sflag:s29] =	ssyncset.done $0x0  }
0x44: {  	[sflag:s29] =	ssyncadd.s32 $0xFFFFFF80  }
0x45: {  	s18 =	sadd.s32 $0x0, s25;
	[bflag:$0x0] =	sbarrier.arrive $0xFFFF  }
0x46: {  	[tilespmem:s31], [sflag:$0x1] =	stream.linear.gather [hbm4b:s18+s17], $0x800, $0x38;
	[tilespmem:$0x1F880] =	vst v63  }
0x47: {  	_ =	swait.ge [sflag:s29], $0x800  }
0x48: {  	[sflag:s29] =	ssyncset.done $0x0  }
0x49: {  	[sflag:s29] =	ssyncadd.s32 $0xFFFFF800  }
0x4a: {  	[spmem:s5] =	stream.indirect.scatter.add.f32 [tilespmem:s30], [sflag:$0x1], $0x1, s31, s3, $0xb8;
	[tilespmem:$0x1F880] =	vst v63  }
0x4b: {  	_ =	swait.ge [sflag:s29], $0x80  }
0x4c: {  	[sflag:s29] =	ssyncset.done $0x0  }
0x4d: {  	[sflag:s29] =	ssyncadd.s32 $0xFFFFFF80  }
0x4e: {  	[spmem:s5] =	stream.indirect.scatter.add.f32 [tilespmem:s30], [sflag:$0x1], $0x1, s0, s3, $0xb8;
	[tilespmem:$0x1F880] =	vst v63  }
0x4f: {  	_ =	swait.ge [sflag:s29], $0x80  }
0x50: {  	[sflag:s29] =	ssyncset.done $0x0  }
0x51: {  	[sflag:s29] =	ssyncadd.s32 $0xFFFFFF80  }
0x52: {  	[spmem:s5] =	stream.indirect.scatter.add.f32 [tilespmem:s30], [sflag:$0x1], $0x1, s9, s3, $0xb8;
	[tilespmem:$0x1F880] =	vst v63  }
0x53: {  	_ =	swait.ge [sflag:s29], $0x80  }
0x54: {  	[sflag:s29] =	ssyncset.done $0x0  }
0x55: {  	[sflag:s29] =	ssyncadd.s32 $0xFFFFFF80  }
0x56: {  	[spmem:s5] =	stream.indirect.scatter.add.f32 [tilespmem:s30], [sflag:$0x1], $0x1, s11, s3, $0xb8;
	[tilespmem:$0x1F880] =	vst v63  }
0x57: {  	_ =	swait.ge [sflag:s29], $0x80  }
0x58: {  	[sflag:s29] =	ssyncset.done $0x0  }
0x59: {  	[sflag:s29] =	ssyncadd.s32 $0xFFFFFF80  }
0x5a: {  	[spmem:s5] =	stream.indirect.scatter.add.f32 [tilespmem:s30], [sflag:$0x1], $0x1, s14, s3, $0xb8;
	[tilespmem:$0x1F880] =	vst v63  }
0x5b: {  	_ =	swait.ge [sflag:s29], $0x80  }
0x5c: {  	[sflag:s29] =	ssyncset.done $0x0  }
0x5d: {  	[sflag:s29] =	ssyncadd.s32 $0xFFFFFF80  }
0x5e: {  	[spmem:s5] =	stream.indirect.scatter.add.f32 [tilespmem:s30], [sflag:$0x1], $0x1, s15, s3, $0xb8;
	[tilespmem:$0x1F880] =	vst v63  }
0x5f: {  	_ =	swait.ge [sflag:s29], $0x80  }
0x60: {  	[sflag:s29] =	ssyncset.done $0x0  }
0x61: {  	[sflag:s29] =	ssyncadd.s32 $0xFFFFFF80  }
0x62: {  	[spmem:s5] =	stream.indirect.scatter.add.f32 [tilespmem:s30], [sflag:$0x1], $0x1, s16, s3, $0xb8;
	[tilespmem:$0x1F880] =	vst v63  }
0x63: {  	_ =	swait.ge [sflag:s29], $0x80  }
0x64: {  	[sflag:s29] =	ssyncset.done $0x0  }
0x65: {  	[sflag:s29] =	ssyncadd.s32 $0xFFFFFF80  }
0x66: {  	[spmem:s5] =	stream.indirect.scatter.add.f32 [tilespmem:s30], [sflag:$0x1], $0x1, s20, s3, $0xb8;
	[tilespmem:$0x1F880] =	vst v63  }
0x67: {  	_ =	swait.ge [sflag:s29], $0x80  }
0x68: {  	[sflag:s29] =	ssyncset.done $0x0  }
0x69: {  	[sflag:s29] =	ssyncadd.s32 $0xFFFFFF80  }
0x6a: {  	[spmem:s5] =	stream.indirect.scatter.add.f32 [tilespmem:s30], [sflag:$0x1], $0x1, s21, s3, $0xb8;
	[tilespmem:$0x1F880] =	vst v63  }
0x6b: {  	_ =	swait.ge [sflag:s29], $0x80  }
0x6c: {  	[sflag:s29] =	ssyncset.done $0x0  }
0x6d: {  	[sflag:s29] =	ssyncadd.s32 $0xFFFFFF80  }
0x6e: {  	[spmem:s5] =	stream.indirect.scatter.add.f32 [tilespmem:s30], [sflag:$0x1], $0x1, s22, s3, $0xb8;
	[tilespmem:$0x1F880] =	vst v63  }
0x6f: {  	_ =	swait.ge [sflag:s29], $0x80  }
0x70: {  	[sflag:s29] =	ssyncset.done $0x0  }
0x71: {  	[sflag:s29] =	ssyncadd.s32 $0xFFFFFF80  }
0x72: {  	[spmem:s5] =	stream.indirect.scatter.add.f32 [tilespmem:s30], [sflag:$0x1], $0x1, s23, s3, $0xb8;
	[tilespmem:$0x1F880] =	vst v63  }
0x73: {  	_ =	swait.ge [sflag:s29], $0x80  }
0x74: {  	[sflag:s29] =	ssyncset.done $0x0  }
0x75: {  	[sflag:s29] =	ssyncadd.s32 $0xFFFFFF80  }
0x76: {  	[spmem:s5] =	stream.indirect.scatter.add.f32 [tilespmem:s30], [sflag:$0x1], $0x1, s10, s3, $0xb8;
	[tilespmem:$0x1F880] =	vst v63  }
0x77: {  	_ =	swait.ge [sflag:s29], $0x80  }
0x78: {  	[sflag:s29] =	ssyncset.done $0x0  }
0x79: {  	[sflag:s29] =	ssyncadd.s32 $0xFFFFFF80  }
0x7a: {  	[spmem:s5] =	stream.indirect.scatter.add.f32 [tilespmem:s30], [sflag:$0x1], $0x1, s26, s3, $0xb8;
	[tilespmem:$0x1F880] =	vst v63  }
0x7b: {  	_ =	swait.ge [sflag:s29], $0x80  }
0x7c: {  	[sflag:s29] =	ssyncset.done $0x0  }
0x7d: {  	[sflag:s29] =	ssyncadd.s32 $0xFFFFFF80  }
0x7e: {  	[spmem:s5] =	stream.indirect.scatter.add.f32 [tilespmem:s30], [sflag:$0x1], $0x1, s28, s3, $0xb8;
	[tilespmem:$0x1F880] =	vst v63  }
0x7f: {  	_ =	swait.ge [sflag:s29], $0x80  }
0x80: {  	[sflag:s29] =	ssyncset.done $0x0  }
0x81: {  	[sflag:s29] =	ssyncadd.s32 $0xFFFFFF80  }
0x82: {  	[spmem:s5] =	stream.indirect.scatter.add.f32 [tilespmem:s30], [sflag:$0x1], $0x1, s13, s3, $0xb8;
	[tilespmem:$0x1F880] =	vst v63  }
0x83: {  	_ =	swait.ge [sflag:s29], $0x80  }
0x84: {  	[sflag:s29] =	ssyncset.done $0x0  }
0x85: {  	[sflag:s29] =	ssyncadd.s32 $0xFFFFFF80  }
0x86: {  	[spmem:s5] =	stream.indirect.scatter.add.f32 [tilespmem:s30], [sflag:$0x1], $0x1, s12, s3, $0xb8;
	[tilespmem:$0x1F880] =	vst v63  }
0x87: {  	_ =	swait.ge [sflag:s29], $0x80  }
0x88: {  	[sflag:s29] =	ssyncset.done $0x0  }
0x89: {  	s19 =	sadd.s32 $0x0, s24;
	[sflag:s29] =	ssyncadd.s32 $0xFFFFFF80  }
0x8a: {  	[tilespmem:s31], [sflag:$0x1] =	stream.linear.gather [hbm4b:s19+s17], $0x800, $0x38;
	[tilespmem:$0x1F880] =	vst v63  }
0x8b: {  	_ =	swait.ge [sflag:s29], $0x800  }
0x8c: {  	[sflag:s29] =	ssyncset.done $0x0  }
0x8d: {  	[sflag:s29] =	ssyncadd.s32 $0xFFFFF800  }
0x8e: {  	[spmem:s4] =	stream.indirect.scatter.add.f32 [tilespmem:s30], [sflag:$0x1], $0x1, s31, s3, $0xb8;
	[tilespmem:$0x1F880] =	vst v63  }
0x8f: {  	_ =	swait.ge [sflag:s29], $0x80  }
0x90: {  	[sflag:s29] =	ssyncset.done $0x0  }
0x91: {  	[sflag:s29] =	ssyncadd.s32 $0xFFFFFF80  }
0x92: {  	[spmem:s4] =	stream.indirect.scatter.add.f32 [tilespmem:s30], [sflag:$0x1], $0x1, s0, s3, $0xb8;
	[tilespmem:$0x1F880] =	vst v63  }
0x93: {  	_ =	swait.ge [sflag:s29], $0x80  }
0x94: {  	[sflag:s29] =	ssyncset.done $0x0  }
0x95: {  	[sflag:s29] =	ssyncadd.s32 $0xFFFFFF80  }
0x96: {  	[spmem:s4] =	stream.indirect.scatter.add.f32 [tilespmem:s30], [sflag:$0x1], $0x1, s9, s3, $0xb8;
	[tilespmem:$0x1F880] =	vst v63  }
0x97: {  	_ =	swait.ge [sflag:s29], $0x80  }
0x98: {  	[sflag:s29] =	ssyncset.done $0x0  }
0x99: {  	[sflag:s29] =	ssyncadd.s32 $0xFFFFFF80  }
0x9a: {  	[spmem:s4] =	stream.indirect.scatter.add.f32 [tilespmem:s30], [sflag:$0x1], $0x1, s11, s3, $0xb8;
	[tilespmem:$0x1F880] =	vst v63  }
0x9b: {  	_ =	swait.ge [sflag:s29], $0x80  }
0x9c: {  	[sflag:s29] =	ssyncset.done $0x0  }
0x9d: {  	[sflag:s29] =	ssyncadd.s32 $0xFFFFFF80  }
0x9e: {  	[spmem:s4] =	stream.indirect.scatter.add.f32 [tilespmem:s30], [sflag:$0x1], $0x1, s14, s3, $0xb8;
	[tilespmem:$0x1F880] =	vst v63  }
0x9f: {  	_ =	swait.ge [sflag:s29], $0x80  }
0xa0: {  	[sflag:s29] =	ssyncset.done $0x0  }
0xa1: {  	[sflag:s29] =	ssyncadd.s32 $0xFFFFFF80  }
0xa2: {  	[spmem:s4] =	stream.indirect.scatter.add.f32 [tilespmem:s30], [sflag:$0x1], $0x1, s15, s3, $0xb8;
	[tilespmem:$0x1F880] =	vst v63  }
0xa3: {  	_ =	swait.ge [sflag:s29], $0x80  }
0xa4: {  	[sflag:s29] =	ssyncset.done $0x0  }
0xa5: {  	[sflag:s29] =	ssyncadd.s32 $0xFFFFFF80  }
0xa6: {  	[spmem:s4] =	stream.indirect.scatter.add.f32 [tilespmem:s30], [sflag:$0x1], $0x1, s16, s3, $0xb8;
	[tilespmem:$0x1F880] =	vst v63  }
0xa7: {  	_ =	swait.ge [sflag:s29], $0x80  }
0xa8: {  	[sflag:s29] =	ssyncset.done $0x0  }
0xa9: {  	[sflag:s29] =	ssyncadd.s32 $0xFFFFFF80  }
0xaa: {  	[spmem:s4] =	stream.indirect.scatter.add.f32 [tilespmem:s30], [sflag:$0x1], $0x1, s20, s3, $0xb8;
	[tilespmem:$0x1F880] =	vst v63  }
0xab: {  	_ =	swait.ge [sflag:s29], $0x80  }
0xac: {  	[sflag:s29] =	ssyncset.done $0x0  }
0xad: {  	[sflag:s29] =	ssyncadd.s32 $0xFFFFFF80  }
0xae: {  	[spmem:s4] =	stream.indirect.scatter.add.f32 [tilespmem:s30], [sflag:$0x1], $0x1, s21, s3, $0xb8;
	[tilespmem:$0x1F880] =	vst v63  }
0xaf: {  	_ =	swait.ge [sflag:s29], $0x80  }
0xb0: {  	[sflag:s29] =	ssyncset.done $0x0  }
0xb1: {  	[sflag:s29] =	ssyncadd.s32 $0xFFFFFF80  }
0xb2: {  	[spmem:s4] =	stream.indirect.scatter.add.f32 [tilespmem:s30], [sflag:$0x1], $0x1, s22, s3, $0xb8;
	[tilespmem:$0x1F880] =	vst v63  }
0xb3: {  	_ =	swait.ge [sflag:s29], $0x80  }
0xb4: {  	[sflag:s29] =	ssyncset.done $0x0  }
0xb5: {  	[sflag:s29] =	ssyncadd.s32 $0xFFFFFF80  }
0xb6: {  	[spmem:s4] =	stream.indirect.scatter.add.f32 [tilespmem:s30], [sflag:$0x1], $0x1, s23, s3, $0xb8;
	[tilespmem:$0x1F880] =	vst v63  }
0xb7: {  	_ =	swait.ge [sflag:s29], $0x80  }
0xb8: {  	[sflag:s29] =	ssyncset.done $0x0  }
0xb9: {  	[sflag:s29] =	ssyncadd.s32 $0xFFFFFF80  }
0xba: {  	[spmem:s4] =	stream.indirect.scatter.add.f32 [tilespmem:s30], [sflag:$0x1], $0x1, s10, s3, $0xb8;
	[tilespmem:$0x1F880] =	vst v63  }
0xbb: {  	_ =	swait.ge [sflag:s29], $0x80  }
0xbc: {  	[sflag:s29] =	ssyncset.done $0x0  }
0xbd: {  	[sflag:s29] =	ssyncadd.s32 $0xFFFFFF80  }
0xbe: {  	[spmem:s4] =	stream.indirect.scatter.add.f32 [tilespmem:s30], [sflag:$0x1], $0x1, s26, s3, $0xb8;
	[tilespmem:$0x1F880] =	vst v63  }
0xbf: {  	_ =	swait.ge [sflag:s29], $0x80  }
0xc0: {  	[sflag:s29] =	ssyncset.done $0x0  }
0xc1: {  	[sflag:s29] =	ssyncadd.s32 $0xFFFFFF80  }
0xc2: {  	[spmem:s4] =	stream.indirect.scatter.add.f32 [tilespmem:s30], [sflag:$0x1], $0x1, s28, s3, $0xb8;
	[tilespmem:$0x1F880] =	vst v63  }
0xc3: {  	_ =	swait.ge [sflag:s29], $0x80  }
0xc4: {  	[sflag:s29] =	ssyncset.done $0x0  }
0xc5: {  	[sflag:s29] =	ssyncadd.s32 $0xFFFFFF80  }
0xc6: {  	[spmem:s4] =	stream.indirect.scatter.add.f32 [tilespmem:s30], [sflag:$0x1], $0x1, s13, s3, $0xb8;
	[tilespmem:$0x1F880] =	vst v63  }
0xc7: {  	_ =	swait.ge [sflag:s29], $0x80  }
0xc8: {  	[sflag:s29] =	ssyncset.done $0x0  }
0xc9: {  	[sflag:s29] =	ssyncadd.s32 $0xFFFFFF80  }
0xca: {  	[spmem:s4] =	stream.indirect.scatter.add.f32 [tilespmem:s30], [sflag:$0x1], $0x1, s12, s3, $0xb8;
	[tilespmem:$0x1F880] =	vst v63  }
0xcb: {  	_ =	swait.ge [sflag:s29], $0x80  }
0xcc: {  	s7 =	simm.s32 $0x200;
	s17 =	simm.s32 $0x100;
	[sflag:s29] =	ssyncset.done $0x0  }
.LBB2_2:
0xcd: {  	s6 =	simm.s32 $0x0;
	s19 =	sadd.s32 s17, s25  }
0xce: {  	[sflag:s29] =	ssyncadd.s32 $0xFFFFFF80;
	s1 =	smov.u32 s7;
	s18 =	sadd.s32 $0x100, s7  }
0xcf: {  	[tilespmem:s31], [sflag:$0x1] =	stream.linear.gather [hbm4b:s19+s6], $0x800, $0x38;
	[tilespmem:$0x1F880] =	vst v63  }
0xd0: {  	s19 =	simm.s32 $0x0  }
0xd1: {  	p1 =	sne.s32 s7, $0x900;
	_ =	swait.ge [sflag:s29], $0x800  }
0xd2: {  	[sflag:s29] =	ssyncset.done $0x0  }
0xd3: {  	[sflag:s29] =	ssyncadd.s32 $0xFFFFF800  }
0xd4: {  	[spmem:s5] =	stream.indirect.scatter.add.f32 [tilespmem:s30], [sflag:$0x1], $0x1, s31, s3, $0xb8;
	[tilespmem:$0x1F880] =	vst v63  }
0xd5: {  	_ =	swait.ge [sflag:s29], $0x80  }
0xd6: {  	[sflag:s29] =	ssyncset.done $0x0  }
0xd7: {  	[sflag:s29] =	ssyncadd.s32 $0xFFFFFF80  }
0xd8: {  	[spmem:s5] =	stream.indirect.scatter.add.f32 [tilespmem:s30], [sflag:$0x1], $0x1, s0, s3, $0xb8;
	[tilespmem:$0x1F880] =	vst v63  }
0xd9: {  	_ =	swait.ge [sflag:s29], $0x80  }
0xda: {  	[sflag:s29] =	ssyncset.done $0x0  }
0xdb: {  	[sflag:s29] =	ssyncadd.s32 $0xFFFFFF80  }
0xdc: {  	[spmem:s5] =	stream.indirect.scatter.add.f32 [tilespmem:s30], [sflag:$0x1], $0x1, s9, s3, $0xb8;
	[tilespmem:$0x1F880] =	vst v63  }
0xdd: {  	_ =	swait.ge [sflag:s29], $0x80  }
0xde: {  	[sflag:s29] =	ssyncset.done $0x0  }
0xdf: {  	[sflag:s29] =	ssyncadd.s32 $0xFFFFFF80  }
0xe0: {  	[spmem:s5] =	stream.indirect.scatter.add.f32 [tilespmem:s30], [sflag:$0x1], $0x1, s11, s3, $0xb8;
	[tilespmem:$0x1F880] =	vst v63  }
0xe1: {  	_ =	swait.ge [sflag:s29], $0x80  }
0xe2: {  	[sflag:s29] =	ssyncset.done $0x0  }
0xe3: {  	[sflag:s29] =	ssyncadd.s32 $0xFFFFFF80  }
0xe4: {  	[spmem:s5] =	stream.indirect.scatter.add.f32 [tilespmem:s30], [sflag:$0x1], $0x1, s14, s3, $0xb8;
	[tilespmem:$0x1F880] =	vst v63  }
0xe5: {  	_ =	swait.ge [sflag:s29], $0x80  }
0xe6: {  	[sflag:s29] =	ssyncset.done $0x0  }
0xe7: {  	[sflag:s29] =	ssyncadd.s32 $0xFFFFFF80  }
0xe8: {  	[spmem:s5] =	stream.indirect.scatter.add.f32 [tilespmem:s30], [sflag:$0x1], $0x1, s15, s3, $0xb8;
	[tilespmem:$0x1F880] =	vst v63  }
0xe9: {  	_ =	swait.ge [sflag:s29], $0x80  }
0xea: {  	[sflag:s29] =	ssyncset.done $0x0  }
0xeb: {  	[sflag:s29] =	ssyncadd.s32 $0xFFFFFF80  }
0xec: {  	[spmem:s5] =	stream.indirect.scatter.add.f32 [tilespmem:s30], [sflag:$0x1], $0x1, s16, s3, $0xb8;
	[tilespmem:$0x1F880] =	vst v63  }
0xed: {  	_ =	swait.ge [sflag:s29], $0x80  }
0xee: {  	[sflag:s29] =	ssyncset.done $0x0  }
0xef: {  	[sflag:s29] =	ssyncadd.s32 $0xFFFFFF80  }
0xf0: {  	[spmem:s5] =	stream.indirect.scatter.add.f32 [tilespmem:s30], [sflag:$0x1], $0x1, s20, s3, $0xb8;
	[tilespmem:$0x1F880] =	vst v63  }
0xf1: {  	_ =	swait.ge [sflag:s29], $0x80  }
0xf2: {  	[sflag:s29] =	ssyncset.done $0x0  }
0xf3: {  	[sflag:s29] =	ssyncadd.s32 $0xFFFFFF80  }
0xf4: {  	[spmem:s5] =	stream.indirect.scatter.add.f32 [tilespmem:s30], [sflag:$0x1], $0x1, s21, s3, $0xb8;
	[tilespmem:$0x1F880] =	vst v63  }
0xf5: {  	_ =	swait.ge [sflag:s29], $0x80  }
0xf6: {  	[sflag:s29] =	ssyncset.done $0x0  }
0xf7: {  	[sflag:s29] =	ssyncadd.s32 $0xFFFFFF80  }
0xf8: {  	[spmem:s5] =	stream.indirect.scatter.add.f32 [tilespmem:s30], [sflag:$0x1], $0x1, s22, s3, $0xb8;
	[tilespmem:$0x1F880] =	vst v63  }
0xf9: {  	_ =	swait.ge [sflag:s29], $0x80  }
0xfa: {  	[sflag:s29] =	ssyncset.done $0x0  }
0xfb: {  	[sflag:s29] =	ssyncadd.s32 $0xFFFFFF80  }
0xfc: {  	[spmem:s5] =	stream.indirect.scatter.add.f32 [tilespmem:s30], [sflag:$0x1], $0x1, s23, s3, $0xb8;
	[tilespmem:$0x1F880] =	vst v63  }
0xfd: {  	_ =	swait.ge [sflag:s29], $0x80  }
0xfe: {  	[sflag:s29] =	ssyncset.done $0x0  }
0xff: {  	[sflag:s29] =	ssyncadd.s32 $0xFFFFFF80  }
0x100: {  	[spmem:s5] =	stream.indirect.scatter.add.f32 [tilespmem:s30], [sflag:$0x1], $0x1, s10, s3, $0xb8;
	[tilespmem:$0x1F880] =	vst v63  }
0x101: {  	_ =	swait.ge [sflag:s29], $0x80  }
0x102: {  	[sflag:s29] =	ssyncset.done $0x0  }
0x103: {  	[sflag:s29] =	ssyncadd.s32 $0xFFFFFF80  }
0x104: {  	[spmem:s5] =	stream.indirect.scatter.add.f32 [tilespmem:s30], [sflag:$0x1], $0x1, s26, s3, $0xb8;
	[tilespmem:$0x1F880] =	vst v63  }
0x105: {  	_ =	swait.ge [sflag:s29], $0x80  }
0x106: {  	[sflag:s29] =	ssyncset.done $0x0  }
0x107: {  	[sflag:s29] =	ssyncadd.s32 $0xFFFFFF80  }
0x108: {  	[spmem:s5] =	stream.indirect.scatter.add.f32 [tilespmem:s30], [sflag:$0x1], $0x1, s28, s3, $0xb8;
	[tilespmem:$0x1F880] =	vst v63  }
0x109: {  	_ =	swait.ge [sflag:s29], $0x80  }
0x10a: {  	[sflag:s29] =	ssyncset.done $0x0  }
0x10b: {  	[sflag:s29] =	ssyncadd.s32 $0xFFFFFF80  }
0x10c: {  	[spmem:s5] =	stream.indirect.scatter.add.f32 [tilespmem:s30], [sflag:$0x1], $0x1, s13, s3, $0xb8;
	[tilespmem:$0x1F880] =	vst v63  }
0x10d: {  	_ =	swait.ge [sflag:s29], $0x80  }
0x10e: {  	[sflag:s29] =	ssyncset.done $0x0  }
0x10f: {  	[sflag:s29] =	ssyncadd.s32 $0xFFFFFF80  }
0x110: {  	[spmem:s5] =	stream.indirect.scatter.add.f32 [tilespmem:s30], [sflag:$0x1], $0x1, s12, s3, $0xb8;
	[tilespmem:$0x1F880] =	vst v63  }
0x111: {  	_ =	swait.ge [sflag:s29], $0x80  }
0x112: {  	[sflag:s29] =	ssyncset.done $0x0  }
0x113: {  	s7 =	sadd.s32 s17, s24;
	s17 =	smov.u32 s1;
	[sflag:s29] =	ssyncadd.s32 $0xFFFFFF80  }
0x114: {  	[tilespmem:s31], [sflag:$0x1] =	stream.linear.gather [hbm4b:s7+s19], $0x800, $0x38;
	[tilespmem:$0x1F880] =	vst v63  }
0x115: {  	_ =	swait.ge [sflag:s29], $0x800  }
0x116: {  	[sflag:s29] =	ssyncset.done $0x0  }
0x117: {  	[sflag:s29] =	ssyncadd.s32 $0xFFFFF800  }
0x118: {  	[spmem:s4] =	stream.indirect.scatter.add.f32 [tilespmem:s30], [sflag:$0x1], $0x1, s31, s3, $0xb8;
	[tilespmem:$0x1F880] =	vst v63  }
0x119: {  	_ =	swait.ge [sflag:s29], $0x80  }
0x11a: {  	[sflag:s29] =	ssyncset.done $0x0  }
0x11b: {  	[sflag:s29] =	ssyncadd.s32 $0xFFFFFF80  }
0x11c: {  	[spmem:s4] =	stream.indirect.scatter.add.f32 [tilespmem:s30], [sflag:$0x1], $0x1, s0, s3, $0xb8;
	[tilespmem:$0x1F880] =	vst v63  }
0x11d: {  	_ =	swait.ge [sflag:s29], $0x80  }
0x11e: {  	[sflag:s29] =	ssyncset.done $0x0  }
0x11f: {  	[sflag:s29] =	ssyncadd.s32 $0xFFFFFF80  }
0x120: {  	[spmem:s4] =	stream.indirect.scatter.add.f32 [tilespmem:s30], [sflag:$0x1], $0x1, s9, s3, $0xb8;
	[tilespmem:$0x1F880] =	vst v63  }
0x121: {  	_ =	swait.ge [sflag:s29], $0x80  }
0x122: {  	[sflag:s29] =	ssyncset.done $0x0  }
0x123: {  	[sflag:s29] =	ssyncadd.s32 $0xFFFFFF80  }
0x124: {  	[spmem:s4] =	stream.indirect.scatter.add.f32 [tilespmem:s30], [sflag:$0x1], $0x1, s11, s3, $0xb8;
	[tilespmem:$0x1F880] =	vst v63  }
0x125: {  	_ =	swait.ge [sflag:s29], $0x80  }
0x126: {  	[sflag:s29] =	ssyncset.done $0x0  }
0x127: {  	[sflag:s29] =	ssyncadd.s32 $0xFFFFFF80  }
0x128: {  	[spmem:s4] =	stream.indirect.scatter.add.f32 [tilespmem:s30], [sflag:$0x1], $0x1, s14, s3, $0xb8;
	[tilespmem:$0x1F880] =	vst v63  }
0x129: {  	_ =	swait.ge [sflag:s29], $0x80  }
0x12a: {  	[sflag:s29] =	ssyncset.done $0x0  }
0x12b: {  	[sflag:s29] =	ssyncadd.s32 $0xFFFFFF80  }
0x12c: {  	[spmem:s4] =	stream.indirect.scatter.add.f32 [tilespmem:s30], [sflag:$0x1], $0x1, s15, s3, $0xb8;
	[tilespmem:$0x1F880] =	vst v63  }
0x12d: {  	_ =	swait.ge [sflag:s29], $0x80  }
0x12e: {  	[sflag:s29] =	ssyncset.done $0x0  }
0x12f: {  	[sflag:s29] =	ssyncadd.s32 $0xFFFFFF80  }
0x130: {  	[spmem:s4] =	stream.indirect.scatter.add.f32 [tilespmem:s30], [sflag:$0x1], $0x1, s16, s3, $0xb8;
	[tilespmem:$0x1F880] =	vst v63  }
0x131: {  	_ =	swait.ge [sflag:s29], $0x80  }
0x132: {  	[sflag:s29] =	ssyncset.done $0x0  }
0x133: {  	[sflag:s29] =	ssyncadd.s32 $0xFFFFFF80  }
0x134: {  	[spmem:s4] =	stream.indirect.scatter.add.f32 [tilespmem:s30], [sflag:$0x1], $0x1, s20, s3, $0xb8;
	[tilespmem:$0x1F880] =	vst v63  }
0x135: {  	_ =	swait.ge [sflag:s29], $0x80  }
0x136: {  	[sflag:s29] =	ssyncset.done $0x0  }
0x137: {  	[sflag:s29] =	ssyncadd.s32 $0xFFFFFF80  }
0x138: {  	[spmem:s4] =	stream.indirect.scatter.add.f32 [tilespmem:s30], [sflag:$0x1], $0x1, s21, s3, $0xb8;
	[tilespmem:$0x1F880] =	vst v63  }
0x139: {  	_ =	swait.ge [sflag:s29], $0x80  }
0x13a: {  	[sflag:s29] =	ssyncset.done $0x0  }
0x13b: {  	[sflag:s29] =	ssyncadd.s32 $0xFFFFFF80  }
0x13c: {  	[spmem:s4] =	stream.indirect.scatter.add.f32 [tilespmem:s30], [sflag:$0x1], $0x1, s22, s3, $0xb8;
	[tilespmem:$0x1F880] =	vst v63  }
0x13d: {  	_ =	swait.ge [sflag:s29], $0x80  }
0x13e: {  	[sflag:s29] =	ssyncset.done $0x0  }
0x13f: {  	[sflag:s29] =	ssyncadd.s32 $0xFFFFFF80  }
0x140: {  	[spmem:s4] =	stream.indirect.scatter.add.f32 [tilespmem:s30], [sflag:$0x1], $0x1, s23, s3, $0xb8;
	[tilespmem:$0x1F880] =	vst v63  }
0x141: {  	_ =	swait.ge [sflag:s29], $0x80  }
0x142: {  	[sflag:s29] =	ssyncset.done $0x0  }
0x143: {  	[sflag:s29] =	ssyncadd.s32 $0xFFFFFF80  }
0x144: {  	[spmem:s4] =	stream.indirect.scatter.add.f32 [tilespmem:s30], [sflag:$0x1], $0x1, s10, s3, $0xb8;
	[tilespmem:$0x1F880] =	vst v63  }
0x145: {  	_ =	swait.ge [sflag:s29], $0x80  }
0x146: {  	[sflag:s29] =	ssyncset.done $0x0  }
0x147: {  	[sflag:s29] =	ssyncadd.s32 $0xFFFFFF80  }
0x148: {  	[spmem:s4] =	stream.indirect.scatter.add.f32 [tilespmem:s30], [sflag:$0x1], $0x1, s26, s3, $0xb8;
	[tilespmem:$0x1F880] =	vst v63  }
0x149: {  	_ =	swait.ge [sflag:s29], $0x80  }
0x14a: {  	[sflag:s29] =	ssyncset.done $0x0  }
0x14b: {  	[sflag:s29] =	ssyncadd.s32 $0xFFFFFF80  }
0x14c: {  	[spmem:s4] =	stream.indirect.scatter.add.f32 [tilespmem:s30], [sflag:$0x1], $0x1, s28, s3, $0xb8;
	[tilespmem:$0x1F880] =	vst v63  }
0x14d: {  	_ =	swait.ge [sflag:s29], $0x80  }
0x14e: {  	[sflag:s29] =	ssyncset.done $0x0  }
0x14f: {  	[sflag:s29] =	ssyncadd.s32 $0xFFFFFF80  }
0x150: {  	[spmem:s4] =	stream.indirect.scatter.add.f32 [tilespmem:s30], [sflag:$0x1], $0x1, s13, s3, $0xb8;
	[tilespmem:$0x1F880] =	vst v63  }
0x151: {  	_ =	swait.ge [sflag:s29], $0x80  }
.Ltmp2:
0x152: {  	[sflag:s29] =	ssyncset.done $0x0;
	(pc) =	sbr.rel @p1 .LBB2_2-.Ltmp2, $4  }
0x153: {  	[sflag:s29] =	ssyncadd.s32 $0xFFFFFF80  }
0x154: {  	[spmem:s4] =	stream.indirect.scatter.add.f32 [tilespmem:s30], [sflag:$0x1], $0x1, s12, s3, $0xb8;
	[tilespmem:$0x1F880] =	vst v63  }
0x155: {  	_ =	swait.ge [sflag:s29], $0x80  }
0x156: {  	s7 =	smov.u32 s18;
	[sflag:s29] =	ssyncset.done $0x0  }
0x157: {  	s1 =	sadd.s32 s17, s25;
	[sflag:s29] =	ssyncadd.s32 $0xFFFFFF80  }
0x158: {  	[tilespmem:s31], [sflag:$0x1] =	stream.linear.gather [hbm4b:s1+s19], $0x800, $0x38;
	[tilespmem:$0x1F880] =	vst v63  }
0x159: {  	_ =	swait.ge [sflag:s29], $0x800  }
0x15a: {  	[sflag:s29] =	ssyncset.done $0x0  }
0x15b: {  	[sflag:s29] =	ssyncadd.s32 $0xFFFFF800  }
0x15c: {  	[spmem:s5] =	stream.indirect.scatter.add.f32 [tilespmem:s30], [sflag:$0x1], $0x1, s31, s3, $0xb8;
	[tilespmem:$0x1F880] =	vst v63  }
0x15d: {  	_ =	swait.ge [sflag:s29], $0x80  }
0x15e: {  	[sflag:s29] =	ssyncset.done $0x0  }
0x15f: {  	[sflag:s29] =	ssyncadd.s32 $0xFFFFFF80  }
0x160: {  	[spmem:s5] =	stream.indirect.scatter.add.f32 [tilespmem:s30], [sflag:$0x1], $0x1, s0, s3, $0xb8;
	[tilespmem:$0x1F880] =	vst v63  }
0x161: {  	_ =	swait.ge [sflag:s29], $0x80  }
0x162: {  	[sflag:s29] =	ssyncset.done $0x0  }
0x163: {  	[sflag:s29] =	ssyncadd.s32 $0xFFFFFF80  }
0x164: {  	[spmem:s5] =	stream.indirect.scatter.add.f32 [tilespmem:s30], [sflag:$0x1], $0x1, s9, s3, $0xb8;
	[tilespmem:$0x1F880] =	vst v63  }
0x165: {  	_ =	swait.ge [sflag:s29], $0x80  }
0x166: {  	[sflag:s29] =	ssyncset.done $0x0  }
0x167: {  	[sflag:s29] =	ssyncadd.s32 $0xFFFFFF80  }
0x168: {  	[spmem:s5] =	stream.indirect.scatter.add.f32 [tilespmem:s30], [sflag:$0x1], $0x1, s11, s3, $0xb8;
	[tilespmem:$0x1F880] =	vst v63  }
0x169: {  	_ =	swait.ge [sflag:s29], $0x80  }
0x16a: {  	[sflag:s29] =	ssyncset.done $0x0  }
0x16b: {  	[sflag:s29] =	ssyncadd.s32 $0xFFFFFF80  }
0x16c: {  	[spmem:s5] =	stream.indirect.scatter.add.f32 [tilespmem:s30], [sflag:$0x1], $0x1, s14, s3, $0xb8;
	[tilespmem:$0x1F880] =	vst v63  }
0x16d: {  	_ =	swait.ge [sflag:s29], $0x80  }
0x16e: {  	[sflag:s29] =	ssyncset.done $0x0  }
0x16f: {  	[sflag:s29] =	ssyncadd.s32 $0xFFFFFF80  }
0x170: {  	[spmem:s5] =	stream.indirect.scatter.add.f32 [tilespmem:s30], [sflag:$0x1], $0x1, s15, s3, $0xb8;
	[tilespmem:$0x1F880] =	vst v63  }
0x171: {  	_ =	swait.ge [sflag:s29], $0x80  }
0x172: {  	[sflag:s29] =	ssyncset.done $0x0  }
0x173: {  	[sflag:s29] =	ssyncadd.s32 $0xFFFFFF80  }
0x174: {  	[spmem:s5] =	stream.indirect.scatter.add.f32 [tilespmem:s30], [sflag:$0x1], $0x1, s16, s3, $0xb8;
	[tilespmem:$0x1F880] =	vst v63  }
0x175: {  	_ =	swait.ge [sflag:s29], $0x80  }
0x176: {  	[sflag:s29] =	ssyncset.done $0x0  }
0x177: {  	[sflag:s29] =	ssyncadd.s32 $0xFFFFFF80  }
0x178: {  	[spmem:s5] =	stream.indirect.scatter.add.f32 [tilespmem:s30], [sflag:$0x1], $0x1, s20, s3, $0xb8;
	[tilespmem:$0x1F880] =	vst v63  }
0x179: {  	_ =	swait.ge [sflag:s29], $0x80  }
0x17a: {  	[sflag:s29] =	ssyncset.done $0x0  }
0x17b: {  	[sflag:s29] =	ssyncadd.s32 $0xFFFFFF80  }
0x17c: {  	[spmem:s5] =	stream.indirect.scatter.add.f32 [tilespmem:s30], [sflag:$0x1], $0x1, s21, s3, $0xb8;
	[tilespmem:$0x1F880] =	vst v63  }
0x17d: {  	_ =	swait.ge [sflag:s29], $0x80  }
0x17e: {  	[sflag:s29] =	ssyncset.done $0x0  }
0x17f: {  	[sflag:s29] =	ssyncadd.s32 $0xFFFFFF80  }
0x180: {  	[spmem:s5] =	stream.indirect.scatter.add.f32 [tilespmem:s30], [sflag:$0x1], $0x1, s22, s3, $0xb8;
	[tilespmem:$0x1F880] =	vst v63  }
0x181: {  	_ =	swait.ge [sflag:s29], $0x80  }
0x182: {  	[sflag:s29] =	ssyncset.done $0x0  }
0x183: {  	[sflag:s29] =	ssyncadd.s32 $0xFFFFFF80  }
0x184: {  	[spmem:s5] =	stream.indirect.scatter.add.f32 [tilespmem:s30], [sflag:$0x1], $0x1, s23, s3, $0xb8;
	[tilespmem:$0x1F880] =	vst v63  }
0x185: {  	_ =	swait.ge [sflag:s29], $0x80  }
0x186: {  	[sflag:s29] =	ssyncset.done $0x0  }
0x187: {  	[sflag:s29] =	ssyncadd.s32 $0xFFFFFF80  }
0x188: {  	[spmem:s5] =	stream.indirect.scatter.add.f32 [tilespmem:s30], [sflag:$0x1], $0x1, s10, s3, $0xb8;
	[tilespmem:$0x1F880] =	vst v63  }
0x189: {  	_ =	swait.ge [sflag:s29], $0x80  }
0x18a: {  	[sflag:s29] =	ssyncset.done $0x0  }
0x18b: {  	[sflag:s29] =	ssyncadd.s32 $0xFFFFFF80  }
0x18c: {  	[spmem:s5] =	stream.indirect.scatter.add.f32 [tilespmem:s30], [sflag:$0x1], $0x1, s26, s3, $0xb8;
	[tilespmem:$0x1F880] =	vst v63  }
0x18d: {  	_ =	swait.ge [sflag:s29], $0x80  }
0x18e: {  	[sflag:s29] =	ssyncset.done $0x0  }
0x18f: {  	[sflag:s29] =	ssyncadd.s32 $0xFFFFFF80  }
0x190: {  	[spmem:s5] =	stream.indirect.scatter.add.f32 [tilespmem:s30], [sflag:$0x1], $0x1, s28, s3, $0xb8;
	[tilespmem:$0x1F880] =	vst v63  }
0x191: {  	_ =	swait.ge [sflag:s29], $0x80  }
0x192: {  	[sflag:s29] =	ssyncset.done $0x0  }
0x193: {  	[sflag:s29] =	ssyncadd.s32 $0xFFFFFF80  }
0x194: {  	[spmem:s5] =	stream.indirect.scatter.add.f32 [tilespmem:s30], [sflag:$0x1], $0x1, s13, s3, $0xb8;
	[tilespmem:$0x1F880] =	vst v63  }
0x195: {  	_ =	swait.ge [sflag:s29], $0x80  }
0x196: {  	[sflag:s29] =	ssyncset.done $0x0  }
0x197: {  	[sflag:s29] =	ssyncadd.s32 $0xFFFFFF80  }
0x198: {  	[spmem:s5] =	stream.indirect.scatter.add.f32 [tilespmem:s30], [sflag:$0x1], $0x1, s12, s3, $0xb8;
	[tilespmem:$0x1F880] =	vst v63  }
0x199: {  	_ =	swait.ge [sflag:s29], $0x80  }
0x19a: {  	[sflag:s29] =	ssyncset.done $0x0  }
0x19b: {  	s7 =	sadd.s32 s17, s24;
	[sflag:s29] =	ssyncadd.s32 $0xFFFFFF80  }
0x19c: {  	[tilespmem:s31], [sflag:$0x1] =	stream.linear.gather [hbm4b:s7+s19], $0x800, $0x38;
	[tilespmem:$0x1F880] =	vst v63  }
0x19d: {  	_ =	swait.ge [sflag:s29], $0x800  }
0x19e: {  	[sflag:s29] =	ssyncset.done $0x0  }
0x19f: {  	[sflag:s29] =	ssyncadd.s32 $0xFFFFF800  }
0x1a0: {  	[spmem:s4] =	stream.indirect.scatter.add.f32 [tilespmem:s30], [sflag:$0x1], $0x1, s31, s3, $0xb8;
	[tilespmem:$0x1F880] =	vst v63  }
0x1a1: {  	_ =	swait.ge [sflag:s29], $0x80  }
0x1a2: {  	[sflag:s29] =	ssyncset.done $0x0  }
0x1a3: {  	[sflag:s29] =	ssyncadd.s32 $0xFFFFFF80  }
0x1a4: {  	[spmem:s4] =	stream.indirect.scatter.add.f32 [tilespmem:s30], [sflag:$0x1], $0x1, s0, s3, $0xb8;
	[tilespmem:$0x1F880] =	vst v63  }
0x1a5: {  	_ =	swait.ge [sflag:s29], $0x80  }
0x1a6: {  	[sflag:s29] =	ssyncset.done $0x0  }
0x1a7: {  	[sflag:s29] =	ssyncadd.s32 $0xFFFFFF80  }
0x1a8: {  	[spmem:s4] =	stream.indirect.scatter.add.f32 [tilespmem:s30], [sflag:$0x1], $0x1, s9, s3, $0xb8;
	[tilespmem:$0x1F880] =	vst v63  }
0x1a9: {  	_ =	swait.ge [sflag:s29], $0x80  }
0x1aa: {  	[sflag:s29] =	ssyncset.done $0x0  }
0x1ab: {  	[sflag:s29] =	ssyncadd.s32 $0xFFFFFF80  }
0x1ac: {  	[spmem:s4] =	stream.indirect.scatter.add.f32 [tilespmem:s30], [sflag:$0x1], $0x1, s11, s3, $0xb8;
	[tilespmem:$0x1F880] =	vst v63  }
0x1ad: {  	_ =	swait.ge [sflag:s29], $0x80  }
0x1ae: {  	[sflag:s29] =	ssyncset.done $0x0  }
0x1af: {  	[sflag:s29] =	ssyncadd.s32 $0xFFFFFF80  }
0x1b0: {  	[spmem:s4] =	stream.indirect.scatter.add.f32 [tilespmem:s30], [sflag:$0x1], $0x1, s14, s3, $0xb8;
	[tilespmem:$0x1F880] =	vst v63  }
0x1b1: {  	_ =	swait.ge [sflag:s29], $0x80  }
0x1b2: {  	[sflag:s29] =	ssyncset.done $0x0  }
0x1b3: {  	[sflag:s29] =	ssyncadd.s32 $0xFFFFFF80  }
0x1b4: {  	[spmem:s4] =	stream.indirect.scatter.add.f32 [tilespmem:s30], [sflag:$0x1], $0x1, s15, s3, $0xb8;
	[tilespmem:$0x1F880] =	vst v63  }
0x1b5: {  	_ =	swait.ge [sflag:s29], $0x80  }
0x1b6: {  	[sflag:s29] =	ssyncset.done $0x0  }
0x1b7: {  	[sflag:s29] =	ssyncadd.s32 $0xFFFFFF80  }
0x1b8: {  	[spmem:s4] =	stream.indirect.scatter.add.f32 [tilespmem:s30], [sflag:$0x1], $0x1, s16, s3, $0xb8;
	[tilespmem:$0x1F880] =	vst v63  }
0x1b9: {  	_ =	swait.ge [sflag:s29], $0x80  }
0x1ba: {  	[sflag:s29] =	ssyncset.done $0x0  }
0x1bb: {  	[sflag:s29] =	ssyncadd.s32 $0xFFFFFF80  }
0x1bc: {  	[spmem:s4] =	stream.indirect.scatter.add.f32 [tilespmem:s30], [sflag:$0x1], $0x1, s20, s3, $0xb8;
	[tilespmem:$0x1F880] =	vst v63  }
0x1bd: {  	_ =	swait.ge [sflag:s29], $0x80  }
0x1be: {  	[sflag:s29] =	ssyncset.done $0x0  }
0x1bf: {  	[sflag:s29] =	ssyncadd.s32 $0xFFFFFF80  }
0x1c0: {  	[spmem:s4] =	stream.indirect.scatter.add.f32 [tilespmem:s30], [sflag:$0x1], $0x1, s21, s3, $0xb8;
	[tilespmem:$0x1F880] =	vst v63  }
0x1c1: {  	_ =	swait.ge [sflag:s29], $0x80  }
0x1c2: {  	[sflag:s29] =	ssyncset.done $0x0  }
0x1c3: {  	[sflag:s29] =	ssyncadd.s32 $0xFFFFFF80  }
0x1c4: {  	[spmem:s4] =	stream.indirect.scatter.add.f32 [tilespmem:s30], [sflag:$0x1], $0x1, s22, s3, $0xb8;
	[tilespmem:$0x1F880] =	vst v63  }
0x1c5: {  	_ =	swait.ge [sflag:s29], $0x80  }
0x1c6: {  	[sflag:s29] =	ssyncset.done $0x0  }
0x1c7: {  	[sflag:s29] =	ssyncadd.s32 $0xFFFFFF80  }
0x1c8: {  	[spmem:s4] =	stream.indirect.scatter.add.f32 [tilespmem:s30], [sflag:$0x1], $0x1, s23, s3, $0xb8;
	[tilespmem:$0x1F880] =	vst v63  }
0x1c9: {  	_ =	swait.ge [sflag:s29], $0x80  }
0x1ca: {  	[sflag:s29] =	ssyncset.done $0x0  }
0x1cb: {  	[sflag:s29] =	ssyncadd.s32 $0xFFFFFF80  }
0x1cc: {  	[spmem:s4] =	stream.indirect.scatter.add.f32 [tilespmem:s30], [sflag:$0x1], $0x1, s10, s3, $0xb8;
	[tilespmem:$0x1F880] =	vst v63  }
0x1cd: {  	_ =	swait.ge [sflag:s29], $0x80  }
0x1ce: {  	[sflag:s29] =	ssyncset.done $0x0  }
0x1cf: {  	[sflag:s29] =	ssyncadd.s32 $0xFFFFFF80  }
0x1d0: {  	[spmem:s4] =	stream.indirect.scatter.add.f32 [tilespmem:s30], [sflag:$0x1], $0x1, s26, s3, $0xb8;
	[tilespmem:$0x1F880] =	vst v63  }
0x1d1: {  	_ =	swait.ge [sflag:s29], $0x80  }
0x1d2: {  	[sflag:s29] =	ssyncset.done $0x0  }
0x1d3: {  	[sflag:s29] =	ssyncadd.s32 $0xFFFFFF80  }
0x1d4: {  	[spmem:s4] =	stream.indirect.scatter.add.f32 [tilespmem:s30], [sflag:$0x1], $0x1, s28, s3, $0xb8;
	[tilespmem:$0x1F880] =	vst v63  }
0x1d5: {  	_ =	swait.ge [sflag:s29], $0x80  }
0x1d6: {  	[sflag:s29] =	ssyncset.done $0x0  }
0x1d7: {  	[sflag:s29] =	ssyncadd.s32 $0xFFFFFF80  }
0x1d8: {  	[spmem:s4] =	stream.indirect.scatter.add.f32 [tilespmem:s30], [sflag:$0x1], $0x1, s13, s3, $0xb8;
	[tilespmem:$0x1F880] =	vst v63  }
0x1d9: {  	_ =	swait.ge [sflag:s29], $0x80  }
0x1da: {  	[sflag:s29] =	ssyncset.done $0x0  }
0x1db: {  	[sflag:s29] =	ssyncadd.s32 $0xFFFFFF80  }
0x1dc: {  	[spmem:s4] =	stream.indirect.scatter.add.f32 [tilespmem:s30], [sflag:$0x1], $0x1, s12, s3, $0xb8;
	[tilespmem:$0x1F880] =	vst v63  }
0x1dd: {  	_ =	swait.ge [sflag:s29], $0x80  }
0x1de: {  	[sflag:s29] =	ssyncset.done $0x0  }
0x1df: {  	[sflag:s29] =	ssyncadd.s32 $0xFFFFFF80  }
0x1e0: {  	[bflag:$0x0] =	sbarrier.arrive $0xFFFF  }
0x1e1: {  	s6 =	simm.s32 $0xAB80;
	s17 =	rddreg [dreg:$0x17]  }
0x1e2: {  	[tilespmem:s6], [sflag:$0x1] =	stream.linear.gather [spmem:s17], $0x280, $0x38;
	[tilespmem:$0x1F880] =	vst v63  }
0x1e3: {  	_ =	swait.ge [sflag:s29], $0x280  }
0x1e4: {  	[sflag:s29] =	ssyncset.done $0x0  }
0x1e5: {  	s19 =	simm.s32 $0xAE00;
	s18 =	rddreg [dreg:$0x18];
	[sflag:s29] =	ssyncadd.s32 $0xFFFFFD80  }
0x1e6: {  	[tilespmem:s19], [sflag:$0x1] =	stream.linear.gather [spmem:s18], $0x280, $0x38;
	[tilespmem:$0x1F880] =	vst v63  }
0x1e7: {  	_ =	swait.ge [sflag:s29], $0x280  }
0x1e8: {  	[sflag:s29] =	ssyncset.done $0x0  }
0x1e9: {  	s1 =	simm.s32 $0x0;
	[sflag:s29] =	ssyncadd.s32 $0xFFFFFD80  }
0x1ea: {  	s7 =	simm.s32 $0x40;
	v1 =	vld [tilespmem:s1+$0xAB80]  }
.LBB2_4:
0x1eb: {  	p1 =	sne.s32 s7, $0x9C0;
	v2 =	vld [tilespmem:s1+$0xAE00];
	_ =	sdelay $0x3  }
0x1ec: {  	v1 =	vadd.f32 $1.000000000e+00, v1  }
0x1ed: {  	v2 =	vadd.f32 $1.000000000e+00, v2  }
0x1ee: {  	v3 =	vshra.s32 v1, $0x1;
	v4 =	vmul.f32 $5.000000000e-01, v1;
	(erf) = vrcp.f32 v1  }
0x1ef: {  	v1 =	vsub.s32 $0x5F3759DF, v3;
	v3 =	vshra.s32 v2, $0x1;
	v2 =	vmul.f32 $5.000000000e-01, v2  }
0x1f0: {  	v5 =	vmul.f32 v1, v4;
	v3 =	vsub.s32 $0x5F3759DF, v3  }
0x1f1: {  	v6 =	vmul.f32 v3, v2  }
0x1f2: {  	v5 =	vmul.f32 v1, v5  }
0x1f3: {  	v6 =	vmul.f32 v3, v6  }
0x1f4: {  	v7 =	vsub.f32 $1.500000000e+00, v5  }
0x1f5: {  	v6 =	vsub.f32 $1.500000000e+00, v6  }
0x1f6: {  	v1 =	vmul.f32 v1, v7  }
0x1f7: {  	v3 =	vmul.f32 v3, v6;
	v5 =	vpop (erf)  }
0x1f8: {  	v6 =	vmul.f32 v1, v4;
	[tilespmem:s1+$0xB080] =	vst v5  }
0x1f9: {  	v5 =	vmul.f32 v3, v2  }
0x1fa: {  	v6 =	vmul.f32 v6, v1  }
0x1fb: {  	v5 =	vmul.f32 v5, v3  }
0x1fc: {  	v6 =	vsub.f32 $1.500000000e+00, v6  }
0x1fd: {  	v5 =	vsub.f32 $1.500000000e+00, v5  }
0x1fe: {  	v1 =	vmul.f32 v6, v1  }
0x1ff: {  	v3 =	vmul.f32 v5, v3  }
0x200: {  	v4 =	vmul.f32 v1, v4  }
0x201: {  	v2 =	vmul.f32 v3, v2  }
0x202: {  	v4 =	vmul.f32 v4, v1  }
0x203: {  	v2 =	vmul.f32 v2, v3  }
0x204: {  	v4 =	vsub.f32 $1.500000000e+00, v4  }
.Ltmp3:
0x205: {  	v2 =	vsub.f32 $1.500000000e+00, v2;
	(pc) =	sbr.rel @p1 .LBB2_4-.Ltmp3, $4  }
0x206: {  	v1 =	vmul.f32 v4, v1  }
0x207: {  	v2 =	vmul.f32 v2, v3  }
0x208: {  	s17 =	sshra.s32 s7, $0x2;
	[tilespmem:s1+$0xAB80] =	vst v1  }
0x209: {  	s7 =	sadd.s32 $0x40, s7;
	v1 =	vld [tilespmem:s17+$0xAB80];
	[tilespmem:s1+$0xAE00] =	vst v2;
	s1 =	smov.u32 s17  }
0x20a: {  	v2 =	vld [tilespmem:s1+$0xAE00];
	_ =	sdelay $0x3  }
0x20b: {  	v1 =	vadd.f32 $1.000000000e+00, v1  }
0x20c: {  	v2 =	vadd.f32 $1.000000000e+00, v2  }
0x20d: {  	v3 =	vshra.s32 v1, $0x1;
	v4 =	vmul.f32 $5.000000000e-01, v1  }
0x20e: {  	v3 =	vsub.s32 $0x5F3759DF, v3;
	v5 =	vshra.s32 v2, $0x1;
	v2 =	vmul.f32 $5.000000000e-01, v2  }
0x20f: {  	v6 =	vmul.f32 v3, v4;
	v5 =	vsub.s32 $0x5F3759DF, v5  }
0x210: {  	v7 =	vmul.f32 v5, v2  }
0x211: {  	v6 =	vmul.f32 v3, v6  }
0x212: {  	v7 =	vmul.f32 v5, v7  }
0x213: {  	v6 =	vsub.f32 $1.500000000e+00, v6  }
0x214: {  	v7 =	vsub.f32 $1.500000000e+00, v7  }
0x215: {  	v3 =	vmul.f32 v3, v6  }
0x216: {  	v5 =	vmul.f32 v5, v7  }
0x217: {  	v6 =	vmul.f32 v3, v4  }
0x218: {  	v7 =	vmul.f32 v5, v2  }
0x219: {  	v6 =	vmul.f32 v6, v3  }
0x21a: {  	v7 =	vmul.f32 v7, v5  }
0x21b: {  	v6 =	vsub.f32 $1.500000000e+00, v6  }
0x21c: {  	(erf) = vrcp.f32 v1;
	v1 =	vsub.f32 $1.500000000e+00, v7  }
0x21d: {  	v3 =	vmul.f32 v6, v3  }
0x21e: {  	v1 =	vmul.f32 v1, v5  }
0x21f: {  	v4 =	vmul.f32 v3, v4  }
0x220: {  	v2 =	vmul.f32 v1, v2  }
0x221: {  	v4 =	vmul.f32 v4, v3  }
0x222: {  	v2 =	vmul.f32 v2, v1  }
0x223: {  	v4 =	vsub.f32 $1.500000000e+00, v4  }
0x224: {  	v2 =	vsub.f32 $1.500000000e+00, v2  }
0x225: {  	v63 =	vpop (erf);
	v3 =	vmul.f32 v4, v3  }
0x226: {  	[tilespmem:s1+$0xB080] =	vst v63;
	v1 =	vmul.f32 v2, v1  }
0x227: {  	[tilespmem:s1+$0xAB80] =	vst v3  }
0x228: {  	s7 =	simm.s32 $0x0;
	s17 =	rddreg [dreg:$0xe];
	s6 =	simm.s32 $0xAB80;
	[tilespmem:s1+$0xAE00] =	vst v1  }
0x229: {  	[hbm4b:s17+s7] =	stream.linear.scatter [tilespmem:s6], [sflag:$0x1], $0x280, $0x38;
	[tilespmem:$0x1F880] =	vst v63  }
0x22a: {  	_ =	swait.ge [sflag:s29], $0x280  }
0x22b: {  	[sflag:s29] =	ssyncset.done $0x0  }
0x22c: {  	s19 =	simm.s32 $0xAE00;
	s18 =	rddreg [dreg:$0xf];
	[sflag:s29] =	ssyncadd.s32 $0xFFFFFD80  }
0x22d: {  	[hbm4b:s18+s7] =	stream.linear.scatter [tilespmem:s19], [sflag:$0x1], $0x280, $0x38;
	[tilespmem:$0x1F880] =	vst v63  }
0x22e: {  	_ =	swait.ge [sflag:s29], $0x280  }
0x22f: {  	[sflag:s29] =	ssyncset.done $0x0  }
0x230: {  	[sflag:s29] =	ssyncadd.s32 $0xFFFFFD80  }
0x231: {  	[bflag:$0x0] =	sbarrier.arrive $0xFFFF  }
0x232: {  	s17 =	rddreg [dreg:$0x13]  }
0x233: {  	[tilespmem:s7], [sflag:$0x1] =	stream.linear.gather [hbm4b:s17+s7], $0x1000, $0x38;
	[tilespmem:$0x1F880] =	vst v63  }
0x234: {  	_ =	swait.ge [sflag:s29], $0x1000  }
0x235: {  	[sflag:s29] =	ssyncset.done $0x0  }
0x236: {  	s19 =	simm.s32 $0x2000;
	s18 =	rddreg [dreg:$0x14];
	[sflag:s29] =	ssyncadd.s32 $0xFFFFF000  }
0x237: {  	[tilespmem:s19], [sflag:$0x1] =	stream.linear.gather [hbm4b:s18+s7], $0x1000, $0x38;
	[tilespmem:$0x1F880] =	vst v63  }
0x238: {  	_ =	swait.ge [sflag:s29], $0x1000  }
0x239: {  	[sflag:s29] =	ssyncset.done $0x0  }
0x23a: {  	s17 =	simm.s32 $0x0;
	s19 =	simm.s32 $0x40;
	[sflag:s29] =	ssyncadd.s32 $0xFFFFF000  }
.LBB2_6:
0x23b: {  	s1 =	smul.u32 $0x180, s17  }
0x23c: {  	s7 =	rddreg [dreg:$0x6]  }
0x23d: {  	s6 =	simm.s32 $0x4800;
	[dreg:$0x1d] =	wrdreg s1;
	s1 =	sand.u32 $0x1F80, s1  }
0x23e: {  	[tilespmem:s6], [sflag:$0x1] =	stream.indirect.gather [hbm4b:s7+s19], $0x80, s1, s19, $0xb8;
	[tilespmem:$0x1F880] =	vst v63  }
0x23f: {  	_ =	swait.ge [sflag:s29], $0x2000  }
0x240: {  	[sflag:s29] =	ssyncset.done $0x0  }
0x241: {  	s18 =	simm.s32 $0xA800;
	s7 =	rddreg [dreg:$0x11];
	[sflag:s29] =	ssyncadd.s32 $0xFFFFE000  }
0x242: {  	[tilespmem:s18], [sflag:$0x1] =	stream.indirect.gather [hbm4b:s7+s19], $0x1, s1, s19, $0xb8;
	[tilespmem:$0x1F880] =	vst v63  }
0x243: {  	s1 =	sor.u32 $0x2000, s1;
	_ =	swait.ge [sflag:s29], $0x40  }
0x244: {  	[dreg:$0x1f] =	wrdreg s1;
	[sflag:s29] =	ssyncset.done $0x0  }
0x245: {  	s18 =	simm.s32 $0xA900;
	s6 =	rddreg [dreg:$0x12];
	[sflag:s29] =	ssyncadd.s32 $0xFFFFFFC0  }
0x246: {  	[tilespmem:s18], [sflag:$0x1] =	stream.indirect.gather [hbm4b:s6+s19], $0x1, s1, s19, $0xb8;
	[tilespmem:$0x1F880] =	vst v63  }
0x247: {  	_ =	swait.ge [sflag:s29], $0x40  }
0x248: {  	[sflag:s29] =	ssyncset.done $0x0  }
0x249: {  	[sflag:s29] =	ssyncadd.s32 $0xFFFFFFC0  }
0x24a: {  	v1 =	vld [tilespmem:$0xA900];
	_ =	sdelay $0x4  }
0x24b: {  	v2 =	vmul.f32 v1, v1;
	_ =	sdelay $0x1  }
0x24c: {  	(erf) = vrcp.f32 v2;
	_ =	sdelay $0x6  }
0x24d: {  	v2 =	vld [tilespmem:$0xA910];
	_ =	sdelay $0x1  }
0x24e: {  	v3 =	vpop (erf)  }
0x24f: {  	v3 =	vadd.f32 $-1.000000000e+00, v3;
	_ =	sdelay $0x1  }
0x250: {  	v4 =	vmul.f32 v2, v2;
	v3 =	vmax.f32 v3, $1.000000000e+00  }
0x251: {  	(erf) = vrcp.f32 v3  }
0x252: {  	(erf) = vrcp.f32 v4;
	_ =	sdelay $0x6  }
0x253: {  	v3 =	vld [tilespmem:$0xA920]  }
0x254: {  	v4 =	vpop (erf)  }
0x255: {  	v5 =	vpop (erf)  }
0x256: {  	v5 =	vadd.f32 $-1.000000000e+00, v5;
	_ =	sdelay $0x1  }
0x257: {  	v6 =	vmul.f32 v3, v3;
	v5 =	vmax.f32 v5, $1.000000000e+00  }
0x258: {  	(erf) = vrcp.f32 v5  }
0x259: {  	(erf) = vrcp.f32 v6;
	_ =	sdelay $0x6  }
0x25a: {  	v5 =	vld [tilespmem:$0xA930]  }
0x25b: {  	v6 =	vpop (erf)  }
0x25c: {  	v7 =	vpop (erf)  }
0x25d: {  	v7 =	vadd.f32 $-1.000000000e+00, v7;
	_ =	sdelay $0x1  }
0x25e: {  	v8 =	vmul.f32 v5, v5;
	v7 =	vmax.f32 v7, $1.000000000e+00  }
0x25f: {  	(erf) = vrcp.f32 v7  }
0x260: {  	(erf) = vrcp.f32 v8;
	_ =	sdelay $0x7  }
0x261: {  	v7 =	vpop (erf)  }
0x262: {  	v8 =	vpop (erf)  }
0x263: {  	v8 =	vadd.f32 $-1.000000000e+00, v8;
	_ =	sdelay $0x1  }
0x264: {  	v9 =	vld [tilespmem:$0xA800];
	v8 =	vmax.f32 v8, $1.000000000e+00  }
0x265: {  	v10 =	vld [tilespmem:$0xA820];
	(erf) = vrcp.f32 v8  }
0x266: {  	v8 =	vld [tilespmem:$0xA810];
	_ =	sdelay $0x1  }
0x267: {  	v11 =	vld [tilespmem:$0xA830];
	_ =	sdelay $0x1  }
0x268: {  	v1 =	vmul.f32 v9, v1;
	v3 =	vmul.f32 v10, v3  }
0x269: {  	v2 =	vmul.f32 v8, v2  }
0x26a: {  	v1 =	vadd.f32 v4, v1  }
0x26b: {  	v4 =	vmul.f32 v11, v5;
	v2 =	vadd.f32 v6, v2  }
0x26c: {  	[tilespmem:$0xAA00] =	vst v1;
	v1 =	vadd.f32 v7, v3;
	v3 =	vpop (erf)  }
0x26d: {  	s19 =	simm.s32 $0x0;
	[tilespmem:$0xAA10] =	vst v2;
	v2 =	vadd.f32 v3, v4  }
0x26e: {  	[tilespmem:$0xAA20] =	vst v1;
	v1 =	vmov s19  }
0x26f: {  	s18 =	simm.s32 $0x4840;
	[tilespmem:$0xAA30] =	vst v2  }
0x270: {  	v5 =	vld [tilespmem:s18+$0x30]  }
0x271: {  	v8 =	vld [tilespmem:s18+$0x10]  }
0x272: {  	v6 =	vld [tilespmem:s18+$0xFFFFFFC0]  }
0x273: {  	v2 =	vld.idx.msk [tilespmem:v1+s2+$0x0], $0xffff  }
0x274: {  	v10 =	vld [tilespmem:s18+$0xFFFFFFE0]  }
0x275: {  	v1 =	vld [tilespmem:s18+$0xFFFFFFF0]  }
0x276: {  	v3 =	vld [tilespmem:s18+$0x20]  }
0x277: {  	v4 =	vld [tilespmem:s18+$0xFFFFFFD0]  }
0x278: {  	v9 =	vmul.f32 v5, v2;
	v5 =	vld [tilespmem:s18+$0x0]  }
0x279: {  	v7 =	vmul.f32 v6, v2  }
0x27a: {  	s7 =	simm.s32 $0x4840;
	s19 =	simm.s32 $0x1;
	v6 =	vmul.f32 v10, v2;
	v8 =	vmul.f32 v8, v2  }
.LBB2_7:
0x27b: {  	p1 =	sne.s32 s19, $0x3F  }
0x27c: {  	v4 =	vmul.f32 v4, v2;
	v3 =	vmul.f32 v3, v2;
	[tilespmem:s18+$0x30] =	vst v9;
	s7 =	sadd.s32 $0x80, s7;
	s1 =	smov.u32 s19;
	s19 =	sadd.s32 $0x1, s19  }
0x27d: {  	[tilespmem:s18+$0xFFFFFFC0] =	vst v7;
	v7 =	vmul.f32 v1, v2;
	v2 =	vmul.f32 v5, v2  }
0x27e: {  	[tilespmem:s18+$0x10] =	vst v8  }
0x27f: {  	v5 =	vmov s1;
	[tilespmem:s18+$0xFFFFFFE0] =	vst v6  }
0x280: {  	v1 =	vld [tilespmem:s7+$0xFFFFFFF0];
	[tilespmem:s18+$0xFFFFFFF0] =	vst v7  }
0x281: {  	v6 =	vld [tilespmem:s7+$0x30];
	[tilespmem:s18+$0x0] =	vst v2  }
0x282: {  	v8 =	vld [tilespmem:s7+$0x10];
	[tilespmem:s18+$0x20] =	vst v3  }
0x283: {  	v7 =	vld [tilespmem:s7+$0xFFFFFFC0];
	[tilespmem:s18+$0xFFFFFFD0] =	vst v4;
	s18 =	smov.u32 s7  }
0x284: {  	v2 =	vld.idx.msk [tilespmem:v5+s2+$0x0], $0xffff  }
0x285: {  	v10 =	vld [tilespmem:s7+$0xFFFFFFE0]  }
0x286: {  	v3 =	vld [tilespmem:s7+$0x20]  }
.Ltmp4:
0x287: {  	v4 =	vld [tilespmem:s7+$0xFFFFFFD0];
	(pc) =	sbr.rel @p1 .LBB2_7-.Ltmp4, $3  }
0x288: {  	v5 =	vld [tilespmem:s7+$0x0];
	_ =	sdelay $0x1  }
0x289: {  	v7 =	vmul.f32 v7, v2;
	v9 =	vmul.f32 v6, v2  }
0x28a: {  	v8 =	vmul.f32 v8, v2;
	v6 =	vmul.f32 v10, v2  }
0x28b: {  	s1 =	smul.u32 $0x3, s17;
	_ =	sdelay $0x1  }
0x28c: {  	[tilespmem:s18+$0x30] =	vst v9;
	s19 =	sadd.s32 $0x2, s1  }
0x28d: {  	[tilespmem:s18+$0xFFFFFFC0] =	vst v7;
	[dreg:$0x1c] =	wrdreg s1;
	s1 =	sand.u32 $0x1F, s19  }
0x28e: {  	v1 =	vmul.f32 v1, v2;
	[tilespmem:s18+$0x10] =	vst v8;
	p1 =	sne.s32 s1, $0x0  }
0x28f: {  	v3 =	vmul.f32 v3, v2;
	s6 =	rddreg [dreg:$0x10];
	[tilespmem:s18+$0xFFFFFFE0] =	vst v6;
	s1 =	sshrl.u32 @!p1 s19, $0x5  }
0x290: {  	v5 =	vmul.f32 v5, v2;
	[tilespmem:s18+$0xFFFFFFF0] =	vst v1;
	s1 =	sadd.s32 @!p1 s6, s1  }
0x291: {  	[dreg:$0x1b] =	wrdreg s17;
	v1 =	vmul.f32 v4, v2;
	[tilespmem:s18+$0x20] =	vst v3;
	s1 =	sshll.u32 @!p1 s1, $0x9  }
0x292: {  	[tilespmem:s18+$0x0] =	vst v5;
	s7 =	sshll.u32 @!p1 s19, $0x7;
	s6 =	rddreg [dreg:$0x1];
	s1 =	sand.u32 @!p1 $0x1FFFFE00, s1  }
0x293: {  	[tilespmem:s18+$0xFFFFFFD0] =	vst v1;
	s17 =	simm.s32 @!p1 $0x0;
	s7 =	sand.u32 @!p1 $0x1000, s7;
	s18 =	sadd.s32 @!p1 s6, s1  }
0x294: {  	[tilespmem:s7], [sflag:$0x1] =	stream.linear.gather @!p1 [hbm4b:s18+s17], $0x1000, $0x38;
	[tilespmem:$0x1F880] =	vst v63  }
0x295: {  	s18 =	simm.s32 @!p1 $0x1  }
0x296: {  	_ =	swait.ge @!p1 [sflag:s18], $0x1000  }
0x297: {  	[sflag:s18] =	ssyncset.done @!p1 $0x0;
	s6 =	rddreg [dreg:$0x7]  }
0x298: {  	s7 =	sor.u32 @!p1 $0x2000, s7;
	[sflag:s18] =	ssyncadd.s32 @!p1 $0xFFFFF000;
	s1 =	sadd.s32 @!p1 s6, s1  }
0x299: {  	[tilespmem:s7], [sflag:$0x1] =	stream.linear.gather @!p1 [hbm4b:s1+s17], $0x1000, $0x38;
	[tilespmem:$0x1F880] =	vst v63  }
0x29a: {  	_ =	swait.ge @!p1 [sflag:s18], $0x1000  }
0x29b: {  	[sflag:s18] =	ssyncset.done @!p1 $0x0  }
0x29c: {  	s17 =	rddreg [dreg:$0x1f];
	[sflag:s18] =	ssyncadd.s32 @!p1 $0xFFFFF000  }
0x29d: {  	s7 =	simm.s32 $0x4800;
	s18 =	simm.s32 $0x40;
	s6 =	rddreg [dreg:$0x2]  }
0x29e: {  	[spmem:s6] =	stream.indirect.scatter.add.f32 [tilespmem:s7], [sflag:$0x1], $0x80, s17, s18, $0xb8;
	[tilespmem:$0x1F880] =	vst v63  }
0x29f: {  	_ =	swait.ge [sflag:s29], $0x2000  }
0x2a0: {  	s6 =	rddreg [dreg:$0x1d]  }
0x2a1: {  	s7 =	simm.s32 $0x6800;
	[sflag:s29] =	ssyncset.done $0x0;
	s1 =	sadd.s32 $0x80, s6  }
0x2a2: {  	s17 =	rddreg [dreg:$0x6];
	[sflag:s29] =	ssyncadd.s32 $0xFFFFE000;
	s1 =	sand.u32 $0x1F80, s1  }
0x2a3: {  	[tilespmem:s7], [sflag:$0x1] =	stream.indirect.gather [hbm4b:s17+s18], $0x80, s1, s18, $0xb8;
	[tilespmem:$0x1F880] =	vst v63  }
0x2a4: {  	_ =	swait.ge [sflag:s29], $0x2000  }
0x2a5: {  	[sflag:s29] =	ssyncset.done $0x0  }
0x2a6: {  	s17 =	simm.s32 $0xA840;
	s7 =	rddreg [dreg:$0x11];
	[sflag:s29] =	ssyncadd.s32 $0xFFFFE000  }
0x2a7: {  	[tilespmem:s17], [sflag:$0x1] =	stream.indirect.gather [hbm4b:s7+s18], $0x1, s1, s18, $0xb8;
	[tilespmem:$0x1F880] =	vst v63  }
0x2a8: {  	_ =	swait.ge [sflag:s29], $0x40  }
0x2a9: {  	s1 =	sor.u32 $0x2000, s1;
	[sflag:s29] =	ssyncset.done $0x0;
	s6 =	rddreg [dreg:$0x12]  }
0x2aa: {  	s17 =	simm.s32 $0xA940;
	[smem:$0x7FD] =	sst s1;
	[sflag:s29] =	ssyncadd.s32 $0xFFFFFFC0  }
0x2ab: {  	[tilespmem:s17], [sflag:$0x1] =	stream.indirect.gather [hbm4b:s6+s18], $0x1, s1, s18, $0xb8;
	[tilespmem:$0x1F880] =	vst v63  }
0x2ac: {  	_ =	swait.ge [sflag:s29], $0x40  }
0x2ad: {  	[sflag:s29] =	ssyncset.done $0x0  }
0x2ae: {  	[sflag:s29] =	ssyncadd.s32 $0xFFFFFFC0  }
0x2af: {  	v1 =	vld [tilespmem:$0xA940];
	_ =	sdelay $0x4  }
0x2b0: {  	v2 =	vmul.f32 v1, v1;
	_ =	sdelay $0x1  }
0x2b1: {  	(erf) = vrcp.f32 v2;
	_ =	sdelay $0x6  }
0x2b2: {  	v2 =	vld [tilespmem:$0xA950];
	_ =	sdelay $0x1  }
0x2b3: {  	v3 =	vpop (erf)  }
0x2b4: {  	v3 =	vadd.f32 $-1.000000000e+00, v3;
	_ =	sdelay $0x1  }
0x2b5: {  	v4 =	vmul.f32 v2, v2;
	v3 =	vmax.f32 v3, $1.000000000e+00  }
0x2b6: {  	(erf) = vrcp.f32 v3  }
0x2b7: {  	(erf) = vrcp.f32 v4;
	_ =	sdelay $0x6  }
0x2b8: {  	v3 =	vld [tilespmem:$0xA960]  }
0x2b9: {  	v4 =	vpop (erf)  }
0x2ba: {  	v5 =	vpop (erf)  }
0x2bb: {  	v5 =	vadd.f32 $-1.000000000e+00, v5;
	_ =	sdelay $0x1  }
0x2bc: {  	v6 =	vmul.f32 v3, v3;
	v5 =	vmax.f32 v5, $1.000000000e+00  }
0x2bd: {  	(erf) = vrcp.f32 v5  }
0x2be: {  	(erf) = vrcp.f32 v6;
	_ =	sdelay $0x6  }
0x2bf: {  	v5 =	vld [tilespmem:$0xA970]  }
0x2c0: {  	v6 =	vpop (erf)  }
0x2c1: {  	v7 =	vpop (erf)  }
0x2c2: {  	v7 =	vadd.f32 $-1.000000000e+00, v7;
	_ =	sdelay $0x1  }
0x2c3: {  	v8 =	vmul.f32 v5, v5;
	v7 =	vmax.f32 v7, $1.000000000e+00  }
0x2c4: {  	(erf) = vrcp.f32 v7  }
0x2c5: {  	(erf) = vrcp.f32 v8;
	_ =	sdelay $0x7  }
0x2c6: {  	v7 =	vpop (erf)  }
0x2c7: {  	v8 =	vpop (erf)  }
0x2c8: {  	v8 =	vadd.f32 $-1.000000000e+00, v8;
	_ =	sdelay $0x1  }
0x2c9: {  	v9 =	vld [tilespmem:$0xA840];
	v8 =	vmax.f32 v8, $1.000000000e+00  }
0x2ca: {  	v10 =	vld [tilespmem:$0xA860];
	(erf) = vrcp.f32 v8  }
0x2cb: {  	v8 =	vld [tilespmem:$0xA850];
	_ =	sdelay $0x1  }
0x2cc: {  	v11 =	vld [tilespmem:$0xA870];
	_ =	sdelay $0x1  }
0x2cd: {  	v1 =	vmul.f32 v9, v1;
	v3 =	vmul.f32 v10, v3  }
0x2ce: {  	v2 =	vmul.f32 v8, v2  }
0x2cf: {  	v1 =	vadd.f32 v4, v1  }
0x2d0: {  	v4 =	vmul.f32 v11, v5;
	v2 =	vadd.f32 v6, v2  }
0x2d1: {  	[tilespmem:$0xAA40] =	vst v1;
	v1 =	vadd.f32 v7, v3;
	v3 =	vpop (erf)  }
0x2d2: {  	[tilespmem:$0xAA50] =	vst v2;
	v2 =	vadd.f32 v3, v4  }
0x2d3: {  	[tilespmem:$0xAA60] =	vst v1;
	v1 =	vmov s18  }
0x2d4: {  	s7 =	simm.s32 $0x6840;
	[tilespmem:$0xAA70] =	vst v2  }
0x2d5: {  	v5 =	vld [tilespmem:s7+$0x30]  }
0x2d6: {  	v8 =	vld [tilespmem:s7+$0x10]  }
0x2d7: {  	v6 =	vld [tilespmem:s7+$0xFFFFFFC0]  }
0x2d8: {  	v2 =	vld.idx.msk [tilespmem:v1+s2+$0x0], $0xffff  }
0x2d9: {  	v10 =	vld [tilespmem:s7+$0xFFFFFFE0]  }
0x2da: {  	v1 =	vld [tilespmem:s7+$0xFFFFFFF0]  }
0x2db: {  	v3 =	vld [tilespmem:s7+$0x20]  }
0x2dc: {  	v4 =	vld [tilespmem:s7+$0xFFFFFFD0]  }
0x2dd: {  	v9 =	vmul.f32 v5, v2;
	v5 =	vld [tilespmem:s7+$0x0]  }
0x2de: {  	v7 =	vmul.f32 v6, v2  }
0x2df: {  	s1 =	simm.s32 $0x6840;
	s18 =	simm.s32 $0x41;
	v6 =	vmul.f32 v10, v2;
	v8 =	vmul.f32 v8, v2  }
.LBB2_9:
0x2e0: {  	p1 =	sne.s32 s18, $0x7F  }
0x2e1: {  	v4 =	vmul.f32 v4, v2;
	v3 =	vmul.f32 v3, v2;
	[tilespmem:s7+$0x30] =	vst v9;
	s1 =	sadd.s32 $0x80, s1;
	s17 =	smov.u32 s18;
	s18 =	sadd.s32 $0x1, s18  }
0x2e2: {  	[tilespmem:s7+$0xFFFFFFC0] =	vst v7;
	v7 =	vmul.f32 v1, v2;
	v2 =	vmul.f32 v5, v2  }
0x2e3: {  	[tilespmem:s7+$0x10] =	vst v8  }
0x2e4: {  	v5 =	vmov s17;
	[tilespmem:s7+$0xFFFFFFE0] =	vst v6  }
0x2e5: {  	v1 =	vld [tilespmem:s1+$0xFFFFFFF0];
	[tilespmem:s7+$0xFFFFFFF0] =	vst v7  }
0x2e6: {  	v6 =	vld [tilespmem:s1+$0x30];
	[tilespmem:s7+$0x0] =	vst v2  }
0x2e7: {  	v8 =	vld [tilespmem:s1+$0x10];
	[tilespmem:s7+$0x20] =	vst v3  }
0x2e8: {  	v7 =	vld [tilespmem:s1+$0xFFFFFFC0];
	[tilespmem:s7+$0xFFFFFFD0] =	vst v4;
	s7 =	smov.u32 s1  }
0x2e9: {  	v2 =	vld.idx.msk [tilespmem:v5+s2+$0x0], $0xffff  }
0x2ea: {  	v10 =	vld [tilespmem:s1+$0xFFFFFFE0]  }
0x2eb: {  	v3 =	vld [tilespmem:s1+$0x20]  }
.Ltmp5:
0x2ec: {  	v4 =	vld [tilespmem:s1+$0xFFFFFFD0];
	(pc) =	sbr.rel @p1 .LBB2_9-.Ltmp5, $3  }
0x2ed: {  	v5 =	vld [tilespmem:s1+$0x0];
	_ =	sdelay $0x1  }
0x2ee: {  	v7 =	vmul.f32 v7, v2;
	v9 =	vmul.f32 v6, v2  }
0x2ef: {  	v8 =	vmul.f32 v8, v2;
	v6 =	vmul.f32 v10, v2  }
0x2f0: {  	s1 =	rddreg [dreg:$0x1c]  }
0x2f1: {  	[tilespmem:s7+$0x30] =	vst v9;
	s1 =	sadd.s32 $0x3, s1  }
0x2f2: {  	[tilespmem:s7+$0xFFFFFFC0] =	vst v7;
	s17 =	sand.u32 $0x1F, s1  }
0x2f3: {  	v1 =	vmul.f32 v1, v2;
	[tilespmem:s7+$0x10] =	vst v8;
	p1 =	sne.s32 s17, $0x0  }
0x2f4: {  	v3 =	vmul.f32 v3, v2;
	s6 =	rddreg [dreg:$0x10];
	[tilespmem:s7+$0xFFFFFFE0] =	vst v6;
	s17 =	sshrl.u32 @!p1 s1, $0x5  }
0x2f5: {  	v5 =	vmul.f32 v5, v2;
	[tilespmem:s7+$0xFFFFFFF0] =	vst v1;
	s17 =	sadd.s32 @!p1 s6, s17  }
0x2f6: {  	v1 =	vmul.f32 v4, v2;
	[tilespmem:s7+$0x20] =	vst v3;
	s17 =	sshll.u32 @!p1 s17, $0x9  }
0x2f7: {  	[tilespmem:s7+$0x0] =	vst v5;
	s1 =	sshll.u32 @!p1 s1, $0x7;
	s6 =	rddreg [dreg:$0x1];
	s17 =	sand.u32 @!p1 $0x1FFFFE00, s17  }
0x2f8: {  	[tilespmem:s7+$0xFFFFFFD0] =	vst v1;
	s18 =	simm.s32 @!p1 $0x0;
	s1 =	sand.u32 @!p1 $0x1000, s1;
	s7 =	sadd.s32 @!p1 s6, s17  }
0x2f9: {  	[tilespmem:s1], [sflag:$0x1] =	stream.linear.gather @!p1 [hbm4b:s7+s18], $0x1000, $0x38;
	[tilespmem:$0x1F880] =	vst v63  }
0x2fa: {  	s7 =	simm.s32 @!p1 $0x1  }
0x2fb: {  	_ =	swait.ge @!p1 [sflag:s7], $0x1000  }
0x2fc: {  	[sflag:s7] =	ssyncset.done @!p1 $0x0;
	s6 =	rddreg [dreg:$0x7]  }
0x2fd: {  	s1 =	sor.u32 @!p1 $0x2000, s1;
	[sflag:s7] =	ssyncadd.s32 @!p1 $0xFFFFF000;
	s17 =	sadd.s32 @!p1 s6, s17  }
0x2fe: {  	[tilespmem:s1], [sflag:$0x1] =	stream.linear.gather @!p1 [hbm4b:s17+s18], $0x1000, $0x38;
	[tilespmem:$0x1F880] =	vst v63  }
0x2ff: {  	_ =	swait.ge @!p1 [sflag:s7], $0x1000  }
0x300: {  	[sflag:s7] =	ssyncset.done @!p1 $0x0;
	s18 =	sld [smem:$0x7FD]  }
0x301: {  	[sflag:s7] =	ssyncadd.s32 @!p1 $0xFFFFF000  }
0x302: {  	s17 =	simm.s32 $0x40;
	s7 =	simm.s32 $0x6800;
	s6 =	rddreg [dreg:$0x2]  }
0x303: {  	[spmem:s6] =	stream.indirect.scatter.add.f32 [tilespmem:s7], [sflag:$0x1], $0x80, s18, s17, $0xb8;
	[tilespmem:$0x1F880] =	vst v63  }
0x304: {  	_ =	swait.ge [sflag:s29], $0x2000  }
0x305: {  	s7 =	sshll.u32 s19, $0x7;
	s18 =	simm.s32 $0x8800;
	[sflag:s29] =	ssyncset.done $0x0  }
0x306: {  	s1 =	sand.u32 $0x1F80, s7;
	s19 =	rddreg [dreg:$0x6];
	[sflag:s29] =	ssyncadd.s32 $0xFFFFE000  }
0x307: {  	[tilespmem:s18], [sflag:$0x1] =	stream.indirect.gather [hbm4b:s19+s17], $0x80, s1, s17, $0xb8;
	[tilespmem:$0x1F880] =	vst v63  }
0x308: {  	_ =	swait.ge [sflag:s29], $0x2000  }
0x309: {  	[sflag:s29] =	ssyncset.done $0x0  }
0x30a: {  	s19 =	simm.s32 $0xA880;
	s18 =	rddreg [dreg:$0x11];
	[sflag:s29] =	ssyncadd.s32 $0xFFFFE000  }
0x30b: {  	[tilespmem:s19], [sflag:$0x1] =	stream.indirect.gather [hbm4b:s18+s17], $0x1, s1, s17, $0xb8;
	[tilespmem:$0x1F880] =	vst v63  }
0x30c: {  	s1 =	sor.u32 $0x2000, s1;
	_ =	swait.ge [sflag:s29], $0x40  }
0x30d: {  	[dreg:$0x1e] =	wrdreg s1;
	[sflag:s29] =	ssyncset.done $0x0  }
0x30e: {  	s18 =	simm.s32 $0xA980;
	s6 =	rddreg [dreg:$0x12];
	[sflag:s29] =	ssyncadd.s32 $0xFFFFFFC0  }
0x30f: {  	[tilespmem:s18], [sflag:$0x1] =	stream.indirect.gather [hbm4b:s6+s17], $0x1, s1, s17, $0xb8;
	[tilespmem:$0x1F880] =	vst v63  }
0x310: {  	_ =	swait.ge [sflag:s29], $0x40  }
0x311: {  	[sflag:s29] =	ssyncset.done $0x0  }
0x312: {  	[sflag:s29] =	ssyncadd.s32 $0xFFFFFFC0  }
0x313: {  	v1 =	vld [tilespmem:$0xA980];
	_ =	sdelay $0x4  }
0x314: {  	v2 =	vmul.f32 v1, v1;
	_ =	sdelay $0x1  }
0x315: {  	(erf) = vrcp.f32 v2;
	_ =	sdelay $0x6  }
0x316: {  	v2 =	vld [tilespmem:$0xA990];
	_ =	sdelay $0x1  }
0x317: {  	v3 =	vpop (erf)  }
0x318: {  	v3 =	vadd.f32 $-1.000000000e+00, v3;
	_ =	sdelay $0x1  }
0x319: {  	v4 =	vmul.f32 v2, v2;
	v3 =	vmax.f32 v3, $1.000000000e+00  }
0x31a: {  	(erf) = vrcp.f32 v3  }
0x31b: {  	(erf) = vrcp.f32 v4;
	_ =	sdelay $0x6  }
0x31c: {  	v3 =	vld [tilespmem:$0xA9A0]  }
0x31d: {  	v4 =	vpop (erf)  }
0x31e: {  	v5 =	vpop (erf)  }
0x31f: {  	v5 =	vadd.f32 $-1.000000000e+00, v5;
	_ =	sdelay $0x1  }
0x320: {  	v6 =	vmul.f32 v3, v3;
	v5 =	vmax.f32 v5, $1.000000000e+00  }
0x321: {  	(erf) = vrcp.f32 v5  }
0x322: {  	(erf) = vrcp.f32 v6;
	_ =	sdelay $0x6  }
0x323: {  	v5 =	vld [tilespmem:$0xA9B0]  }
0x324: {  	v6 =	vpop (erf)  }
0x325: {  	v7 =	vpop (erf)  }
0x326: {  	v7 =	vadd.f32 $-1.000000000e+00, v7;
	_ =	sdelay $0x1  }
0x327: {  	v8 =	vmul.f32 v5, v5;
	v7 =	vmax.f32 v7, $1.000000000e+00  }
0x328: {  	(erf) = vrcp.f32 v7  }
0x329: {  	(erf) = vrcp.f32 v8;
	_ =	sdelay $0x7  }
0x32a: {  	v7 =	vpop (erf)  }
0x32b: {  	v8 =	vpop (erf)  }
0x32c: {  	v8 =	vadd.f32 $-1.000000000e+00, v8;
	_ =	sdelay $0x1  }
0x32d: {  	v9 =	vld [tilespmem:$0xA880];
	v8 =	vmax.f32 v8, $1.000000000e+00  }
0x32e: {  	v10 =	vld [tilespmem:$0xA8A0];
	(erf) = vrcp.f32 v8  }
0x32f: {  	v8 =	vld [tilespmem:$0xA890];
	_ =	sdelay $0x1  }
0x330: {  	v11 =	vld [tilespmem:$0xA8B0];
	_ =	sdelay $0x1  }
0x331: {  	v1 =	vmul.f32 v9, v1;
	v3 =	vmul.f32 v10, v3  }
0x332: {  	v2 =	vmul.f32 v8, v2  }
0x333: {  	v1 =	vadd.f32 v4, v1  }
0x334: {  	v4 =	vmul.f32 v11, v5;
	v2 =	vadd.f32 v6, v2  }
0x335: {  	[tilespmem:$0xAA80] =	vst v1;
	v1 =	vadd.f32 v7, v3;
	v3 =	vpop (erf)  }
0x336: {  	s19 =	simm.s32 $0x80;
	[tilespmem:$0xAA90] =	vst v2;
	v2 =	vadd.f32 v3, v4  }
0x337: {  	[tilespmem:$0xAAA0] =	vst v1;
	v1 =	vmov s19  }
0x338: {  	s1 =	simm.s32 $0x8840;
	[tilespmem:$0xAAB0] =	vst v2  }
0x339: {  	v5 =	vld [tilespmem:s1+$0x30]  }
0x33a: {  	v8 =	vld [tilespmem:s1+$0x10]  }
0x33b: {  	v6 =	vld [tilespmem:s1+$0xFFFFFFC0]  }
0x33c: {  	v2 =	vld.idx.msk [tilespmem:v1+s2+$0x0], $0xffff  }
0x33d: {  	v10 =	vld [tilespmem:s1+$0xFFFFFFE0]  }
0x33e: {  	v1 =	vld [tilespmem:s1+$0xFFFFFFF0]  }
0x33f: {  	v3 =	vld [tilespmem:s1+$0x20]  }
0x340: {  	v4 =	vld [tilespmem:s1+$0xFFFFFFD0]  }
0x341: {  	v9 =	vmul.f32 v5, v2;
	v5 =	vld [tilespmem:s1+$0x0]  }
0x342: {  	v7 =	vmul.f32 v6, v2  }
0x343: {  	s18 =	simm.s32 $0x81;
	s19 =	simm.s32 $0x8840;
	v6 =	vmul.f32 v10, v2;
	v8 =	vmul.f32 v8, v2  }
.LBB2_11:
0x344: {  	p1 =	sne.s32 s18, $0xBF  }
0x345: {  	v4 =	vmul.f32 v4, v2;
	v3 =	vmul.f32 v3, v2;
	[tilespmem:s1+$0x30] =	vst v9;
	s19 =	sadd.s32 $0x80, s19;
	s17 =	smov.u32 s18;
	s18 =	sadd.s32 $0x1, s18  }
0x346: {  	[tilespmem:s1+$0xFFFFFFC0] =	vst v7;
	v7 =	vmul.f32 v1, v2;
	v2 =	vmul.f32 v5, v2  }
0x347: {  	[tilespmem:s1+$0x10] =	vst v8  }
0x348: {  	v5 =	vmov s17;
	[tilespmem:s1+$0xFFFFFFE0] =	vst v6  }
0x349: {  	v1 =	vld [tilespmem:s19+$0xFFFFFFF0];
	[tilespmem:s1+$0xFFFFFFF0] =	vst v7  }
0x34a: {  	v6 =	vld [tilespmem:s19+$0x30];
	[tilespmem:s1+$0x0] =	vst v2  }
0x34b: {  	v8 =	vld [tilespmem:s19+$0x10];
	[tilespmem:s1+$0x20] =	vst v3  }
0x34c: {  	v7 =	vld [tilespmem:s19+$0xFFFFFFC0];
	[tilespmem:s1+$0xFFFFFFD0] =	vst v4;
	s1 =	smov.u32 s19  }
0x34d: {  	v2 =	vld.idx.msk [tilespmem:v5+s2+$0x0], $0xffff  }
0x34e: {  	v10 =	vld [tilespmem:s19+$0xFFFFFFE0]  }
0x34f: {  	v3 =	vld [tilespmem:s19+$0x20]  }
.Ltmp6:
0x350: {  	v4 =	vld [tilespmem:s19+$0xFFFFFFD0];
	(pc) =	sbr.rel @p1 .LBB2_11-.Ltmp6, $3  }
0x351: {  	v5 =	vld [tilespmem:s19+$0x0];
	_ =	sdelay $0x1  }
0x352: {  	v7 =	vmul.f32 v7, v2;
	v9 =	vmul.f32 v6, v2  }
0x353: {  	v8 =	vmul.f32 v8, v2;
	v6 =	vmul.f32 v10, v2  }
0x354: {  	s6 =	rddreg [dreg:$0x1c]  }
0x355: {  	s7 =	rddreg [dreg:$0x1b];
	s17 =	sadd.s32 $0x4, s6  }
0x356: {  	[tilespmem:s1+$0x30] =	vst v9;
	p1 =	seq.s32 s7, $0x34;
	s18 =	sand.u32 $0x1F, s17  }
0x357: {  	[tilespmem:s1+$0xFFFFFFC0] =	vst v7;
	p2 =	sne.s32 @!p1 s18, $0x0  }
0x358: {  	v1 =	vmul.f32 v1, v2;
	[tilespmem:s1+$0x10] =	vst v8;
	p1 =	por p2, p1  }
0x359: {  	v3 =	vmul.f32 v3, v2;
	[tilespmem:s1+$0xFFFFFFE0] =	vst v6;
	s6 =	rddreg [dreg:$0x10];
	s18 =	sshrl.u32 @!p1 s17, $0x5  }
0x35a: {  	v5 =	vmul.f32 v5, v2;
	[tilespmem:s1+$0xFFFFFFF0] =	vst v1;
	s18 =	sadd.s32 @!p1 s6, s18  }
0x35b: {  	v1 =	vmul.f32 v4, v2;
	[tilespmem:s1+$0x20] =	vst v3;
	s18 =	sshll.u32 @!p1 s18, $0x9  }
0x35c: {  	[tilespmem:s1+$0x0] =	vst v5;
	s17 =	sshll.u32 @!p1 s17, $0x7;
	s6 =	rddreg [dreg:$0x1];
	s18 =	sand.u32 @!p1 $0x1FFFFE00, s18  }
0x35d: {  	[tilespmem:s1+$0xFFFFFFD0] =	vst v1;
	s19 =	simm.s32 @!p1 $0x0;
	s1 =	sand.u32 @!p1 $0x1000, s17;
	s17 =	sadd.s32 @!p1 s6, s18  }
0x35e: {  	[tilespmem:s1], [sflag:$0x1] =	stream.linear.gather @!p1 [hbm4b:s17+s19], $0x1000, $0x38;
	[tilespmem:$0x1F880] =	vst v63  }
0x35f: {  	s17 =	simm.s32 @!p1 $0x1  }
0x360: {  	_ =	swait.ge @!p1 [sflag:s17], $0x1000  }
0x361: {  	[sflag:s17] =	ssyncset.done @!p1 $0x0;
	s6 =	rddreg [dreg:$0x7]  }
0x362: {  	s1 =	sor.u32 @!p1 $0x2000, s1;
	[sflag:s17] =	ssyncadd.s32 @!p1 $0xFFFFF000;
	s18 =	sadd.s32 @!p1 s6, s18  }
0x363: {  	[tilespmem:s1], [sflag:$0x1] =	stream.linear.gather @!p1 [hbm4b:s18+s19], $0x1000, $0x38;
	[tilespmem:$0x1F880] =	vst v63  }
0x364: {  	_ =	swait.ge @!p1 [sflag:s17], $0x1000  }
0x365: {  	[sflag:s17] =	ssyncset.done @!p1 $0x0  }
0x366: {  	[sflag:s17] =	ssyncadd.s32 @!p1 $0xFFFFF000;
	s17 =	smov.u32 s7  }
0x367: {  	s17 =	sadd.s32 $0x1, s17  }
0x368: {  	s19 =	simm.s32 $0x40;
	s18 =	rddreg [dreg:$0x1e];
	p1 =	sne.s32 s17, $0x35  }
.Ltmp7:
0x369: {  	s7 =	simm.s32 $0x8800;
	s6 =	rddreg [dreg:$0x2];
	(pc) =	sbr.rel @p1 .LBB2_6-.Ltmp7, $4  }
0x36a: {  	[spmem:s6] =	stream.indirect.scatter.add.f32 [tilespmem:s7], [sflag:$0x1], $0x80, s18, s19, $0xb8;
	[tilespmem:$0x1F880] =	vst v63  }
0x36b: {  	_ =	swait.ge [sflag:s29], $0x2000  }
0x36c: {  	[sflag:s29] =	ssyncset.done $0x0  }
0x36d: {  	[sflag:s29] =	ssyncadd.s32 $0xFFFFE000  }
0x36e: {  	s1 =	simm.s32 $0x4800;
	s7 =	simm.s32 $0xF80;
	s6 =	rddreg [dreg:$0x6]  }
0x36f: {  	[tilespmem:s1], [sflag:$0x1] =	stream.indirect.gather [hbm4b:s6+s19], $0x80, s7, s19, $0xb8;
	[tilespmem:$0x1F880] =	vst v63  }
0x370: {  	_ =	swait.ge [sflag:s29], $0x2000  }
0x371: {  	[sflag:s29] =	ssyncset.done $0x0  }
0x372: {  	s18 =	simm.s32 $0xA800;
	s17 =	rddreg [dreg:$0x11];
	[sflag:s29] =	ssyncadd.s32 $0xFFFFE000  }
0x373: {  	[tilespmem:s18], [sflag:$0x1] =	stream.indirect.gather [hbm4b:s17+s19], $0x1, s7, s19, $0xb8;
	[tilespmem:$0x1F880] =	vst v63  }
0x374: {  	_ =	swait.ge [sflag:s29], $0x40  }
0x375: {  	s7 =	simm.s32 $0xA900;
	[sflag:s29] =	ssyncset.done $0x0  }
0x376: {  	s17 =	simm.s32 $0x2F80;
	s6 =	rddreg [dreg:$0x12];
	[sflag:s29] =	ssyncadd.s32 $0xFFFFFFC0  }
0x377: {  	[tilespmem:s7], [sflag:$0x1] =	stream.indirect.gather [hbm4b:s6+s19], $0x1, s17, s19, $0xb8;
	[tilespmem:$0x1F880] =	vst v63  }
0x378: {  	_ =	swait.ge [sflag:s29], $0x40  }
0x379: {  	[sflag:s29] =	ssyncset.done $0x0  }
0x37a: {  	[sflag:s29] =	ssyncadd.s32 $0xFFFFFFC0  }
0x37b: {  	v1 =	vld [tilespmem:$0xA900];
	_ =	sdelay $0x4  }
0x37c: {  	v2 =	vmul.f32 v1, v1;
	_ =	sdelay $0x1  }
0x37d: {  	(erf) = vrcp.f32 v2;
	_ =	sdelay $0x6  }
0x37e: {  	v2 =	vld [tilespmem:$0xA910];
	_ =	sdelay $0x1  }
0x37f: {  	v3 =	vpop (erf)  }
0x380: {  	v3 =	vadd.f32 $-1.000000000e+00, v3;
	_ =	sdelay $0x1  }
0x381: {  	v4 =	vmul.f32 v2, v2;
	v3 =	vmax.f32 v3, $1.000000000e+00  }
0x382: {  	(erf) = vrcp.f32 v3  }
0x383: {  	(erf) = vrcp.f32 v4;
	_ =	sdelay $0x6  }
0x384: {  	v3 =	vld [tilespmem:$0xA920]  }
0x385: {  	v4 =	vpop (erf)  }
0x386: {  	v5 =	vpop (erf)  }
0x387: {  	v5 =	vadd.f32 $-1.000000000e+00, v5;
	_ =	sdelay $0x1  }
0x388: {  	v6 =	vmul.f32 v3, v3;
	v5 =	vmax.f32 v5, $1.000000000e+00  }
0x389: {  	(erf) = vrcp.f32 v5  }
0x38a: {  	(erf) = vrcp.f32 v6;
	_ =	sdelay $0x6  }
0x38b: {  	v5 =	vld [tilespmem:$0xA930]  }
0x38c: {  	v6 =	vpop (erf)  }
0x38d: {  	v7 =	vpop (erf)  }
0x38e: {  	v7 =	vadd.f32 $-1.000000000e+00, v7;
	_ =	sdelay $0x1  }
0x38f: {  	v8 =	vmul.f32 v5, v5;
	v7 =	vmax.f32 v7, $1.000000000e+00  }
0x390: {  	(erf) = vrcp.f32 v7  }
0x391: {  	(erf) = vrcp.f32 v8;
	_ =	sdelay $0x7  }
0x392: {  	v7 =	vpop (erf)  }
0x393: {  	v8 =	vpop (erf)  }
0x394: {  	v8 =	vadd.f32 $-1.000000000e+00, v8;
	_ =	sdelay $0x1  }
0x395: {  	v9 =	vld [tilespmem:$0xA800];
	v8 =	vmax.f32 v8, $1.000000000e+00  }
0x396: {  	v10 =	vld [tilespmem:$0xA820];
	(erf) = vrcp.f32 v8  }
0x397: {  	v8 =	vld [tilespmem:$0xA810];
	_ =	sdelay $0x1  }
0x398: {  	v11 =	vld [tilespmem:$0xA830];
	_ =	sdelay $0x1  }
0x399: {  	v1 =	vmul.f32 v9, v1;
	v3 =	vmul.f32 v10, v3  }
0x39a: {  	v2 =	vmul.f32 v8, v2  }
0x39b: {  	v1 =	vadd.f32 v4, v1  }
0x39c: {  	v4 =	vmul.f32 v11, v5;
	v2 =	vadd.f32 v6, v2  }
0x39d: {  	[tilespmem:$0xAA00] =	vst v1;
	v1 =	vadd.f32 v7, v3;
	v3 =	vpop (erf)  }
0x39e: {  	s18 =	simm.s32 $0x0;
	[tilespmem:$0xAA10] =	vst v2;
	v2 =	vadd.f32 v3, v4  }
0x39f: {  	[tilespmem:$0xAA20] =	vst v1;
	v1 =	vmov s18  }
0x3a0: {  	s1 =	simm.s32 $0x4840;
	[tilespmem:$0xAA30] =	vst v2  }
0x3a1: {  	v5 =	vld [tilespmem:s1+$0x30]  }
0x3a2: {  	v8 =	vld [tilespmem:s1+$0x10]  }
0x3a3: {  	v6 =	vld [tilespmem:s1+$0xFFFFFFC0]  }
0x3a4: {  	v2 =	vld.idx.msk [tilespmem:v1+s2+$0x0], $0xffff  }
0x3a5: {  	v10 =	vld [tilespmem:s1+$0xFFFFFFE0]  }
0x3a6: {  	v1 =	vld [tilespmem:s1+$0xFFFFFFF0]  }
0x3a7: {  	v3 =	vld [tilespmem:s1+$0x20]  }
0x3a8: {  	v4 =	vld [tilespmem:s1+$0xFFFFFFD0]  }
0x3a9: {  	v9 =	vmul.f32 v5, v2;
	v5 =	vld [tilespmem:s1+$0x0]  }
0x3aa: {  	v7 =	vmul.f32 v6, v2  }
0x3ab: {  	s7 =	simm.s32 $0x1;
	s17 =	simm.s32 $0x4840;
	v6 =	vmul.f32 v10, v2;
	v8 =	vmul.f32 v8, v2  }
.LBB2_14:
0x3ac: {  	p1 =	sne.s32 s7, $0x3F  }
0x3ad: {  	v4 =	vmul.f32 v4, v2;
	v3 =	vmul.f32 v3, v2;
	[tilespmem:s1+$0x30] =	vst v9;
	s17 =	sadd.s32 $0x80, s17;
	s18 =	smov.u32 s7;
	s7 =	sadd.s32 $0x1, s7  }
0x3ae: {  	[tilespmem:s1+$0xFFFFFFC0] =	vst v7;
	v7 =	vmul.f32 v1, v2;
	v2 =	vmul.f32 v5, v2  }
0x3af: {  	[tilespmem:s1+$0x10] =	vst v8  }
0x3b0: {  	v5 =	vmov s18;
	[tilespmem:s1+$0xFFFFFFE0] =	vst v6  }
0x3b1: {  	v1 =	vld [tilespmem:s17+$0xFFFFFFF0];
	[tilespmem:s1+$0xFFFFFFF0] =	vst v7  }
0x3b2: {  	v6 =	vld [tilespmem:s17+$0x30];
	[tilespmem:s1+$0x0] =	vst v2  }
0x3b3: {  	v8 =	vld [tilespmem:s17+$0x10];
	[tilespmem:s1+$0x20] =	vst v3  }
0x3b4: {  	v7 =	vld [tilespmem:s17+$0xFFFFFFC0];
	[tilespmem:s1+$0xFFFFFFD0] =	vst v4;
	s1 =	smov.u32 s17  }
0x3b5: {  	v2 =	vld.idx.msk [tilespmem:v5+s2+$0x0], $0xffff  }
0x3b6: {  	v10 =	vld [tilespmem:s17+$0xFFFFFFE0]  }
0x3b7: {  	v3 =	vld [tilespmem:s17+$0x20]  }
.Ltmp8:
0x3b8: {  	v4 =	vld [tilespmem:s17+$0xFFFFFFD0];
	(pc) =	sbr.rel @p1 .LBB2_14-.Ltmp8, $3  }
0x3b9: {  	v5 =	vld [tilespmem:s17+$0x0];
	_ =	sdelay $0x1  }
0x3ba: {  	v7 =	vmul.f32 v7, v2;
	v9 =	vmul.f32 v6, v2  }
0x3bb: {  	v8 =	vmul.f32 v8, v2;
	v6 =	vmul.f32 v10, v2  }
0x3bc: {  	[tilespmem:s1+$0x30] =	vst v9  }
0x3bd: {  	[tilespmem:s1+$0xFFFFFFC0] =	vst v7  }
0x3be: {  	v1 =	vmul.f32 v1, v2;
	[tilespmem:s1+$0x10] =	vst v8  }
0x3bf: {  	v3 =	vmul.f32 v3, v2;
	[tilespmem:s1+$0xFFFFFFE0] =	vst v6  }
0x3c0: {  	v5 =	vmul.f32 v5, v2;
	[tilespmem:s1+$0xFFFFFFF0] =	vst v1  }
0x3c1: {  	v1 =	vmul.f32 v4, v2;
	[tilespmem:s1+$0x20] =	vst v3  }
0x3c2: {  	s18 =	rddreg [dreg:$0x2];
	[tilespmem:s1+$0x0] =	vst v5  }
.Ltmp9:
0x3c3: {  	s6 =	simm.s32 $0x4800;
	s7 =	simm.s32 $0x2F80;
	[tilespmem:s1+$0xFFFFFFD0] =	vst v1;
	(pc) =	sbr.rel @p0 .LBB2_19-.Ltmp9, $4  }
0x3c4: {  	[spmem:s18] =	stream.indirect.scatter.add.f32 [tilespmem:s6], [sflag:$0x1], $0x80, s7, s19, $0xb8;
	[tilespmem:$0x1F880] =	vst v63  }
0x3c5: {  	_ =	swait.ge [sflag:s29], $0x2000  }
0x3c6: {  	s17 =	simm.s32 $0x0;
	[sflag:s29] =	ssyncset.done $0x0  }
0x3c7: {  	s19 =	simm.s32 $0x4800;
	s7 =	simm.s32 $0x0;
	[sflag:s29] =	ssyncadd.s32 $0xFFFFE000  }
.LBB2_16:
0x3c8: {  	s1 =	sshll.u32 s17, $0x6;
	s6 =	rddreg [dreg:$0xb]  }
0x3c9: {  	s1 =	sadd.s32 s6, s1  }
0x3ca: {  	s6 =	rddreg [dreg:$0x6];
	s18 =	sshll.u32 s1, $0x4  }
0x3cb: {  	s18 =	sadd.s32 s6, s18;
	s6 =	simm.s32 $0x0  }
0x3cc: {  	v1 =	vmov s1;
	[tilespmem:s19], [sflag:$0x1] =	stream.linear.gather [hbm4b:s18+s6], $0x2000, $0x38;
	[tilespmem:$0x1F880] =	vst v63  }
0x3cd: {  	v2 =	vor.u32 $0x10, v1;
	_ =	swait.ge [sflag:s29], $0x2000  }
0x3ce: {  	v3 =	vor.u32 $0x20, v1;
	v2 =	vbroadcast v2, $0x0;
	[sflag:s29] =	ssyncset.done $0x0  }
0x3cf: {  	v4 =	vor.u32 s1, v0;
	v1 =	vor.u32 $0x30, v1;
	v3 =	vbroadcast v3, $0x0;
	[sflag:s29] =	ssyncadd.s32 $0xFFFFE000  }
0x3d0: {  	v1 =	vbroadcast v1, $0x0;
	v2 =	vor.u32 v0, v2;
	[tilespmem:$0xB300] =	vst v4  }
0x3d1: {  	s19 =	sadd.s32 $0x0, s7;
	[tilespmem:$0xB310] =	vst v2;
	v2 =	vor.u32 v0, v3  }
0x3d2: {  	v1 =	vor.u32 v0, v1;
	[tilespmem:$0xB320] =	vst v2;
	v2 =	vmov s19  }
0x3d3: {  	s18 =	simm.s32 $0x4840;
	[tilespmem:$0xB330] =	vst v1  }
0x3d4: {  	v5 =	vld [tilespmem:s18+$0x30]  }
0x3d5: {  	v8 =	vld [tilespmem:s18+$0x10]  }
0x3d6: {  	v6 =	vld [tilespmem:s18+$0xFFFFFFC0]  }
0x3d7: {  	v2 =	vld.idx.msk [tilespmem:v2+s8+$0x0], $0xffff  }
0x3d8: {  	v10 =	vld [tilespmem:s18+$0xFFFFFFE0]  }
0x3d9: {  	v1 =	vld [tilespmem:s18+$0xFFFFFFF0]  }
0x3da: {  	v3 =	vld [tilespmem:s18+$0x20]  }
0x3db: {  	v4 =	vld [tilespmem:s18+$0xFFFFFFD0]  }
0x3dc: {  	v9 =	vmul.f32 v5, v2;
	v5 =	vld [tilespmem:s18+$0x0]  }
0x3dd: {  	v7 =	vmul.f32 v6, v2  }
0x3de: {  	s1 =	simm.s32 $0x4840;
	s19 =	simm.s32 $0x1;
	v6 =	vmul.f32 v10, v2;
	v8 =	vmul.f32 v8, v2  }
.LBB2_17:
0x3df: {  	p1 =	sne.s32 s19, $0x3F  }
0x3e0: {  	v4 =	vmul.f32 v4, v2;
	v3 =	vmul.f32 v3, v2;
	[tilespmem:s18+$0x30] =	vst v9;
	s1 =	sadd.s32 $0x80, s1;
	s6 =	smov.u32 s19;
	s19 =	sadd.s32 $0x1, s19  }
0x3e1: {  	[tilespmem:s18+$0xFFFFFFC0] =	vst v7;
	v7 =	vmul.f32 v1, v2;
	v2 =	vmul.f32 v5, v2  }
0x3e2: {  	s6 =	sadd.s32 s6, s7;
	[tilespmem:s18+$0x10] =	vst v8  }
0x3e3: {  	v5 =	vmov s6;
	[tilespmem:s18+$0xFFFFFFE0] =	vst v6  }
0x3e4: {  	v1 =	vld [tilespmem:s1+$0xFFFFFFF0];
	[tilespmem:s18+$0xFFFFFFF0] =	vst v7  }
0x3e5: {  	v6 =	vld [tilespmem:s1+$0x30];
	[tilespmem:s18+$0x0] =	vst v2  }
0x3e6: {  	v8 =	vld [tilespmem:s1+$0x10];
	[tilespmem:s18+$0x20] =	vst v3  }
0x3e7: {  	v7 =	vld [tilespmem:s1+$0xFFFFFFC0];
	[tilespmem:s18+$0xFFFFFFD0] =	vst v4;
	s18 =	smov.u32 s1  }
0x3e8: {  	v2 =	vld.idx.msk [tilespmem:v5+s8+$0x0], $0xffff  }
0x3e9: {  	v10 =	vld [tilespmem:s1+$0xFFFFFFE0]  }
0x3ea: {  	v3 =	vld [tilespmem:s1+$0x20]  }
.Ltmp10:
0x3eb: {  	v4 =	vld [tilespmem:s1+$0xFFFFFFD0];
	(pc) =	sbr.rel @p1 .LBB2_17-.Ltmp10, $3  }
0x3ec: {  	v5 =	vld [tilespmem:s1+$0x0];
	_ =	sdelay $0x1  }
0x3ed: {  	v7 =	vmul.f32 v7, v2;
	v9 =	vmul.f32 v6, v2  }
0x3ee: {  	v8 =	vmul.f32 v8, v2;
	v6 =	vmul.f32 v10, v2  }
0x3ef: {  	[tilespmem:s18+$0x30] =	vst v9  }
0x3f0: {  	[tilespmem:s18+$0xFFFFFFC0] =	vst v7  }
0x3f1: {  	v1 =	vmul.f32 v1, v2;
	[tilespmem:s18+$0x10] =	vst v8  }
0x3f2: {  	v3 =	vmul.f32 v3, v2;
	[tilespmem:s18+$0xFFFFFFE0] =	vst v6  }
0x3f3: {  	v5 =	vmul.f32 v5, v2;
	[tilespmem:s18+$0xFFFFFFF0] =	vst v1  }
0x3f4: {  	v1 =	vmul.f32 v4, v2;
	[tilespmem:s18+$0x20] =	vst v3  }
0x3f5: {  	s1 =	rddreg [dreg:$0x2];
	s6 =	simm.s32 $0x40;
	s17 =	sadd.s32 $0x1, s17;
	[tilespmem:s18+$0x0] =	vst v5  }
0x3f6: {  	s19 =	simm.s32 $0x4800;
	p1 =	sne.s32 s17, $0xA;
	[tilespmem:s18+$0xFFFFFFD0] =	vst v1;
	s18 =	simm.s32 $0xB300  }
0x3f7: {  	[spmem:s1] =	stream.indirect.scatter.add.f32 [tilespmem:s19], [sflag:$0x1], $0x80, s18, s6, $0xb8;
	[tilespmem:$0x1F880] =	vst v63  }
.Ltmp11:
0x3f8: {  	_ = 	snop;
	(pc) =	sbr.rel @p1 .LBB2_16-.Ltmp11, $4  }
.Ltmp12:
0x3f9: {  	_ = 	snop;
	(pc) =	sbr.rel @!p1 .LBB2_19-.Ltmp12, $4  }
0x3fa: {  	_ =	swait.ge [sflag:s29], $0x2000  }
0x3fb: {  	[sflag:s29] =	ssyncset.done $0x0  }
0x3fc: {  	s7 =	sadd.s32 $0x40, s7;
	[sflag:s29] =	ssyncadd.s32 $0xFFFFE000  }
0x3fd: {  	_ = 	snop  }
.LBB2_20:
0x3fe: {  	_ =	sfence.sel $0x180000  }
0x3ff: {  	[bflag:$0x0] =	sbarrier.arrive $0xFFFF  }
0x400: {  	_ =	strace $0x90000047  }
0x401: {  	s0 =	stileid.u32;
	[bflag:$0x2] =	sbarrier.arrive $0xFFFF  }
0x402: {  	p0 =	sne.s32 s0, $0x0;
	s0 =	rddreg [dreg:$0x5]  }
0x403: {  	s0 =	sadd.s32 @!p0 $0x100000, s0  }
0x404: {  	[sflag:s0] =	ssyncadd.tile.s32 @!p0 $0x1;
	_ =	shalt  }
.Lfunc_end2:
_tile_overlayer_lowered:
.L_overlay_start_2:
0x405: {  	(tag) =	ssettag $0x2  }
0x406: {  	s0 =	rddreg [dreg:$0x0];
	s2 =	stileid.u32  }
0x407: {  	s1 =	rddreg [dreg:$0x1];
	p0 =	sne.s32 s2, $0x0  }
0x408: {  	s3 =	rddreg [dreg:$0x2];
	[bflag:$0x3] =	sbarrier.arrive $0xFFFF;
	s2 =	simm.s32 @!p0 $0x1C01  }
0x409: {  	[timem:s3], [sflag:s2] =	dma.local @!p0 [hbm:s0], s1  }
0x40a: {  	s0 =	simm.s32 @!p0 $0x1  }
0x40b: {  	_ =	swait.ge @!p0 [sflag:s0], s1  }
0x40c: {  	s1 =	ssub.s32 @!p0 $0x0, s1;
	[sflag:s0] =	ssyncset.done @!p0 $0x0  }
0x40d: {  	[sflag:s0] =	ssyncadd.s32 @!p0 s1  }
0x40e: {  	[bflag:$0x3] =	sbarrier.arrive $0xFFFF  }
0x40f: {  	_ =	shalt  }

</sc_bundles>
